<compile_context>
chip_gen: v7x
topology: tpu7x:2x2x1
jax: 0.10.2.dev20260603
libtpu: 0.0.44.dev20260713+nightly
codegen_flags: <defaults>
</compile_context>

<pallas_src>
import functools

import jax
import jax.numpy as jnp
from jax import lax
from jax.experimental import pallas as pl
from jax.experimental.pallas import tpu as pltpu
from jax.experimental.pallas import tpu_sc as plsc

N = 10000
E = 320000
D_IN = 128
H = 48
G = 64
OUT = 1

NC = 2
NS = 16
NW = NC * NS
EPW = E // NW
K = 80
C = EPW // K
ROWS_PT = N // NS

_MESH = plsc.VectorSubcoreMesh(
    core_axis_name="c", subcore_axis_name="s", num_cores=NC, num_subcores=NS
)

_SC_PARAMS = pltpu.CompilerParams(use_tc_tiling_on_sc=False)


@functools.partial(
    pl.kernel,
    out_type=jax.ShapeDtypeStruct((NC, N), jnp.float32),
    mesh=_MESH,
    compiler_params=_SC_PARAMS,
    scratch_types=[
        pltpu.VMEM((C, K), jnp.int32),
        pltpu.VMEM((K,), jnp.float32),
        pltpu.VMEM_SHARED((N,), jnp.float32),
        pltpu.SemaphoreType.DMA,
    ],
)
def _sc_degree(ei_hbm, zeros_hbm, out_hbm, dst_v, ones_v, deg_sh, ssem):
    cid = lax.axis_index("c")
    sid = lax.axis_index("s")
    wid = sid * NC + cid
    pltpu.sync_copy(ei_hbm.at[1, wid], dst_v)
    for i in range(K // 16):
        ones_v[pl.ds(i * 16, 16)] = jnp.ones((16,), jnp.float32)

    @pl.when(sid < 10)
    def _():
        pltpu.sync_copy(
            zeros_hbm.at[pl.ds(sid * 1000, 1000)],
            deg_sh.at[pl.ds(sid * 1000, 1000)],
        )

    plsc.subcore_barrier()

    def body(o, carry):
        base = 8 * o
        for t in range(8):
            pltpu.async_copy(ones_v, deg_sh.at[dst_v.at[base + t]], ssem,
                             add=True)
        for t in range(8):
            pltpu.make_async_copy(ones_v, deg_sh.at[dst_v.at[base + t]],
                                  ssem).wait()
        return carry

    lax.fori_loop(0, C // 8, body, 0)
    for t in range(C - (C // 8) * 8):
        pltpu.async_copy(ones_v, deg_sh.at[dst_v.at[(C // 8) * 8 + t]], ssem,
                         add=True)
    for t in range(C - (C // 8) * 8):
        pltpu.make_async_copy(ones_v, deg_sh.at[dst_v.at[(C // 8) * 8 + t]],
                              ssem).wait()
    plsc.subcore_barrier()

    @pl.when(sid < 10)
    def _():
        pltpu.sync_copy(
            deg_sh.at[pl.ds(sid * 1000, 1000)],
            out_hbm.at[cid, pl.ds(sid * 1000, 1000)],
        )


NBUF = 8
PRE = 5


@functools.partial(
    pl.kernel,
    out_type=jax.ShapeDtypeStruct((NC, N, H), jnp.float32),
    mesh=_MESH,
    compiler_params=_SC_PARAMS,
    scratch_types=[
        pltpu.VMEM((2, C, K), jnp.int32),
        pltpu.VMEM((NBUF, K, H), jnp.float32),
        pltpu.VMEM_SHARED((N, H), jnp.float32),
        pltpu.SemaphoreType.DMA((NBUF,)),
        pltpu.SemaphoreType.DMA((NBUF,)),
        pltpu.SemaphoreType.DMA,
    ],
)
def _sc_conv(ei_hbm, u_hbm, out_hbm, idx_v, buf, s_sh, gsem, ssem, isem):
    cid = lax.axis_index("c")
    sid = lax.axis_index("s")
    wid = sid * NC + cid
    pltpu.async_copy(ei_hbm.at[0, wid], idx_v.at[0], isem)
    pltpu.async_copy(ei_hbm.at[1, wid], idx_v.at[1], isem)
    rows = pl.ds(sid * ROWS_PT, ROWS_PT)

    pltpu.sync_copy(u_hbm.at[rows], s_sh.at[rows])
    pltpu.make_async_copy(ei_hbm.at[0, wid], idx_v.at[0], isem).wait()
    pltpu.make_async_copy(ei_hbm.at[1, wid], idx_v.at[1], isem).wait()
    plsc.subcore_barrier()

    def fire_gather(j, b):
        pltpu.async_copy(u_hbm.at[idx_v.at[0, j]], buf.at[b], gsem.at[b])

    def fire_scatter(i, b):
        pltpu.async_copy(buf.at[b], s_sh.at[idx_v.at[1, i]], ssem.at[b],
                         add=True)

    def wait_scatter(i, b):
        pltpu.make_async_copy(buf.at[b], s_sh.at[idx_v.at[1, i]],
                              ssem.at[b]).wait()

    for j in range(PRE):
        fire_gather(j, j)

    def body(i, carry):
        j = i + PRE
        b = lax.rem(i, NBUF)
        bj = lax.rem(j, NBUF)

        @pl.when(j < C)
        def _():
            @pl.when(j >= NBUF)
            def _():
                wait_scatter(j - NBUF, bj)
            fire_gather(j, bj)

        pltpu.make_async_copy(u_hbm.at[idx_v.at[0, i]],
                              buf.at[b], gsem.at[b]).wait()
        fire_scatter(i, b)
        return carry

    lax.fori_loop(0, C, body, 0)
    for t in range(NBUF):
        i = C - NBUF + t
        wait_scatter(i, i % NBUF)

    plsc.subcore_barrier()
    pltpu.sync_copy(s_sh.at[rows], out_hbm.at[cid, rows])


_INV48 = 1.0 / 48.0


def _row_sum48(a):
    s = a[:, 0:8]
    for k in range(1, 6):
        s = s + a[:, 8 * k:8 * k + 8]
    s = s[:, 0:4] + s[:, 4:8]
    s = s[:, 0:2] + s[:, 2:4]
    return s[:, 0:1] + s[:, 1:2]


def _tc_encoder_body(x_ref, we_ref, be_ref, lg_ref, lb_ref, wc1_ref,
                     d0_ref, d1_ref, u1_ref, dis_ref):
    h = jnp.maximum(x_ref[...] @ we_ref[...] + be_ref[...], 0.0)
    m = _row_sum48(h) * _INV48
    hc = h - m
    v = _row_sum48(hc * hc) * _INV48
    h = hc / jnp.sqrt(v + 1e-5) * lg_ref[...] + lb_ref[...]
    deg = d0_ref[...] + d1_ref[...] + 1.0
    dis = lax.rsqrt(deg)
    dis_ref[...] = dis
    u1_ref[...] = (h @ wc1_ref[...]) * dis


def _encode(x, W_enc, b_enc, ln_g, ln_b, W_c1, deg0, deg1):
    NB = 1000
    return pl.pallas_call(
        _tc_encoder_body,
        grid=(N // NB,),
        in_specs=[
            pl.BlockSpec((NB, D_IN), lambda i: (i, 0)),
            pl.BlockSpec((D_IN, H), lambda i: (0, 0)),
            pl.BlockSpec((H,), lambda i: (0,)),
            pl.BlockSpec((H,), lambda i: (0,)),
            pl.BlockSpec((H,), lambda i: (0,)),
            pl.BlockSpec((H, H), lambda i: (0, 0)),
            pl.BlockSpec((NB, 1), lambda i: (i, 0)),
            pl.BlockSpec((NB, 1), lambda i: (i, 0)),
        ],
        out_specs=(pl.BlockSpec((NB, H), lambda i: (i, 0)),
                   pl.BlockSpec((NB, 1), lambda i: (i, 0))),
        out_shape=(jax.ShapeDtypeStruct((N, H), jnp.float32),
                   jax.ShapeDtypeStruct((N, 1), jnp.float32)),
    )(x, W_enc, b_enc, ln_g, ln_b, W_c1, deg0, deg1)


def _tc_mid_body(s_ref, u_ref, dis_ref, bc1_ref, wc2_ref, u2_ref):
    dis = dis_ref[...]
    h1 = jnp.maximum((s_ref[0] + s_ref[1] - u_ref[...]) * dis + bc1_ref[...],
                     0.0)
    u2_ref[...] = (h1 @ wc2_ref[...]) * dis


def _tc_final_body(s_ref, u_ref, dis_ref, bc2_ref, batch_ref,
                   w1_ref, b1_ref, w2_ref, b2_ref, out_ref):
    dis = dis_ref[...]
    h2 = jnp.maximum((s_ref[0] + s_ref[1] - u_ref[...]) * dis + bc2_ref[...],
                     0.0)
    b = batch_ref[...]
    gids = lax.broadcasted_iota(jnp.int32, (G, N), 0)
    m = (gids == b[None, :]).astype(jnp.float32)
    sums = jnp.dot(m, h2, preferred_element_type=jnp.float32)
    cnt = jnp.sum(m, axis=1, keepdims=True)
    pooled = sums / jnp.maximum(cnt, 1.0)
    hm = jnp.maximum(jnp.dot(pooled, w1_ref[...],
                             preferred_element_type=jnp.float32) + b1_ref[...],
                     0.0)
    out_ref[...] = jnp.dot(hm, w2_ref[...],
                           preferred_element_type=jnp.float32) + b2_ref[...]


def kernel(x, edge_index, batch, W_enc, b_enc, ln_g, ln_b,
           W_c1, b_c1, W_c2, b_c2, W1, b1, W2, b2):
    ei4 = edge_index.reshape(2, NW, C, K)
    zeros1 = jnp.zeros((N,), jnp.float32)

    degp = _sc_degree(ei4, zeros1)
    deg0 = degp[0].reshape(N, 1)
    deg1 = degp[1].reshape(N, 1)

    u1, dis = _encode(x, W_enc, b_enc, ln_g, ln_b, W_c1, deg0, deg1)

    S1 = _sc_conv(ei4, u1)

    u2 = pl.pallas_call(
        _tc_mid_body,
        out_shape=jax.ShapeDtypeStruct((N, H), jnp.float32),
    )(S1, u1, dis, b_c1, W_c2)

    S2 = _sc_conv(ei4, u2)

    out = pl.pallas_call(
        _tc_final_body,
        out_shape=jax.ShapeDtypeStruct((G, OUT), jnp.float32),
    )(S2, u2, dis, b_c2, batch, W1, b1, W2, b2)
    return out

# --- scband reference (transcript-rebuilt; emitter-appended) ---
"""Pipeline reference for scband-gnnmodel-50276887167459 (READ-ONLY COPY).

The authoritative reference and input builder live on the scoring server;
editing this copy changes nothing except your own understanding.
"""

import jax, jax.numpy as jnp
import numpy as np

N = 10000
E = 320000
D_IN = 128
H = 48
G = 64
OUT = 1


def setup_inputs(seed: int = 0) -> dict:
    key = jax.random.key(seed)
    ks = jax.random.split(key, 16)
    x = jax.random.normal(ks[0], (N, D_IN), dtype=jnp.float32)
    edge_index = jax.random.randint(ks[1], (2, E), 0, N, dtype=jnp.int32)
    batch = jnp.sort(jax.random.randint(ks[2], (N,), 0, G, dtype=jnp.int32))
    s_in = 1.0 / np.sqrt(D_IN)
    s_h = 1.0 / np.sqrt(H)
    W_enc = jax.random.normal(ks[3], (D_IN, H), dtype=jnp.float32) * s_in
    b_enc = jnp.zeros((H,), dtype=jnp.float32)
    ln_g = jnp.ones((H,), dtype=jnp.float32)
    ln_b = jnp.zeros((H,), dtype=jnp.float32)
    W_c1 = jax.random.normal(ks[4], (H, H), dtype=jnp.float32) * s_h
    b_c1 = jnp.zeros((H,), dtype=jnp.float32)
    W_c2 = jax.random.normal(ks[5], (H, H), dtype=jnp.float32) * s_h
    b_c2 = jnp.zeros((H,), dtype=jnp.float32)
    W1 = jax.random.normal(ks[6], (H, H), dtype=jnp.float32)
    b1 = jax.random.normal(ks[7], (H,), dtype=jnp.float32)
    W2 = jax.random.normal(ks[8], (H, OUT), dtype=jnp.float32)
    b2 = jax.random.normal(ks[9], (OUT,), dtype=jnp.float32)
    return {"x": x, "edge_index": edge_index, "batch": batch,
            "W_enc": W_enc, "b_enc": b_enc, "ln_g": ln_g, "ln_b": ln_b,
            "W_c1": W_c1, "b_c1": b_c1, "W_c2": W_c2, "b_c2": b_c2,
            "W1": W1, "b1": b1, "W2": W2, "b2": b2}


def _layernorm(h, g, b, eps=1e-5):
    m = jnp.mean(h, axis=-1, keepdims=True)
    v = jnp.var(h, axis=-1, keepdims=True)
    return (h - m) / jnp.sqrt(v + eps) * g + b


def _gcn_conv(h, edge_index, W, b):
    n = h.shape[0]
    src = edge_index[0]
    dst = edge_index[1]
    loop = jnp.arange(n, dtype=src.dtype)
    src2 = jnp.concatenate([src, loop], axis=0)
    dst2 = jnp.concatenate([dst, loop], axis=0)
    deg = jnp.zeros((n,), dtype=h.dtype).at[dst2].add(1.0)
    dis = jnp.where(deg > 0, jax.lax.rsqrt(jnp.maximum(deg, 1e-12)), 0.0)
    norm = dis[src2] * dis[dst2]
    ht = h @ W
    msg = jnp.take(ht, src2, axis=0) * norm[:, None]
    agg = jnp.zeros((n, W.shape[1]), dtype=h.dtype).at[dst2].add(msg)
    return agg + b


def reference(x, edge_index, batch, W_enc, b_enc, ln_g, ln_b,
              W_c1, b_c1, W_c2, b_c2, W1, b1, W2, b2):
    h = jax.nn.relu(x @ W_enc + b_enc)
    h = _layernorm(h, ln_g, ln_b)
    h = jax.nn.relu(_gcn_conv(h, edge_index, W_c1, b_c1))
    # dropout is identity in eval/reference mode
    h = jax.nn.relu(_gcn_conv(h, edge_index, W_c2, b_c2))
    sums = jnp.zeros((G, H), dtype=h.dtype).at[batch].add(h)
    cnt = jnp.zeros((G,), dtype=h.dtype).at[batch].add(1.0)
    pooled = sums / jnp.maximum(cnt, 1.0)[:, None]
    h2 = jax.nn.relu(pooled @ W1 + b1)
    out = h2 @ W2 + b2
    return out

if __name__ == "__main__":
    import jax
    _d = setup_inputs()
    print(jax.jit(kernel)(*tuple(_d.values())))

</pallas_src>

<mosaic_0001>
#map = affine_map<(d0, d1) -> (0, 0, 0, 0)>
#map1 = affine_map<(d0, d1) -> (0)>
#map2 = affine_map<(d0, d1) -> (0, 0)>
module attributes {stable_mosaic.version = 14 : i64} {
  func.func @_sc_degree(%arg0: i32, %arg1: i32, %arg2: memref<2x32x125x80xi32, #tpu.memory_space<hbm>>, %arg3: memref<10000xf32, #tpu.memory_space<hbm>>, %arg4: memref<2x10000xf32, #tpu.memory_space<hbm>>, %arg5: memref<125x80xi32, #tpu.memory_space<vmem>>, %arg6: memref<80xf32, #tpu.memory_space<vmem>>, %arg7: memref<10000xf32, #tpu.memory_space<vmem_shared>>, %arg8: memref<!tpu.dma_semaphore, #tpu.memory_space<semaphore_mem>>) attributes {dimension_semantics = [#tpu.dimension_semantics<core_parallel>, #tpu.dimension_semantics<subcore_parallel>], iteration_bounds = array<i64: 2, 16>, scalar_prefetch = 0 : i64, scratch_operands = 4 : i64, tpu.core_type = #tpu.core_type<sc_vector_subcore>, window_params = [{transform_indices = #map}, {transform_indices = #map1}, {transform_indices = #map2}]} {
    %mul3A = arith.constant 2 : i32
    %mul3A_0 = arith.muli %arg1, %mul3A : i32
    %add3A = arith.addi %mul3A_0, %arg0 : i32
    %run_scoped3A = arith.constant 1 : i32
    "tpu.region"() ({
      %run_scoped3A_100 = tpu.sem_alloc : memref<!tpu.dma_semaphore, #tpu.memory_space<semaphore_mem>>
      %dma_start3A_101 = arith.constant 0 : i32
      %dma_start3A_102 = arith.constant 0 : i32
      %dma_start3A_103 = tpu.memref_slice %arg2[%run_scoped3A, %add3A, %dma_start3A_101, %dma_start3A_102] : memref<2x32x125x80xi32, #tpu.memory_space<hbm>> -> memref<1x1x125x80xi32, #tpu.memory_space<hbm>>
      %dma_start3A_104 = tpu.memref_squeeze %dma_start3A_103 : memref<1x1x125x80xi32, #tpu.memory_space<hbm>> -> memref<125x80xi32, #tpu.memory_space<hbm>>
      %dma_start3A_105 = arith.constant 0 : i32
      %dma_start3A_106 = arith.constant 0 : i32
      %dma_start3A_107 = tpu.memref_slice %arg2[%run_scoped3A, %add3A, %dma_start3A_105, %dma_start3A_106] : memref<2x32x125x80xi32, #tpu.memory_space<hbm>> -> memref<1x1x125x80xi32, #tpu.memory_space<hbm>>
      %dma_start3A_108 = tpu.memref_squeeze %dma_start3A_107 : memref<1x1x125x80xi32, #tpu.memory_space<hbm>> -> memref<125x80xi32, #tpu.memory_space<hbm>>
      tpu.enqueue_dma source(%dma_start3A_108 : memref<125x80xi32, #tpu.memory_space<hbm>>) target(%arg5 : memref<125x80xi32, #tpu.memory_space<vmem>>) target_semaphore(%run_scoped3A_100 : memref<!tpu.dma_semaphore, #tpu.memory_space<semaphore_mem>>)
      %dma_wait3A_109 = arith.constant 0 : i32
      %dma_wait3A_110 = arith.constant 0 : i32
      %dma_wait3A_111 = tpu.memref_slice %arg2[%run_scoped3A, %add3A, %dma_wait3A_109, %dma_wait3A_110] : memref<2x32x125x80xi32, #tpu.memory_space<hbm>> -> memref<1x1x125x80xi32, #tpu.memory_space<hbm>>
      %dma_wait3A_112 = tpu.memref_squeeze %dma_wait3A_111 : memref<1x1x125x80xi32, #tpu.memory_space<hbm>> -> memref<125x80xi32, #tpu.memory_space<hbm>>
      %dma_wait3A_113 = arith.constant 0 : i32
      %dma_wait3A_114 = arith.constant 0 : i32
      %dma_wait3A_115 = tpu.memref_slice %arg2[%run_scoped3A, %add3A, %dma_wait3A_113, %dma_wait3A_114] : memref<2x32x125x80xi32, #tpu.memory_space<hbm>> -> memref<1x1x125x80xi32, #tpu.memory_space<hbm>>
      %dma_wait3A_116 = tpu.memref_squeeze %dma_wait3A_115 : memref<1x1x125x80xi32, #tpu.memory_space<hbm>> -> memref<125x80xi32, #tpu.memory_space<hbm>>
      tpu.wait_dma2 semaphore(%run_scoped3A_100 : memref<!tpu.dma_semaphore, #tpu.memory_space<semaphore_mem>>) src(%dma_wait3A_116 : memref<125x80xi32, #tpu.memory_space<hbm>>) dst(%arg5 : memref<125x80xi32, #tpu.memory_space<vmem>>)
      tpu.yield
    }) : () -> ()
    %broadcast_in_dim3A = arith.constant 1.000000e+00 : f32
    %broadcast_in_dim3A_1 = vector.broadcast %broadcast_in_dim3A : f32 to vector<16xf32>
    %swap3A = arith.constant 0 : index
    %swap3A_2 = tpu.vector_load %arg6[%swap3A] {strides = array<i32>} : memref<80xf32, #tpu.memory_space<vmem>>, vector<16xf32>,
    %swap3A_3 = vector.shape_cast %swap3A_2 : vector<16xf32> to vector<16xf32>
    %swap3A_4 = vector.shape_cast %broadcast_in_dim3A_1 : vector<16xf32> to vector<16xf32>
    tpu.vector_store %arg6[%swap3A], %swap3A_4 {strides = array<i32>} : memref<80xf32, #tpu.memory_space<vmem>>, vector<16xf32>,
    %broadcast_in_dim3A_5 = arith.constant 1.000000e+00 : f32
    %broadcast_in_dim3A_6 = vector.broadcast %broadcast_in_dim3A_5 : f32 to vector<16xf32>
    %swap3A_7 = arith.constant 16 : index
    %swap3A_8 = tpu.vector_load %arg6[%swap3A_7] {strides = array<i32>} : memref<80xf32, #tpu.memory_space<vmem>>, vector<16xf32>,
    %swap3A_9 = vector.shape_cast %swap3A_8 : vector<16xf32> to vector<16xf32>
    %swap3A_10 = vector.shape_cast %broadcast_in_dim3A_6 : vector<16xf32> to vector<16xf32>
    tpu.vector_store %arg6[%swap3A_7], %swap3A_10 {strides = array<i32>} : memref<80xf32, #tpu.memory_space<vmem>>, vector<16xf32>,
    %broadcast_in_dim3A_11 = arith.constant 1.000000e+00 : f32
    %broadcast_in_dim3A_12 = vector.broadcast %broadcast_in_dim3A_11 : f32 to vector<16xf32>
    %swap3A_13 = arith.constant 32 : index
    %swap3A_14 = tpu.vector_load %arg6[%swap3A_13] {strides = array<i32>} : memref<80xf32, #tpu.memory_space<vmem>>, vector<16xf32>,
    %swap3A_15 = vector.shape_cast %swap3A_14 : vector<16xf32> to vector<16xf32>
    %swap3A_16 = vector.shape_cast %broadcast_in_dim3A_12 : vector<16xf32> to vector<16xf32>
    tpu.vector_store %arg6[%swap3A_13], %swap3A_16 {strides = array<i32>} : memref<80xf32, #tpu.memory_space<vmem>>, vector<16xf32>,
    %broadcast_in_dim3A_17 = arith.constant 1.000000e+00 : f32
    %broadcast_in_dim3A_18 = vector.broadcast %broadcast_in_dim3A_17 : f32 to vector<16xf32>
    %swap3A_19 = arith.constant 48 : index
    %swap3A_20 = tpu.vector_load %arg6[%swap3A_19] {strides = array<i32>} : memref<80xf32, #tpu.memory_space<vmem>>, vector<16xf32>,
    %swap3A_21 = vector.shape_cast %swap3A_20 : vector<16xf32> to vector<16xf32>
    %swap3A_22 = vector.shape_cast %broadcast_in_dim3A_18 : vector<16xf32> to vector<16xf32>
    tpu.vector_store %arg6[%swap3A_19], %swap3A_22 {strides = array<i32>} : memref<80xf32, #tpu.memory_space<vmem>>, vector<16xf32>,
    %broadcast_in_dim3A_23 = arith.constant 1.000000e+00 : f32
    %broadcast_in_dim3A_24 = vector.broadcast %broadcast_in_dim3A_23 : f32 to vector<16xf32>
    %swap3A_25 = arith.constant 64 : index
    %swap3A_26 = tpu.vector_load %arg6[%swap3A_25] {strides = array<i32>} : memref<80xf32, #tpu.memory_space<vmem>>, vector<16xf32>,
    %swap3A_27 = vector.shape_cast %swap3A_26 : vector<16xf32> to vector<16xf32>
    %swap3A_28 = vector.shape_cast %broadcast_in_dim3A_24 : vector<16xf32> to vector<16xf32>
    tpu.vector_store %arg6[%swap3A_25], %swap3A_28 {strides = array<i32>} : memref<80xf32, #tpu.memory_space<vmem>>, vector<16xf32>,
    %lt3A = arith.constant 10 : i32
    %lt3A_29 = arith.cmpi slt, %arg1, %lt3A : i32
    %convert_element_type3A = arith.extui %lt3A_29 : i1 to i32
    %cond3A = arith.constant 0 : i32
    %cond3A_30 = arith.cmpi ne, %convert_element_type3A, %cond3A : i32
    scf.if %cond3A_30 {
      %mul3A_100 = arith.constant 1000 : i32
      %mul3A_101 = arith.muli %arg1, %mul3A_100 : i32
      %mul3A_102 = arith.constant 1000 : i32
      %mul3A_103 = arith.muli %arg1, %mul3A_102 : i32
      "tpu.region"() ({
        %run_scoped3A_104 = tpu.sem_alloc : memref<!tpu.dma_semaphore, #tpu.memory_space<semaphore_mem>>
        %dma_start3A_105 = tpu.memref_slice %arg7[%mul3A_103] : memref<10000xf32, #tpu.memory_space<vmem_shared>> -> memref<1000xf32, #tpu.memory_space<vmem_shared>>
        %dma_start3A_106 = tpu.memref_slice %arg3[%mul3A_101] : memref<10000xf32, #tpu.memory_space<hbm>> -> memref<1000xf32, #tpu.memory_space<hbm>>
        tpu.enqueue_dma source(%dma_start3A_106 : memref<1000xf32, #tpu.memory_space<hbm>>) target(%dma_start3A_105 : memref<1000xf32, #tpu.memory_space<vmem_shared>>) target_semaphore(%run_scoped3A_104 : memref<!tpu.dma_semaphore, #tpu.memory_space<semaphore_mem>>)
        %dma_wait3A_107 = tpu.memref_slice %arg7[%mul3A_103] : memref<10000xf32, #tpu.memory_space<vmem_shared>> -> memref<1000xf32, #tpu.memory_space<vmem_shared>>
        %dma_wait3A_108 = tpu.memref_slice %arg3[%mul3A_101] : memref<10000xf32, #tpu.memory_space<hbm>> -> memref<1000xf32, #tpu.memory_space<hbm>>
        tpu.wait_dma2 semaphore(%run_scoped3A_104 : memref<!tpu.dma_semaphore, #tpu.memory_space<semaphore_mem>>) src(%dma_wait3A_108 : memref<1000xf32, #tpu.memory_space<hbm>>) dst(%dma_wait3A_107 : memref<1000xf32, #tpu.memory_space<vmem_shared>>)
        tpu.yield
      }) : () -> ()
    } else {
    }
    %barrier3A = arith.constant 0 : index
    tpu.barrier barrier_id(%barrier3A)
    %scan3A = arith.constant 0 : i32
    %scan3A_31 = arith.constant 0 : i32
    %scan3A_32 = arith.constant 15 : i32
    %scan3A_33 = arith.addi %scan3A_31, %scan3A_32 : i32
    %scan3A_34 = arith.constant 1 : i32
    scf.for %scan3A_100 = %scan3A_31 to %scan3A_33 step %scan3A_34  : i32 {
      %mul3A_101 = arith.constant 8 : i32
      %mul3A_102 = arith.muli %mul3A_101, %scan3A_100 : i32
      %add3A_103 = arith.constant 0 : i32
      %add3A_104 = arith.addi %mul3A_102, %add3A_103 : i32
      %dma_start3A_105 = arith.constant 0 : i32
      %dma_start3A_106 = tpu.memref_slice %arg5[%add3A_104, %dma_start3A_105] : memref<125x80xi32, #tpu.memory_space<vmem>> -> memref<1x80xi32, #tpu.memory_space<vmem>>
      %dma_start3A_107 = tpu.memref_squeeze %dma_start3A_106 : memref<1x80xi32, #tpu.memory_space<vmem>> -> memref<80xi32, #tpu.memory_space<vmem>>
      %dma_start3A_108 = arith.constant 0 : i32
      %dma_start3A_109 = tpu.memref_slice %arg7[%dma_start3A_108] : memref<10000xf32, #tpu.memory_space<vmem_shared>> -> memref<10000xf32, #tpu.memory_space<vmem_shared>>
      tpu.enqueue_indirect_dma source(%arg6 : memref<80xf32, #tpu.memory_space<vmem>>) target(%dma_start3A_109 : memref<10000xf32, #tpu.memory_space<vmem_shared>>) offsets(%dma_start3A_107 : memref<80xi32, #tpu.memory_space<vmem>>) semaphore(%arg8 : memref<!tpu.dma_semaphore, #tpu.memory_space<semaphore_mem>>) {add = true}
      %add3A_110 = arith.constant 1 : i32
      %add3A_111 = arith.addi %mul3A_102, %add3A_110 : i32
      %dma_start3A_112 = arith.constant 0 : i32
      %dma_start3A_113 = tpu.memref_slice %arg5[%add3A_111, %dma_start3A_112] : memref<125x80xi32, #tpu.memory_space<vmem>> -> memref<1x80xi32, #tpu.memory_space<vmem>>
      %dma_start3A_114 = tpu.memref_squeeze %dma_start3A_113 : memref<1x80xi32, #tpu.memory_space<vmem>> -> memref<80xi32, #tpu.memory_space<vmem>>
      %dma_start3A_115 = arith.constant 0 : i32
      %dma_start3A_116 = tpu.memref_slice %arg7[%dma_start3A_115] : memref<10000xf32, #tpu.memory_space<vmem_shared>> -> memref<10000xf32, #tpu.memory_space<vmem_shared>>
      tpu.enqueue_indirect_dma source(%arg6 : memref<80xf32, #tpu.memory_space<vmem>>) target(%dma_start3A_116 : memref<10000xf32, #tpu.memory_space<vmem_shared>>) offsets(%dma_start3A_114 : memref<80xi32, #tpu.memory_space<vmem>>) semaphore(%arg8 : memref<!tpu.dma_semaphore, #tpu.memory_space<semaphore_mem>>) {add = true}
      %add3A_117 = arith.constant 2 : i32
      %add3A_118 = arith.addi %mul3A_102, %add3A_117 : i32
      %dma_start3A_119 = arith.constant 0 : i32
      %dma_start3A_120 = tpu.memref_slice %arg5[%add3A_118, %dma_start3A_119] : memref<125x80xi32, #tpu.memory_space<vmem>> -> memref<1x80xi32, #tpu.memory_space<vmem>>
      %dma_start3A_121 = tpu.memref_squeeze %dma_start3A_120 : memref<1x80xi32, #tpu.memory_space<vmem>> -> memref<80xi32, #tpu.memory_space<vmem>>
      %dma_start3A_122 = arith.constant 0 : i32
      %dma_start3A_123 = tpu.memref_slice %arg7[%dma_start3A_122] : memref<10000xf32, #tpu.memory_space<vmem_shared>> -> memref<10000xf32, #tpu.memory_space<vmem_shared>>
      tpu.enqueue_indirect_dma source(%arg6 : memref<80xf32, #tpu.memory_space<vmem>>) target(%dma_start3A_123 : memref<10000xf32, #tpu.memory_space<vmem_shared>>) offsets(%dma_start3A_121 : memref<80xi32, #tpu.memory_space<vmem>>) semaphore(%arg8 : memref<!tpu.dma_semaphore, #tpu.memory_space<semaphore_mem>>) {add = true}
      %add3A_124 = arith.constant 3 : i32
      %add3A_125 = arith.addi %mul3A_102, %add3A_124 : i32
      %dma_start3A_126 = arith.constant 0 : i32
      %dma_start3A_127 = tpu.memref_slice %arg5[%add3A_125, %dma_start3A_126] : memref<125x80xi32, #tpu.memory_space<vmem>> -> memref<1x80xi32, #tpu.memory_space<vmem>>
      %dma_start3A_128 = tpu.memref_squeeze %dma_start3A_127 : memref<1x80xi32, #tpu.memory_space<vmem>> -> memref<80xi32, #tpu.memory_space<vmem>>
      %dma_start3A_129 = arith.constant 0 : i32
      %dma_start3A_130 = tpu.memref_slice %arg7[%dma_start3A_129] : memref<10000xf32, #tpu.memory_space<vmem_shared>> -> memref<10000xf32, #tpu.memory_space<vmem_shared>>
      tpu.enqueue_indirect_dma source(%arg6 : memref<80xf32, #tpu.memory_space<vmem>>) target(%dma_start3A_130 : memref<10000xf32, #tpu.memory_space<vmem_shared>>) offsets(%dma_start3A_128 : memref<80xi32, #tpu.memory_space<vmem>>) semaphore(%arg8 : memref<!tpu.dma_semaphore, #tpu.memory_space<semaphore_mem>>) {add = true}
      %add3A_131 = arith.constant 4 : i32
      %add3A_132 = arith.addi %mul3A_102, %add3A_131 : i32
      %dma_start3A_133 = arith.constant 0 : i32
      %dma_start3A_134 = tpu.memref_slice %arg5[%add3A_132, %dma_start3A_133] : memref<125x80xi32, #tpu.memory_space<vmem>> -> memref<1x80xi32, #tpu.memory_space<vmem>>
      %dma_start3A_135 = tpu.memref_squeeze %dma_start3A_134 : memref<1x80xi32, #tpu.memory_space<vmem>> -> memref<80xi32, #tpu.memory_space<vmem>>
      %dma_start3A_136 = arith.constant 0 : i32
      %dma_start3A_137 = tpu.memref_slice %arg7[%dma_start3A_136] : memref<10000xf32, #tpu.memory_space<vmem_shared>> -> memref<10000xf32, #tpu.memory_space<vmem_shared>>
      tpu.enqueue_indirect_dma source(%arg6 : memref<80xf32, #tpu.memory_space<vmem>>) target(%dma_start3A_137 : memref<10000xf32, #tpu.memory_space<vmem_shared>>) offsets(%dma_start3A_135 : memref<80xi32, #tpu.memory_space<vmem>>) semaphore(%arg8 : memref<!tpu.dma_semaphore, #tpu.memory_space<semaphore_mem>>) {add = true}
      %add3A_138 = arith.constant 5 : i32
      %add3A_139 = arith.addi %mul3A_102, %add3A_138 : i32
      %dma_start3A_140 = arith.constant 0 : i32
      %dma_start3A_141 = tpu.memref_slice %arg5[%add3A_139, %dma_start3A_140] : memref<125x80xi32, #tpu.memory_space<vmem>> -> memref<1x80xi32, #tpu.memory_space<vmem>>
      %dma_start3A_142 = tpu.memref_squeeze %dma_start3A_141 : memref<1x80xi32, #tpu.memory_space<vmem>> -> memref<80xi32, #tpu.memory_space<vmem>>
      %dma_start3A_143 = arith.constant 0 : i32
      %dma_start3A_144 = tpu.memref_slice %arg7[%dma_start3A_143] : memref<10000xf32, #tpu.memory_space<vmem_shared>> -> memref<10000xf32, #tpu.memory_space<vmem_shared>>
      tpu.enqueue_indirect_dma source(%arg6 : memref<80xf32, #tpu.memory_space<vmem>>) target(%dma_start3A_144 : memref<10000xf32, #tpu.memory_space<vmem_shared>>) offsets(%dma_start3A_142 : memref<80xi32, #tpu.memory_space<vmem>>) semaphore(%arg8 : memref<!tpu.dma_semaphore, #tpu.memory_space<semaphore_mem>>) {add = true}
      %add3A_145 = arith.constant 6 : i32
      %add3A_146 = arith.addi %mul3A_102, %add3A_145 : i32
      %dma_start3A_147 = arith.constant 0 : i32
      %dma_start3A_148 = tpu.memref_slice %arg5[%add3A_146, %dma_start3A_147] : memref<125x80xi32, #tpu.memory_space<vmem>> -> memref<1x80xi32, #tpu.memory_space<vmem>>
      %dma_start3A_149 = tpu.memref_squeeze %dma_start3A_148 : memref<1x80xi32, #tpu.memory_space<vmem>> -> memref<80xi32, #tpu.memory_space<vmem>>
      %dma_start3A_150 = arith.constant 0 : i32
      %dma_start3A_151 = tpu.memref_slice %arg7[%dma_start3A_150] : memref<10000xf32, #tpu.memory_space<vmem_shared>> -> memref<10000xf32, #tpu.memory_space<vmem_shared>>
      tpu.enqueue_indirect_dma source(%arg6 : memref<80xf32, #tpu.memory_space<vmem>>) target(%dma_start3A_151 : memref<10000xf32, #tpu.memory_space<vmem_shared>>) offsets(%dma_start3A_149 : memref<80xi32, #tpu.memory_space<vmem>>) semaphore(%arg8 : memref<!tpu.dma_semaphore, #tpu.memory_space<semaphore_mem>>) {add = true}
      %add3A_152 = arith.constant 7 : i32
      %add3A_153 = arith.addi %mul3A_102, %add3A_152 : i32
      %dma_start3A_154 = arith.constant 0 : i32
      %dma_start3A_155 = tpu.memref_slice %arg5[%add3A_153, %dma_start3A_154] : memref<125x80xi32, #tpu.memory_space<vmem>> -> memref<1x80xi32, #tpu.memory_space<vmem>>
      %dma_start3A_156 = tpu.memref_squeeze %dma_start3A_155 : memref<1x80xi32, #tpu.memory_space<vmem>> -> memref<80xi32, #tpu.memory_space<vmem>>
      %dma_start3A_157 = arith.constant 0 : i32
      %dma_start3A_158 = tpu.memref_slice %arg7[%dma_start3A_157] : memref<10000xf32, #tpu.memory_space<vmem_shared>> -> memref<10000xf32, #tpu.memory_space<vmem_shared>>
      tpu.enqueue_indirect_dma source(%arg6 : memref<80xf32, #tpu.memory_space<vmem>>) target(%dma_start3A_158 : memref<10000xf32, #tpu.memory_space<vmem_shared>>) offsets(%dma_start3A_156 : memref<80xi32, #tpu.memory_space<vmem>>) semaphore(%arg8 : memref<!tpu.dma_semaphore, #tpu.memory_space<semaphore_mem>>) {add = true}
      %add3A_159 = arith.constant 0 : i32
      %add3A_160 = arith.addi %mul3A_102, %add3A_159 : i32
      %dma_wait3A_161 = arith.constant 0 : i32
      %dma_wait3A_162 = tpu.memref_slice %arg5[%add3A_160, %dma_wait3A_161] : memref<125x80xi32, #tpu.memory_space<vmem>> -> memref<1x80xi32, #tpu.memory_space<vmem>>
      %dma_wait3A_163 = tpu.memref_squeeze %dma_wait3A_162 : memref<1x80xi32, #tpu.memory_space<vmem>> -> memref<80xi32, #tpu.memory_space<vmem>>
      %dma_wait3A_164 = arith.constant 0 : i32
      %dma_wait3A_165 = tpu.memref_slice %arg7[%dma_wait3A_164] : memref<10000xf32, #tpu.memory_space<vmem_shared>> -> memref<10000xf32, #tpu.memory_space<vmem_shared>>
      tpu.wait_indirect_dma semaphore(%arg8 : memref<!tpu.dma_semaphore, #tpu.memory_space<semaphore_mem>>) src(%arg6 : memref<80xf32, #tpu.memory_space<vmem>>) dst(%dma_wait3A_165 : memref<10000xf32, #tpu.memory_space<vmem_shared>>)
      %add3A_166 = arith.constant 1 : i32
      %add3A_167 = arith.addi %mul3A_102, %add3A_166 : i32
      %dma_wait3A_168 = arith.constant 0 : i32
      %dma_wait3A_169 = tpu.memref_slice %arg5[%add3A_167, %dma_wait3A_168] : memref<125x80xi32, #tpu.memory_space<vmem>> -> memref<1x80xi32, #tpu.memory_space<vmem>>
      %dma_wait3A_170 = tpu.memref_squeeze %dma_wait3A_169 : memref<1x80xi32, #tpu.memory_space<vmem>> -> memref<80xi32, #tpu.memory_space<vmem>>
      %dma_wait3A_171 = arith.constant 0 : i32
      %dma_wait3A_172 = tpu.memref_slice %arg7[%dma_wait3A_171] : memref<10000xf32, #tpu.memory_space<vmem_shared>> -> memref<10000xf32, #tpu.memory_space<vmem_shared>>
      tpu.wait_indirect_dma semaphore(%arg8 : memref<!tpu.dma_semaphore, #tpu.memory_space<semaphore_mem>>) src(%arg6 : memref<80xf32, #tpu.memory_space<vmem>>) dst(%dma_wait3A_172 : memref<10000xf32, #tpu.memory_space<vmem_shared>>)
      %add3A_173 = arith.constant 2 : i32
      %add3A_174 = arith.addi %mul3A_102, %add3A_173 : i32
      %dma_wait3A_175 = arith.constant 0 : i32
      %dma_wait3A_176 = tpu.memref_slice %arg5[%add3A_174, %dma_wait3A_175] : memref<125x80xi32, #tpu.memory_space<vmem>> -> memref<1x80xi32, #tpu.memory_space<vmem>>
      %dma_wait3A_177 = tpu.memref_squeeze %dma_wait3A_176 : memref<1x80xi32, #tpu.memory_space<vmem>> -> memref<80xi32, #tpu.memory_space<vmem>>
      %dma_wait3A_178 = arith.constant 0 : i32
      %dma_wait3A_179 = tpu.memref_slice %arg7[%dma_wait3A_178] : memref<10000xf32, #tpu.memory_space<vmem_shared>> -> memref<10000xf32, #tpu.memory_space<vmem_shared>>
      tpu.wait_indirect_dma semaphore(%arg8 : memref<!tpu.dma_semaphore, #tpu.memory_space<semaphore_mem>>) src(%arg6 : memref<80xf32, #tpu.memory_space<vmem>>) dst(%dma_wait3A_179 : memref<10000xf32, #tpu.memory_space<vmem_shared>>)
      %add3A_180 = arith.constant 3 : i32
      %add3A_181 = arith.addi %mul3A_102, %add3A_180 : i32
      %dma_wait3A_182 = arith.constant 0 : i32
      %dma_wait3A_183 = tpu.memref_slice %arg5[%add3A_181, %dma_wait3A_182] : memref<125x80xi32, #tpu.memory_space<vmem>> -> memref<1x80xi32, #tpu.memory_space<vmem>>
      %dma_wait3A_184 = tpu.memref_squeeze %dma_wait3A_183 : memref<1x80xi32, #tpu.memory_space<vmem>> -> memref<80xi32, #tpu.memory_space<vmem>>
      %dma_wait3A_185 = arith.constant 0 : i32
      %dma_wait3A_186 = tpu.memref_slice %arg7[%dma_wait3A_185] : memref<10000xf32, #tpu.memory_space<vmem_shared>> -> memref<10000xf32, #tpu.memory_space<vmem_shared>>
      tpu.wait_indirect_dma semaphore(%arg8 : memref<!tpu.dma_semaphore, #tpu.memory_space<semaphore_mem>>) src(%arg6 : memref<80xf32, #tpu.memory_space<vmem>>) dst(%dma_wait3A_186 : memref<10000xf32, #tpu.memory_space<vmem_shared>>)
      %add3A_187 = arith.constant 4 : i32
      %add3A_188 = arith.addi %mul3A_102, %add3A_187 : i32
      %dma_wait3A_189 = arith.constant 0 : i32
      %dma_wait3A_190 = tpu.memref_slice %arg5[%add3A_188, %dma_wait3A_189] : memref<125x80xi32, #tpu.memory_space<vmem>> -> memref<1x80xi32, #tpu.memory_space<vmem>>
      %dma_wait3A_191 = tpu.memref_squeeze %dma_wait3A_190 : memref<1x80xi32, #tpu.memory_space<vmem>> -> memref<80xi32, #tpu.memory_space<vmem>>
      %dma_wait3A_192 = arith.constant 0 : i32
      %dma_wait3A_193 = tpu.memref_slice %arg7[%dma_wait3A_192] : memref<10000xf32, #tpu.memory_space<vmem_shared>> -> memref<10000xf32, #tpu.memory_space<vmem_shared>>
      tpu.wait_indirect_dma semaphore(%arg8 : memref<!tpu.dma_semaphore, #tpu.memory_space<semaphore_mem>>) src(%arg6 : memref<80xf32, #tpu.memory_space<vmem>>) dst(%dma_wait3A_193 : memref<10000xf32, #tpu.memory_space<vmem_shared>>)
      %add3A_194 = arith.constant 5 : i32
      %add3A_195 = arith.addi %mul3A_102, %add3A_194 : i32
      %dma_wait3A_196 = arith.constant 0 : i32
      %dma_wait3A_197 = tpu.memref_slice %arg5[%add3A_195, %dma_wait3A_196] : memref<125x80xi32, #tpu.memory_space<vmem>> -> memref<1x80xi32, #tpu.memory_space<vmem>>
      %dma_wait3A_198 = tpu.memref_squeeze %dma_wait3A_197 : memref<1x80xi32, #tpu.memory_space<vmem>> -> memref<80xi32, #tpu.memory_space<vmem>>
      %dma_wait3A_199 = arith.constant 0 : i32
      %dma_wait3A_200 = tpu.memref_slice %arg7[%dma_wait3A_199] : memref<10000xf32, #tpu.memory_space<vmem_shared>> -> memref<10000xf32, #tpu.memory_space<vmem_shared>>
      tpu.wait_indirect_dma semaphore(%arg8 : memref<!tpu.dma_semaphore, #tpu.memory_space<semaphore_mem>>) src(%arg6 : memref<80xf32, #tpu.memory_space<vmem>>) dst(%dma_wait3A_200 : memref<10000xf32, #tpu.memory_space<vmem_shared>>)
      %add3A_201 = arith.constant 6 : i32
      %add3A_202 = arith.addi %mul3A_102, %add3A_201 : i32
      %dma_wait3A_203 = arith.constant 0 : i32
      %dma_wait3A_204 = tpu.memref_slice %arg5[%add3A_202, %dma_wait3A_203] : memref<125x80xi32, #tpu.memory_space<vmem>> -> memref<1x80xi32, #tpu.memory_space<vmem>>
      %dma_wait3A_205 = tpu.memref_squeeze %dma_wait3A_204 : memref<1x80xi32, #tpu.memory_space<vmem>> -> memref<80xi32, #tpu.memory_space<vmem>>
      %dma_wait3A_206 = arith.constant 0 : i32
      %dma_wait3A_207 = tpu.memref_slice %arg7[%dma_wait3A_206] : memref<10000xf32, #tpu.memory_space<vmem_shared>> -> memref<10000xf32, #tpu.memory_space<vmem_shared>>
      tpu.wait_indirect_dma semaphore(%arg8 : memref<!tpu.dma_semaphore, #tpu.memory_space<semaphore_mem>>) src(%arg6 : memref<80xf32, #tpu.memory_space<vmem>>) dst(%dma_wait3A_207 : memref<10000xf32, #tpu.memory_space<vmem_shared>>)
      %add3A_208 = arith.constant 7 : i32
      %add3A_209 = arith.addi %mul3A_102, %add3A_208 : i32
      %dma_wait3A_210 = arith.constant 0 : i32
      %dma_wait3A_211 = tpu.memref_slice %arg5[%add3A_209, %dma_wait3A_210] : memref<125x80xi32, #tpu.memory_space<vmem>> -> memref<1x80xi32, #tpu.memory_space<vmem>>
      %dma_wait3A_212 = tpu.memref_squeeze %dma_wait3A_211 : memref<1x80xi32, #tpu.memory_space<vmem>> -> memref<80xi32, #tpu.memory_space<vmem>>
      %dma_wait3A_213 = arith.constant 0 : i32
      %dma_wait3A_214 = tpu.memref_slice %arg7[%dma_wait3A_213] : memref<10000xf32, #tpu.memory_space<vmem_shared>> -> memref<10000xf32, #tpu.memory_space<vmem_shared>>
      tpu.wait_indirect_dma semaphore(%arg8 : memref<!tpu.dma_semaphore, #tpu.memory_space<semaphore_mem>>) src(%arg6 : memref<80xf32, #tpu.memory_space<vmem>>) dst(%dma_wait3A_214 : memref<10000xf32, #tpu.memory_space<vmem_shared>>)
    }
    %scan3A_35 = arith.constant 15 : i32
    %dma_start3A = arith.constant 120 : i32
    %dma_start3A_36 = arith.constant 0 : i32
    %dma_start3A_37 = tpu.memref_slice %arg5[%dma_start3A, %dma_start3A_36] : memref<125x80xi32, #tpu.memory_space<vmem>> -> memref<1x80xi32, #tpu.memory_space<vmem>>
    %dma_start3A_38 = tpu.memref_squeeze %dma_start3A_37 : memref<1x80xi32, #tpu.memory_space<vmem>> -> memref<80xi32, #tpu.memory_space<vmem>>
    %dma_start3A_39 = arith.constant 0 : i32
    %dma_start3A_40 = tpu.memref_slice %arg7[%dma_start3A_39] : memref<10000xf32, #tpu.memory_space<vmem_shared>> -> memref<10000xf32, #tpu.memory_space<vmem_shared>>
    tpu.enqueue_indirect_dma source(%arg6 : memref<80xf32, #tpu.memory_space<vmem>>) target(%dma_start3A_40 : memref<10000xf32, #tpu.memory_space<vmem_shared>>) offsets(%dma_start3A_38 : memref<80xi32, #tpu.memory_space<vmem>>) semaphore(%arg8 : memref<!tpu.dma_semaphore, #tpu.memory_space<semaphore_mem>>) {add = true}
    %dma_start3A_41 = arith.constant 121 : i32
    %dma_start3A_42 = arith.constant 0 : i32
    %dma_start3A_43 = tpu.memref_slice %arg5[%dma_start3A_41, %dma_start3A_42] : memref<125x80xi32, #tpu.memory_space<vmem>> -> memref<1x80xi32, #tpu.memory_space<vmem>>
    %dma_start3A_44 = tpu.memref_squeeze %dma_start3A_43 : memref<1x80xi32, #tpu.memory_space<vmem>> -> memref<80xi32, #tpu.memory_space<vmem>>
    %dma_start3A_45 = arith.constant 0 : i32
    %dma_start3A_46 = tpu.memref_slice %arg7[%dma_start3A_45] : memref<10000xf32, #tpu.memory_space<vmem_shared>> -> memref<10000xf32, #tpu.memory_space<vmem_shared>>
    tpu.enqueue_indirect_dma source(%arg6 : memref<80xf32, #tpu.memory_space<vmem>>) target(%dma_start3A_46 : memref<10000xf32, #tpu.memory_space<vmem_shared>>) offsets(%dma_start3A_44 : memref<80xi32, #tpu.memory_space<vmem>>) semaphore(%arg8 : memref<!tpu.dma_semaphore, #tpu.memory_space<semaphore_mem>>) {add = true}
    %dma_start3A_47 = arith.constant 122 : i32
    %dma_start3A_48 = arith.constant 0 : i32
    %dma_start3A_49 = tpu.memref_slice %arg5[%dma_start3A_47, %dma_start3A_48] : memref<125x80xi32, #tpu.memory_space<vmem>> -> memref<1x80xi32, #tpu.memory_space<vmem>>
    %dma_start3A_50 = tpu.memref_squeeze %dma_start3A_49 : memref<1x80xi32, #tpu.memory_space<vmem>> -> memref<80xi32, #tpu.memory_space<vmem>>
    %dma_start3A_51 = arith.constant 0 : i32
    %dma_start3A_52 = tpu.memref_slice %arg7[%dma_start3A_51] : memref<10000xf32, #tpu.memory_space<vmem_shared>> -> memref<10000xf32, #tpu.memory_space<vmem_shared>>
    tpu.enqueue_indirect_dma source(%arg6 : memref<80xf32, #tpu.memory_space<vmem>>) target(%dma_start3A_52 : memref<10000xf32, #tpu.memory_space<vmem_shared>>) offsets(%dma_start3A_50 : memref<80xi32, #tpu.memory_space<vmem>>) semaphore(%arg8 : memref<!tpu.dma_semaphore, #tpu.memory_space<semaphore_mem>>) {add = true}
    %dma_start3A_53 = arith.constant 123 : i32
    %dma_start3A_54 = arith.constant 0 : i32
    %dma_start3A_55 = tpu.memref_slice %arg5[%dma_start3A_53, %dma_start3A_54] : memref<125x80xi32, #tpu.memory_space<vmem>> -> memref<1x80xi32, #tpu.memory_space<vmem>>
    %dma_start3A_56 = tpu.memref_squeeze %dma_start3A_55 : memref<1x80xi32, #tpu.memory_space<vmem>> -> memref<80xi32, #tpu.memory_space<vmem>>
    %dma_start3A_57 = arith.constant 0 : i32
    %dma_start3A_58 = tpu.memref_slice %arg7[%dma_start3A_57] : memref<10000xf32, #tpu.memory_space<vmem_shared>> -> memref<10000xf32, #tpu.memory_space<vmem_shared>>
    tpu.enqueue_indirect_dma source(%arg6 : memref<80xf32, #tpu.memory_space<vmem>>) target(%dma_start3A_58 : memref<10000xf32, #tpu.memory_space<vmem_shared>>) offsets(%dma_start3A_56 : memref<80xi32, #tpu.memory_space<vmem>>) semaphore(%arg8 : memref<!tpu.dma_semaphore, #tpu.memory_space<semaphore_mem>>) {add = true}
    %dma_start3A_59 = arith.constant 124 : i32
    %dma_start3A_60 = arith.constant 0 : i32
    %dma_start3A_61 = tpu.memref_slice %arg5[%dma_start3A_59, %dma_start3A_60] : memref<125x80xi32, #tpu.memory_space<vmem>> -> memref<1x80xi32, #tpu.memory_space<vmem>>
    %dma_start3A_62 = tpu.memref_squeeze %dma_start3A_61 : memref<1x80xi32, #tpu.memory_space<vmem>> -> memref<80xi32, #tpu.memory_space<vmem>>
    %dma_start3A_63 = arith.constant 0 : i32
    %dma_start3A_64 = tpu.memref_slice %arg7[%dma_start3A_63] : memref<10000xf32, #tpu.memory_space<vmem_shared>> -> memref<10000xf32, #tpu.memory_space<vmem_shared>>
    tpu.enqueue_indirect_dma source(%arg6 : memref<80xf32, #tpu.memory_space<vmem>>) target(%dma_start3A_64 : memref<10000xf32, #tpu.memory_space<vmem_shared>>) offsets(%dma_start3A_62 : memref<80xi32, #tpu.memory_space<vmem>>) semaphore(%arg8 : memref<!tpu.dma_semaphore, #tpu.memory_space<semaphore_mem>>) {add = true}
    %dma_wait3A = arith.constant 120 : i32
    %dma_wait3A_65 = arith.constant 0 : i32
    %dma_wait3A_66 = tpu.memref_slice %arg5[%dma_wait3A, %dma_wait3A_65] : memref<125x80xi32, #tpu.memory_space<vmem>> -> memref<1x80xi32, #tpu.memory_space<vmem>>
    %dma_wait3A_67 = tpu.memref_squeeze %dma_wait3A_66 : memref<1x80xi32, #tpu.memory_space<vmem>> -> memref<80xi32, #tpu.memory_space<vmem>>
    %dma_wait3A_68 = arith.constant 0 : i32
    %dma_wait3A_69 = tpu.memref_slice %arg7[%dma_wait3A_68] : memref<10000xf32, #tpu.memory_space<vmem_shared>> -> memref<10000xf32, #tpu.memory_space<vmem_shared>>
    tpu.wait_indirect_dma semaphore(%arg8 : memref<!tpu.dma_semaphore, #tpu.memory_space<semaphore_mem>>) src(%arg6 : memref<80xf32, #tpu.memory_space<vmem>>) dst(%dma_wait3A_69 : memref<10000xf32, #tpu.memory_space<vmem_shared>>)
    %dma_wait3A_70 = arith.constant 121 : i32
    %dma_wait3A_71 = arith.constant 0 : i32
    %dma_wait3A_72 = tpu.memref_slice %arg5[%dma_wait3A_70, %dma_wait3A_71] : memref<125x80xi32, #tpu.memory_space<vmem>> -> memref<1x80xi32, #tpu.memory_space<vmem>>
    %dma_wait3A_73 = tpu.memref_squeeze %dma_wait3A_72 : memref<1x80xi32, #tpu.memory_space<vmem>> -> memref<80xi32, #tpu.memory_space<vmem>>
    %dma_wait3A_74 = arith.constant 0 : i32
    %dma_wait3A_75 = tpu.memref_slice %arg7[%dma_wait3A_74] : memref<10000xf32, #tpu.memory_space<vmem_shared>> -> memref<10000xf32, #tpu.memory_space<vmem_shared>>
    tpu.wait_indirect_dma semaphore(%arg8 : memref<!tpu.dma_semaphore, #tpu.memory_space<semaphore_mem>>) src(%arg6 : memref<80xf32, #tpu.memory_space<vmem>>) dst(%dma_wait3A_75 : memref<10000xf32, #tpu.memory_space<vmem_shared>>)
    %dma_wait3A_76 = arith.constant 122 : i32
    %dma_wait3A_77 = arith.constant 0 : i32
    %dma_wait3A_78 = tpu.memref_slice %arg5[%dma_wait3A_76, %dma_wait3A_77] : memref<125x80xi32, #tpu.memory_space<vmem>> -> memref<1x80xi32, #tpu.memory_space<vmem>>
    %dma_wait3A_79 = tpu.memref_squeeze %dma_wait3A_78 : memref<1x80xi32, #tpu.memory_space<vmem>> -> memref<80xi32, #tpu.memory_space<vmem>>
    %dma_wait3A_80 = arith.constant 0 : i32
    %dma_wait3A_81 = tpu.memref_slice %arg7[%dma_wait3A_80] : memref<10000xf32, #tpu.memory_space<vmem_shared>> -> memref<10000xf32, #tpu.memory_space<vmem_shared>>
    tpu.wait_indirect_dma semaphore(%arg8 : memref<!tpu.dma_semaphore, #tpu.memory_space<semaphore_mem>>) src(%arg6 : memref<80xf32, #tpu.memory_space<vmem>>) dst(%dma_wait3A_81 : memref<10000xf32, #tpu.memory_space<vmem_shared>>)
    %dma_wait3A_82 = arith.constant 123 : i32
    %dma_wait3A_83 = arith.constant 0 : i32
    %dma_wait3A_84 = tpu.memref_slice %arg5[%dma_wait3A_82, %dma_wait3A_83] : memref<125x80xi32, #tpu.memory_space<vmem>> -> memref<1x80xi32, #tpu.memory_space<vmem>>
    %dma_wait3A_85 = tpu.memref_squeeze %dma_wait3A_84 : memref<1x80xi32, #tpu.memory_space<vmem>> -> memref<80xi32, #tpu.memory_space<vmem>>
    %dma_wait3A_86 = arith.constant 0 : i32
    %dma_wait3A_87 = tpu.memref_slice %arg7[%dma_wait3A_86] : memref<10000xf32, #tpu.memory_space<vmem_shared>> -> memref<10000xf32, #tpu.memory_space<vmem_shared>>
    tpu.wait_indirect_dma semaphore(%arg8 : memref<!tpu.dma_semaphore, #tpu.memory_space<semaphore_mem>>) src(%arg6 : memref<80xf32, #tpu.memory_space<vmem>>) dst(%dma_wait3A_87 : memref<10000xf32, #tpu.memory_space<vmem_shared>>)
    %dma_wait3A_88 = arith.constant 124 : i32
    %dma_wait3A_89 = arith.constant 0 : i32
    %dma_wait3A_90 = tpu.memref_slice %arg5[%dma_wait3A_88, %dma_wait3A_89] : memref<125x80xi32, #tpu.memory_space<vmem>> -> memref<1x80xi32, #tpu.memory_space<vmem>>
    %dma_wait3A_91 = tpu.memref_squeeze %dma_wait3A_90 : memref<1x80xi32, #tpu.memory_space<vmem>> -> memref<80xi32, #tpu.memory_space<vmem>>
    %dma_wait3A_92 = arith.constant 0 : i32
    %dma_wait3A_93 = tpu.memref_slice %arg7[%dma_wait3A_92] : memref<10000xf32, #tpu.memory_space<vmem_shared>> -> memref<10000xf32, #tpu.memory_space<vmem_shared>>
    tpu.wait_indirect_dma semaphore(%arg8 : memref<!tpu.dma_semaphore, #tpu.memory_space<semaphore_mem>>) src(%arg6 : memref<80xf32, #tpu.memory_space<vmem>>) dst(%dma_wait3A_93 : memref<10000xf32, #tpu.memory_space<vmem_shared>>)
    %barrier3A_94 = arith.constant 0 : index
    tpu.barrier barrier_id(%barrier3A_94)
    %lt3A_95 = arith.constant 10 : i32
    %lt3A_96 = arith.cmpi slt, %arg1, %lt3A_95 : i32
    %convert_element_type3A_97 = arith.extui %lt3A_96 : i1 to i32
    %cond3A_98 = arith.constant 0 : i32
    %cond3A_99 = arith.cmpi ne, %convert_element_type3A_97, %cond3A_98 : i32
    scf.if %cond3A_99 {
      %mul3A_100 = arith.constant 1000 : i32
      %mul3A_101 = arith.muli %arg1, %mul3A_100 : i32
      %mul3A_102 = arith.constant 1000 : i32
      %mul3A_103 = arith.muli %arg1, %mul3A_102 : i32
      "tpu.region"() ({
        %run_scoped3A_104 = tpu.sem_alloc : memref<!tpu.dma_semaphore, #tpu.memory_space<semaphore_mem>>
        %dma_start3A_105 = tpu.memref_slice %arg4[%arg0, %mul3A_103] : memref<2x10000xf32, #tpu.memory_space<hbm>> -> memref<1x1000xf32, #tpu.memory_space<hbm>>
        %dma_start3A_106 = tpu.memref_squeeze %dma_start3A_105 : memref<1x1000xf32, #tpu.memory_space<hbm>> -> memref<1000xf32, #tpu.memory_space<hbm>>
        %dma_start3A_107 = tpu.memref_slice %arg7[%mul3A_101] : memref<10000xf32, #tpu.memory_space<vmem_shared>> -> memref<1000xf32, #tpu.memory_space<vmem_shared>>
        tpu.enqueue_dma source(%dma_start3A_107 : memref<1000xf32, #tpu.memory_space<vmem_shared>>) target(%dma_start3A_106 : memref<1000xf32, #tpu.memory_space<hbm>>) target_semaphore(%run_scoped3A_104 : memref<!tpu.dma_semaphore, #tpu.memory_space<semaphore_mem>>)
        %dma_wait3A_108 = tpu.memref_slice %arg4[%arg0, %mul3A_103] : memref<2x10000xf32, #tpu.memory_space<hbm>> -> memref<1x1000xf32, #tpu.memory_space<hbm>>
        %dma_wait3A_109 = tpu.memref_squeeze %dma_wait3A_108 : memref<1x1000xf32, #tpu.memory_space<hbm>> -> memref<1000xf32, #tpu.memory_space<hbm>>
        %dma_wait3A_110 = tpu.memref_slice %arg7[%mul3A_101] : memref<10000xf32, #tpu.memory_space<vmem_shared>> -> memref<1000xf32, #tpu.memory_space<vmem_shared>>
        tpu.wait_dma2 semaphore(%run_scoped3A_104 : memref<!tpu.dma_semaphore, #tpu.memory_space<semaphore_mem>>) src(%dma_wait3A_110 : memref<1000xf32, #tpu.memory_space<vmem_shared>>) dst(%dma_wait3A_109 : memref<1000xf32, #tpu.memory_space<hbm>>)
        tpu.yield
      }) : () -> ()
    } else {
    }
    return
  }
}

#map = affine_map<(d0, d1) -> (0, 0, 0, 0)>
#map1 = affine_map<(d0, d1) -> (0, 0)>
#map2 = affine_map<(d0, d1) -> (0, 0, 0)>
module attributes {stable_mosaic.version = 14 : i64} {
  func.func @_sc_conv(%arg0: i32, %arg1: i32, %arg2: memref<2x32x125x80xi32, #tpu.memory_space<hbm>>, %arg3: memref<10000x48xf32, #tpu.memory_space<hbm>>, %arg4: memref<2x10000x48xf32, #tpu.memory_space<hbm>>, %arg5: memref<2x125x80xi32, #tpu.memory_space<vmem>>, %arg6: memref<8x80x48xf32, #tpu.memory_space<vmem>>, %arg7: memref<10000x48xf32, #tpu.memory_space<vmem_shared>>, %arg8: memref<8x!tpu.dma_semaphore, #tpu.memory_space<semaphore_mem>>, %arg9: memref<8x!tpu.dma_semaphore, #tpu.memory_space<semaphore_mem>>, %arg10: memref<!tpu.dma_semaphore, #tpu.memory_space<semaphore_mem>>) attributes {dimension_semantics = [#tpu.dimension_semantics<core_parallel>, #tpu.dimension_semantics<subcore_parallel>], iteration_bounds = array<i64: 2, 16>, scalar_prefetch = 0 : i64, scratch_operands = 6 : i64, tpu.core_type = #tpu.core_type<sc_vector_subcore>, window_params = [{transform_indices = #map}, {transform_indices = #map1}, {transform_indices = #map2}]} {
    %mul3A = arith.constant 2 : i32
    %mul3A_0 = arith.muli %arg1, %mul3A : i32
    %add3A = arith.addi %mul3A_0, %arg0 : i32
    %dma_start3A = arith.constant 0 : i32
    %dma_start3A_1 = arith.constant 0 : i32
    %dma_start3A_2 = arith.constant 0 : i32
    %dma_start3A_3 = arith.constant 0 : i32
    %dma_start3A_4 = tpu.memref_slice %arg5[%dma_start3A_1, %dma_start3A_2, %dma_start3A_3] : memref<2x125x80xi32, #tpu.memory_space<vmem>> -> memref<1x125x80xi32, #tpu.memory_space<vmem>>
    %dma_start3A_5 = tpu.memref_squeeze %dma_start3A_4 : memref<1x125x80xi32, #tpu.memory_space<vmem>> -> memref<125x80xi32, #tpu.memory_space<vmem>>
    %dma_start3A_6 = arith.constant 0 : i32
    %dma_start3A_7 = arith.constant 0 : i32
    %dma_start3A_8 = tpu.memref_slice %arg2[%dma_start3A, %add3A, %dma_start3A_6, %dma_start3A_7] : memref<2x32x125x80xi32, #tpu.memory_space<hbm>> -> memref<1x1x125x80xi32, #tpu.memory_space<hbm>>
    %dma_start3A_9 = tpu.memref_squeeze %dma_start3A_8 : memref<1x1x125x80xi32, #tpu.memory_space<hbm>> -> memref<125x80xi32, #tpu.memory_space<hbm>>
    %dma_start3A_10 = arith.constant 0 : i32
    %dma_start3A_11 = arith.constant 0 : i32
    %dma_start3A_12 = tpu.memref_slice %arg5[%dma_start3A_1, %dma_start3A_10, %dma_start3A_11] : memref<2x125x80xi32, #tpu.memory_space<vmem>> -> memref<1x125x80xi32, #tpu.memory_space<vmem>>
    %dma_start3A_13 = tpu.memref_squeeze %dma_start3A_12 : memref<1x125x80xi32, #tpu.memory_space<vmem>> -> memref<125x80xi32, #tpu.memory_space<vmem>>
    %dma_start3A_14 = arith.constant 0 : i32
    %dma_start3A_15 = arith.constant 0 : i32
    %dma_start3A_16 = tpu.memref_slice %arg2[%dma_start3A, %add3A, %dma_start3A_14, %dma_start3A_15] : memref<2x32x125x80xi32, #tpu.memory_space<hbm>> -> memref<1x1x125x80xi32, #tpu.memory_space<hbm>>
    %dma_start3A_17 = tpu.memref_squeeze %dma_start3A_16 : memref<1x1x125x80xi32, #tpu.memory_space<hbm>> -> memref<125x80xi32, #tpu.memory_space<hbm>>
    tpu.enqueue_dma source(%dma_start3A_17 : memref<125x80xi32, #tpu.memory_space<hbm>>) target(%dma_start3A_13 : memref<125x80xi32, #tpu.memory_space<vmem>>) target_semaphore(%arg10 : memref<!tpu.dma_semaphore, #tpu.memory_space<semaphore_mem>>)
    %dma_start3A_18 = arith.constant 1 : i32
    %dma_start3A_19 = arith.constant 1 : i32
    %dma_start3A_20 = arith.constant 0 : i32
    %dma_start3A_21 = arith.constant 0 : i32
    %dma_start3A_22 = tpu.memref_slice %arg5[%dma_start3A_19, %dma_start3A_20, %dma_start3A_21] : memref<2x125x80xi32, #tpu.memory_space<vmem>> -> memref<1x125x80xi32, #tpu.memory_space<vmem>>
    %dma_start3A_23 = tpu.memref_squeeze %dma_start3A_22 : memref<1x125x80xi32, #tpu.memory_space<vmem>> -> memref<125x80xi32, #tpu.memory_space<vmem>>
    %dma_start3A_24 = arith.constant 0 : i32
    %dma_start3A_25 = arith.constant 0 : i32
    %dma_start3A_26 = tpu.memref_slice %arg2[%dma_start3A_18, %add3A, %dma_start3A_24, %dma_start3A_25] : memref<2x32x125x80xi32, #tpu.memory_space<hbm>> -> memref<1x1x125x80xi32, #tpu.memory_space<hbm>>
    %dma_start3A_27 = tpu.memref_squeeze %dma_start3A_26 : memref<1x1x125x80xi32, #tpu.memory_space<hbm>> -> memref<125x80xi32, #tpu.memory_space<hbm>>
    %dma_start3A_28 = arith.constant 0 : i32
    %dma_start3A_29 = arith.constant 0 : i32
    %dma_start3A_30 = tpu.memref_slice %arg5[%dma_start3A_19, %dma_start3A_28, %dma_start3A_29] : memref<2x125x80xi32, #tpu.memory_space<vmem>> -> memref<1x125x80xi32, #tpu.memory_space<vmem>>
    %dma_start3A_31 = tpu.memref_squeeze %dma_start3A_30 : memref<1x125x80xi32, #tpu.memory_space<vmem>> -> memref<125x80xi32, #tpu.memory_space<vmem>>
    %dma_start3A_32 = arith.constant 0 : i32
    %dma_start3A_33 = arith.constant 0 : i32
    %dma_start3A_34 = tpu.memref_slice %arg2[%dma_start3A_18, %add3A, %dma_start3A_32, %dma_start3A_33] : memref<2x32x125x80xi32, #tpu.memory_space<hbm>> -> memref<1x1x125x80xi32, #tpu.memory_space<hbm>>
    %dma_start3A_35 = tpu.memref_squeeze %dma_start3A_34 : memref<1x1x125x80xi32, #tpu.memory_space<hbm>> -> memref<125x80xi32, #tpu.memory_space<hbm>>
    tpu.enqueue_dma source(%dma_start3A_35 : memref<125x80xi32, #tpu.memory_space<hbm>>) target(%dma_start3A_31 : memref<125x80xi32, #tpu.memory_space<vmem>>) target_semaphore(%arg10 : memref<!tpu.dma_semaphore, #tpu.memory_space<semaphore_mem>>)
    %mul3A_36 = arith.constant 625 : i32
    %mul3A_37 = arith.muli %arg1, %mul3A_36 : i32
    "tpu.region"() ({
      %run_scoped3A = tpu.sem_alloc : memref<!tpu.dma_semaphore, #tpu.memory_space<semaphore_mem>>
      %dma_start3A_287 = arith.constant 0 : i32
      %dma_start3A_288 = tpu.memref_slice %arg7[%mul3A_37, %dma_start3A_287] : memref<10000x48xf32, #tpu.memory_space<vmem_shared>> -> memref<625x48xf32, #tpu.memory_space<vmem_shared>>
      %dma_start3A_289 = arith.constant 0 : i32
      %dma_start3A_290 = tpu.memref_slice %arg3[%mul3A_37, %dma_start3A_289] : memref<10000x48xf32, #tpu.memory_space<hbm>> -> memref<625x48xf32, #tpu.memory_space<hbm>>
      tpu.enqueue_dma source(%dma_start3A_290 : memref<625x48xf32, #tpu.memory_space<hbm>>) target(%dma_start3A_288 : memref<625x48xf32, #tpu.memory_space<vmem_shared>>) target_semaphore(%run_scoped3A : memref<!tpu.dma_semaphore, #tpu.memory_space<semaphore_mem>>)
      %dma_wait3A_291 = arith.constant 0 : i32
      %dma_wait3A_292 = tpu.memref_slice %arg7[%mul3A_37, %dma_wait3A_291] : memref<10000x48xf32, #tpu.memory_space<vmem_shared>> -> memref<625x48xf32, #tpu.memory_space<vmem_shared>>
      %dma_wait3A_293 = arith.constant 0 : i32
      %dma_wait3A_294 = tpu.memref_slice %arg3[%mul3A_37, %dma_wait3A_293] : memref<10000x48xf32, #tpu.memory_space<hbm>> -> memref<625x48xf32, #tpu.memory_space<hbm>>
      tpu.wait_dma2 semaphore(%run_scoped3A : memref<!tpu.dma_semaphore, #tpu.memory_space<semaphore_mem>>) src(%dma_wait3A_294 : memref<625x48xf32, #tpu.memory_space<hbm>>) dst(%dma_wait3A_292 : memref<625x48xf32, #tpu.memory_space<vmem_shared>>)
      tpu.yield
    }) : () -> ()
    %dma_wait3A = arith.constant 0 : i32
    %dma_wait3A_38 = arith.constant 0 : i32
    %dma_wait3A_39 = arith.constant 0 : i32
    %dma_wait3A_40 = arith.constant 0 : i32
    %dma_wait3A_41 = tpu.memref_slice %arg5[%dma_wait3A_38, %dma_wait3A_39, %dma_wait3A_40] : memref<2x125x80xi32, #tpu.memory_space<vmem>> -> memref<1x125x80xi32, #tpu.memory_space<vmem>>
    %dma_wait3A_42 = tpu.memref_squeeze %dma_wait3A_41 : memref<1x125x80xi32, #tpu.memory_space<vmem>> -> memref<125x80xi32, #tpu.memory_space<vmem>>
    %dma_wait3A_43 = arith.constant 0 : i32
    %dma_wait3A_44 = arith.constant 0 : i32
    %dma_wait3A_45 = tpu.memref_slice %arg2[%dma_wait3A, %add3A, %dma_wait3A_43, %dma_wait3A_44] : memref<2x32x125x80xi32, #tpu.memory_space<hbm>> -> memref<1x1x125x80xi32, #tpu.memory_space<hbm>>
    %dma_wait3A_46 = tpu.memref_squeeze %dma_wait3A_45 : memref<1x1x125x80xi32, #tpu.memory_space<hbm>> -> memref<125x80xi32, #tpu.memory_space<hbm>>
    %dma_wait3A_47 = arith.constant 0 : i32
    %dma_wait3A_48 = arith.constant 0 : i32
    %dma_wait3A_49 = tpu.memref_slice %arg5[%dma_wait3A_38, %dma_wait3A_47, %dma_wait3A_48] : memref<2x125x80xi32, #tpu.memory_space<vmem>> -> memref<1x125x80xi32, #tpu.memory_space<vmem>>
    %dma_wait3A_50 = tpu.memref_squeeze %dma_wait3A_49 : memref<1x125x80xi32, #tpu.memory_space<vmem>> -> memref<125x80xi32, #tpu.memory_space<vmem>>
    %dma_wait3A_51 = arith.constant 0 : i32
    %dma_wait3A_52 = arith.constant 0 : i32
    %dma_wait3A_53 = tpu.memref_slice %arg2[%dma_wait3A, %add3A, %dma_wait3A_51, %dma_wait3A_52] : memref<2x32x125x80xi32, #tpu.memory_space<hbm>> -> memref<1x1x125x80xi32, #tpu.memory_space<hbm>>
    %dma_wait3A_54 = tpu.memref_squeeze %dma_wait3A_53 : memref<1x1x125x80xi32, #tpu.memory_space<hbm>> -> memref<125x80xi32, #tpu.memory_space<hbm>>
    tpu.wait_dma2 semaphore(%arg10 : memref<!tpu.dma_semaphore, #tpu.memory_space<semaphore_mem>>) src(%dma_wait3A_54 : memref<125x80xi32, #tpu.memory_space<hbm>>) dst(%dma_wait3A_50 : memref<125x80xi32, #tpu.memory_space<vmem>>)
    %dma_wait3A_55 = arith.constant 1 : i32
    %dma_wait3A_56 = arith.constant 1 : i32
    %dma_wait3A_57 = arith.constant 0 : i32
    %dma_wait3A_58 = arith.constant 0 : i32
    %dma_wait3A_59 = tpu.memref_slice %arg5[%dma_wait3A_56, %dma_wait3A_57, %dma_wait3A_58] : memref<2x125x80xi32, #tpu.memory_space<vmem>> -> memref<1x125x80xi32, #tpu.memory_space<vmem>>
    %dma_wait3A_60 = tpu.memref_squeeze %dma_wait3A_59 : memref<1x125x80xi32, #tpu.memory_space<vmem>> -> memref<125x80xi32, #tpu.memory_space<vmem>>
    %dma_wait3A_61 = arith.constant 0 : i32
    %dma_wait3A_62 = arith.constant 0 : i32
    %dma_wait3A_63 = tpu.memref_slice %arg2[%dma_wait3A_55, %add3A, %dma_wait3A_61, %dma_wait3A_62] : memref<2x32x125x80xi32, #tpu.memory_space<hbm>> -> memref<1x1x125x80xi32, #tpu.memory_space<hbm>>
    %dma_wait3A_64 = tpu.memref_squeeze %dma_wait3A_63 : memref<1x1x125x80xi32, #tpu.memory_space<hbm>> -> memref<125x80xi32, #tpu.memory_space<hbm>>
    %dma_wait3A_65 = arith.constant 0 : i32
    %dma_wait3A_66 = arith.constant 0 : i32
    %dma_wait3A_67 = tpu.memref_slice %arg5[%dma_wait3A_56, %dma_wait3A_65, %dma_wait3A_66] : memref<2x125x80xi32, #tpu.memory_space<vmem>> -> memref<1x125x80xi32, #tpu.memory_space<vmem>>
    %dma_wait3A_68 = tpu.memref_squeeze %dma_wait3A_67 : memref<1x125x80xi32, #tpu.memory_space<vmem>> -> memref<125x80xi32, #tpu.memory_space<vmem>>
    %dma_wait3A_69 = arith.constant 0 : i32
    %dma_wait3A_70 = arith.constant 0 : i32
    %dma_wait3A_71 = tpu.memref_slice %arg2[%dma_wait3A_55, %add3A, %dma_wait3A_69, %dma_wait3A_70] : memref<2x32x125x80xi32, #tpu.memory_space<hbm>> -> memref<1x1x125x80xi32, #tpu.memory_space<hbm>>
    %dma_wait3A_72 = tpu.memref_squeeze %dma_wait3A_71 : memref<1x1x125x80xi32, #tpu.memory_space<hbm>> -> memref<125x80xi32, #tpu.memory_space<hbm>>
    tpu.wait_dma2 semaphore(%arg10 : memref<!tpu.dma_semaphore, #tpu.memory_space<semaphore_mem>>) src(%dma_wait3A_72 : memref<125x80xi32, #tpu.memory_space<hbm>>) dst(%dma_wait3A_68 : memref<125x80xi32, #tpu.memory_space<vmem>>)
    %barrier3A = arith.constant 0 : index
    tpu.barrier barrier_id(%barrier3A)
    %dma_start3A_73 = arith.constant 0 : i32
    %dma_start3A_74 = arith.constant 0 : i32
    %dma_start3A_75 = arith.constant 0 : i32
    %dma_start3A_76 = arith.constant 0 : i32
    %dma_start3A_77 = arith.constant 0 : i32
    %dma_start3A_78 = arith.constant 0 : i32
    %dma_start3A_79 = tpu.memref_slice %arg6[%dma_start3A_75, %dma_start3A_77, %dma_start3A_78] : memref<8x80x48xf32, #tpu.memory_space<vmem>> -> memref<1x80x48xf32, #tpu.memory_space<vmem>>
    %dma_start3A_80 = tpu.memref_squeeze %dma_start3A_79 : memref<1x80x48xf32, #tpu.memory_space<vmem>> -> memref<80x48xf32, #tpu.memory_space<vmem>>
    %dma_start3A_81 = arith.constant 0 : i32
    %dma_start3A_82 = tpu.memref_slice %arg5[%dma_start3A_73, %dma_start3A_74, %dma_start3A_81] : memref<2x125x80xi32, #tpu.memory_space<vmem>> -> memref<1x1x80xi32, #tpu.memory_space<vmem>>
    %dma_start3A_83 = tpu.memref_squeeze %dma_start3A_82 : memref<1x1x80xi32, #tpu.memory_space<vmem>> -> memref<80xi32, #tpu.memory_space<vmem>>
    %dma_start3A_84 = arith.constant 0 : i32
    %dma_start3A_85 = arith.constant 0 : i32
    %dma_start3A_86 = tpu.memref_slice %arg3[%dma_start3A_84, %dma_start3A_85] : memref<10000x48xf32, #tpu.memory_space<hbm>> -> memref<10000x48xf32, #tpu.memory_space<hbm>>
    %dma_start3A_87 = tpu.memref_slice %arg8[%dma_start3A_76] : memref<8x!tpu.dma_semaphore, #tpu.memory_space<semaphore_mem>> -> memref<1x!tpu.dma_semaphore, #tpu.memory_space<semaphore_mem>>
    %dma_start3A_88 = tpu.memref_squeeze %dma_start3A_87 : memref<1x!tpu.dma_semaphore, #tpu.memory_space<semaphore_mem>> -> memref<!tpu.dma_semaphore, #tpu.memory_space<semaphore_mem>>
    tpu.enqueue_indirect_dma source(%dma_start3A_86 : memref<10000x48xf32, #tpu.memory_space<hbm>>) target(%dma_start3A_80 : memref<80x48xf32, #tpu.memory_space<vmem>>) offsets(%dma_start3A_83 : memref<80xi32, #tpu.memory_space<vmem>>) semaphore(%dma_start3A_88 : memref<!tpu.dma_semaphore, #tpu.memory_space<semaphore_mem>>)
    %dma_start3A_89 = arith.constant 0 : i32
    %dma_start3A_90 = arith.constant 1 : i32
    %dma_start3A_91 = arith.constant 1 : i32
    %dma_start3A_92 = arith.constant 1 : i32
    %dma_start3A_93 = arith.constant 0 : i32
    %dma_start3A_94 = arith.constant 0 : i32
    %dma_start3A_95 = tpu.memref_slice %arg6[%dma_start3A_91, %dma_start3A_93, %dma_start3A_94] : memref<8x80x48xf32, #tpu.memory_space<vmem>> -> memref<1x80x48xf32, #tpu.memory_space<vmem>>
    %dma_start3A_96 = tpu.memref_squeeze %dma_start3A_95 : memref<1x80x48xf32, #tpu.memory_space<vmem>> -> memref<80x48xf32, #tpu.memory_space<vmem>>
    %dma_start3A_97 = arith.constant 0 : i32
    %dma_start3A_98 = tpu.memref_slice %arg5[%dma_start3A_89, %dma_start3A_90, %dma_start3A_97] : memref<2x125x80xi32, #tpu.memory_space<vmem>> -> memref<1x1x80xi32, #tpu.memory_space<vmem>>
    %dma_start3A_99 = tpu.memref_squeeze %dma_start3A_98 : memref<1x1x80xi32, #tpu.memory_space<vmem>> -> memref<80xi32, #tpu.memory_space<vmem>>
    %dma_start3A_100 = arith.constant 0 : i32
    %dma_start3A_101 = arith.constant 0 : i32
    %dma_start3A_102 = tpu.memref_slice %arg3[%dma_start3A_100, %dma_start3A_101] : memref<10000x48xf32, #tpu.memory_space<hbm>> -> memref<10000x48xf32, #tpu.memory_space<hbm>>
    %dma_start3A_103 = tpu.memref_slice %arg8[%dma_start3A_92] : memref<8x!tpu.dma_semaphore, #tpu.memory_space<semaphore_mem>> -> memref<1x!tpu.dma_semaphore, #tpu.memory_space<semaphore_mem>>
    %dma_start3A_104 = tpu.memref_squeeze %dma_start3A_103 : memref<1x!tpu.dma_semaphore, #tpu.memory_space<semaphore_mem>> -> memref<!tpu.dma_semaphore, #tpu.memory_space<semaphore_mem>>
    tpu.enqueue_indirect_dma source(%dma_start3A_102 : memref<10000x48xf32, #tpu.memory_space<hbm>>) target(%dma_start3A_96 : memref<80x48xf32, #tpu.memory_space<vmem>>) offsets(%dma_start3A_99 : memref<80xi32, #tpu.memory_space<vmem>>) semaphore(%dma_start3A_104 : memref<!tpu.dma_semaphore, #tpu.memory_space<semaphore_mem>>)
    %dma_start3A_105 = arith.constant 0 : i32
    %dma_start3A_106 = arith.constant 2 : i32
    %dma_start3A_107 = arith.constant 2 : i32
    %dma_start3A_108 = arith.constant 2 : i32
    %dma_start3A_109 = arith.constant 0 : i32
    %dma_start3A_110 = arith.constant 0 : i32
    %dma_start3A_111 = tpu.memref_slice %arg6[%dma_start3A_107, %dma_start3A_109, %dma_start3A_110] : memref<8x80x48xf32, #tpu.memory_space<vmem>> -> memref<1x80x48xf32, #tpu.memory_space<vmem>>
    %dma_start3A_112 = tpu.memref_squeeze %dma_start3A_111 : memref<1x80x48xf32, #tpu.memory_space<vmem>> -> memref<80x48xf32, #tpu.memory_space<vmem>>
    %dma_start3A_113 = arith.constant 0 : i32
    %dma_start3A_114 = tpu.memref_slice %arg5[%dma_start3A_105, %dma_start3A_106, %dma_start3A_113] : memref<2x125x80xi32, #tpu.memory_space<vmem>> -> memref<1x1x80xi32, #tpu.memory_space<vmem>>
    %dma_start3A_115 = tpu.memref_squeeze %dma_start3A_114 : memref<1x1x80xi32, #tpu.memory_space<vmem>> -> memref<80xi32, #tpu.memory_space<vmem>>
    %dma_start3A_116 = arith.constant 0 : i32
    %dma_start3A_117 = arith.constant 0 : i32
    %dma_start3A_118 = tpu.memref_slice %arg3[%dma_start3A_116, %dma_start3A_117] : memref<10000x48xf32, #tpu.memory_space<hbm>> -> memref<10000x48xf32, #tpu.memory_space<hbm>>
    %dma_start3A_119 = tpu.memref_slice %arg8[%dma_start3A_108] : memref<8x!tpu.dma_semaphore, #tpu.memory_space<semaphore_mem>> -> memref<1x!tpu.dma_semaphore, #tpu.memory_space<semaphore_mem>>
    %dma_start3A_120 = tpu.memref_squeeze %dma_start3A_119 : memref<1x!tpu.dma_semaphore, #tpu.memory_space<semaphore_mem>> -> memref<!tpu.dma_semaphore, #tpu.memory_space<semaphore_mem>>
    tpu.enqueue_indirect_dma source(%dma_start3A_118 : memref<10000x48xf32, #tpu.memory_space<hbm>>) target(%dma_start3A_112 : memref<80x48xf32, #tpu.memory_space<vmem>>) offsets(%dma_start3A_115 : memref<80xi32, #tpu.memory_space<vmem>>) semaphore(%dma_start3A_120 : memref<!tpu.dma_semaphore, #tpu.memory_space<semaphore_mem>>)
    %dma_start3A_121 = arith.constant 0 : i32
    %dma_start3A_122 = arith.constant 3 : i32
    %dma_start3A_123 = arith.constant 3 : i32
    %dma_start3A_124 = arith.constant 3 : i32
    %dma_start3A_125 = arith.constant 0 : i32
    %dma_start3A_126 = arith.constant 0 : i32
    %dma_start3A_127 = tpu.memref_slice %arg6[%dma_start3A_123, %dma_start3A_125, %dma_start3A_126] : memref<8x80x48xf32, #tpu.memory_space<vmem>> -> memref<1x80x48xf32, #tpu.memory_space<vmem>>
    %dma_start3A_128 = tpu.memref_squeeze %dma_start3A_127 : memref<1x80x48xf32, #tpu.memory_space<vmem>> -> memref<80x48xf32, #tpu.memory_space<vmem>>
    %dma_start3A_129 = arith.constant 0 : i32
    %dma_start3A_130 = tpu.memref_slice %arg5[%dma_start3A_121, %dma_start3A_122, %dma_start3A_129] : memref<2x125x80xi32, #tpu.memory_space<vmem>> -> memref<1x1x80xi32, #tpu.memory_space<vmem>>
    %dma_start3A_131 = tpu.memref_squeeze %dma_start3A_130 : memref<1x1x80xi32, #tpu.memory_space<vmem>> -> memref<80xi32, #tpu.memory_space<vmem>>
    %dma_start3A_132 = arith.constant 0 : i32
    %dma_start3A_133 = arith.constant 0 : i32
    %dma_start3A_134 = tpu.memref_slice %arg3[%dma_start3A_132, %dma_start3A_133] : memref<10000x48xf32, #tpu.memory_space<hbm>> -> memref<10000x48xf32, #tpu.memory_space<hbm>>
    %dma_start3A_135 = tpu.memref_slice %arg8[%dma_start3A_124] : memref<8x!tpu.dma_semaphore, #tpu.memory_space<semaphore_mem>> -> memref<1x!tpu.dma_semaphore, #tpu.memory_space<semaphore_mem>>
    %dma_start3A_136 = tpu.memref_squeeze %dma_start3A_135 : memref<1x!tpu.dma_semaphore, #tpu.memory_space<semaphore_mem>> -> memref<!tpu.dma_semaphore, #tpu.memory_space<semaphore_mem>>
    tpu.enqueue_indirect_dma source(%dma_start3A_134 : memref<10000x48xf32, #tpu.memory_space<hbm>>) target(%dma_start3A_128 : memref<80x48xf32, #tpu.memory_space<vmem>>) offsets(%dma_start3A_131 : memref<80xi32, #tpu.memory_space<vmem>>) semaphore(%dma_start3A_136 : memref<!tpu.dma_semaphore, #tpu.memory_space<semaphore_mem>>)
    %dma_start3A_137 = arith.constant 0 : i32
    %dma_start3A_138 = arith.constant 4 : i32
    %dma_start3A_139 = arith.constant 4 : i32
    %dma_start3A_140 = arith.constant 4 : i32
    %dma_start3A_141 = arith.constant 0 : i32
    %dma_start3A_142 = arith.constant 0 : i32
    %dma_start3A_143 = tpu.memref_slice %arg6[%dma_start3A_139, %dma_start3A_141, %dma_start3A_142] : memref<8x80x48xf32, #tpu.memory_space<vmem>> -> memref<1x80x48xf32, #tpu.memory_space<vmem>>
    %dma_start3A_144 = tpu.memref_squeeze %dma_start3A_143 : memref<1x80x48xf32, #tpu.memory_space<vmem>> -> memref<80x48xf32, #tpu.memory_space<vmem>>
    %dma_start3A_145 = arith.constant 0 : i32
    %dma_start3A_146 = tpu.memref_slice %arg5[%dma_start3A_137, %dma_start3A_138, %dma_start3A_145] : memref<2x125x80xi32, #tpu.memory_space<vmem>> -> memref<1x1x80xi32, #tpu.memory_space<vmem>>
    %dma_start3A_147 = tpu.memref_squeeze %dma_start3A_146 : memref<1x1x80xi32, #tpu.memory_space<vmem>> -> memref<80xi32, #tpu.memory_space<vmem>>
    %dma_start3A_148 = arith.constant 0 : i32
    %dma_start3A_149 = arith.constant 0 : i32
    %dma_start3A_150 = tpu.memref_slice %arg3[%dma_start3A_148, %dma_start3A_149] : memref<10000x48xf32, #tpu.memory_space<hbm>> -> memref<10000x48xf32, #tpu.memory_space<hbm>>
    %dma_start3A_151 = tpu.memref_slice %arg8[%dma_start3A_140] : memref<8x!tpu.dma_semaphore, #tpu.memory_space<semaphore_mem>> -> memref<1x!tpu.dma_semaphore, #tpu.memory_space<semaphore_mem>>
    %dma_start3A_152 = tpu.memref_squeeze %dma_start3A_151 : memref<1x!tpu.dma_semaphore, #tpu.memory_space<semaphore_mem>> -> memref<!tpu.dma_semaphore, #tpu.memory_space<semaphore_mem>>
    tpu.enqueue_indirect_dma source(%dma_start3A_150 : memref<10000x48xf32, #tpu.memory_space<hbm>>) target(%dma_start3A_144 : memref<80x48xf32, #tpu.memory_space<vmem>>) offsets(%dma_start3A_147 : memref<80xi32, #tpu.memory_space<vmem>>) semaphore(%dma_start3A_152 : memref<!tpu.dma_semaphore, #tpu.memory_space<semaphore_mem>>)
    %scan3A = arith.constant 0 : i32
    %scan3A_153 = arith.constant 0 : i32
    %scan3A_154 = arith.constant 125 : i32
    %scan3A_155 = arith.addi %scan3A_153, %scan3A_154 : i32
    %scan3A_156 = arith.constant 1 : i32
    scf.for %scan3A_287 = %scan3A_153 to %scan3A_155 step %scan3A_156  : i32 {
      %add3A_288 = arith.constant 5 : i32
      %add3A_289 = arith.addi %scan3A_287, %add3A_288 : i32
      %rem3A = arith.constant 8 : i32
      %rem3A_290 = arith.remsi %scan3A_287, %rem3A : i32
      %rem3A_291 = arith.constant 8 : i32
      %rem3A_292 = arith.remsi %add3A_289, %rem3A_291 : i32
      %lt3A = arith.constant 125 : i32
      %lt3A_293 = arith.cmpi slt, %add3A_289, %lt3A : i32
      %convert_element_type3A = arith.extui %lt3A_293 : i1 to i32
      %cond3A = arith.constant 0 : i32
      %cond3A_294 = arith.cmpi ne, %convert_element_type3A, %cond3A : i32
      scf.if %cond3A_294 {
        %ge3A = arith.constant 8 : i32
        %ge3A_321 = arith.cmpi sge, %add3A_289, %ge3A : i32
        %convert_element_type3A_322 = arith.extui %ge3A_321 : i1 to i32
        %cond3A_323 = arith.constant 0 : i32
        %cond3A_324 = arith.cmpi ne, %convert_element_type3A_322, %cond3A_323 : i32
        scf.if %cond3A_324 {
          %sub3A = arith.constant 8 : i32
          %sub3A_338 = arith.subi %add3A_289, %sub3A : i32
          %dma_wait3A_339 = arith.constant 1 : i32
          %dma_wait3A_340 = arith.constant 0 : i32
          %dma_wait3A_341 = arith.constant 0 : i32
          %dma_wait3A_342 = tpu.memref_slice %arg6[%rem3A_292, %dma_wait3A_340, %dma_wait3A_341] : memref<8x80x48xf32, #tpu.memory_space<vmem>> -> memref<1x80x48xf32, #tpu.memory_space<vmem>>
          %dma_wait3A_343 = tpu.memref_squeeze %dma_wait3A_342 : memref<1x80x48xf32, #tpu.memory_space<vmem>> -> memref<80x48xf32, #tpu.memory_space<vmem>>
          %dma_wait3A_344 = arith.constant 0 : i32
          %dma_wait3A_345 = tpu.memref_slice %arg5[%dma_wait3A_339, %sub3A_338, %dma_wait3A_344] : memref<2x125x80xi32, #tpu.memory_space<vmem>> -> memref<1x1x80xi32, #tpu.memory_space<vmem>>
          %dma_wait3A_346 = tpu.memref_squeeze %dma_wait3A_345 : memref<1x1x80xi32, #tpu.memory_space<vmem>> -> memref<80xi32, #tpu.memory_space<vmem>>
          %dma_wait3A_347 = arith.constant 0 : i32
          %dma_wait3A_348 = arith.constant 0 : i32
          %dma_wait3A_349 = tpu.memref_slice %arg7[%dma_wait3A_347, %dma_wait3A_348] : memref<10000x48xf32, #tpu.memory_space<vmem_shared>> -> memref<10000x48xf32, #tpu.memory_space<vmem_shared>>
          %dma_wait3A_350 = tpu.memref_slice %arg9[%rem3A_292] : memref<8x!tpu.dma_semaphore, #tpu.memory_space<semaphore_mem>> -> memref<1x!tpu.dma_semaphore, #tpu.memory_space<semaphore_mem>>
          %dma_wait3A_351 = tpu.memref_squeeze %dma_wait3A_350 : memref<1x!tpu.dma_semaphore, #tpu.memory_space<semaphore_mem>> -> memref<!tpu.dma_semaphore, #tpu.memory_space<semaphore_mem>>
          tpu.wait_indirect_dma semaphore(%dma_wait3A_351 : memref<!tpu.dma_semaphore, #tpu.memory_space<semaphore_mem>>) src(%dma_wait3A_343 : memref<80x48xf32, #tpu.memory_space<vmem>>) dst(%dma_wait3A_349 : memref<10000x48xf32, #tpu.memory_space<vmem_shared>>)
        } else {
        }
        %dma_start3A_325 = arith.constant 0 : i32
        %dma_start3A_326 = arith.constant 0 : i32
        %dma_start3A_327 = arith.constant 0 : i32
        %dma_start3A_328 = tpu.memref_slice %arg6[%rem3A_292, %dma_start3A_326, %dma_start3A_327] : memref<8x80x48xf32, #tpu.memory_space<vmem>> -> memref<1x80x48xf32, #tpu.memory_space<vmem>>
        %dma_start3A_329 = tpu.memref_squeeze %dma_start3A_328 : memref<1x80x48xf32, #tpu.memory_space<vmem>> -> memref<80x48xf32, #tpu.memory_space<vmem>>
        %dma_start3A_330 = arith.constant 0 : i32
        %dma_start3A_331 = tpu.memref_slice %arg5[%dma_start3A_325, %add3A_289, %dma_start3A_330] : memref<2x125x80xi32, #tpu.memory_space<vmem>> -> memref<1x1x80xi32, #tpu.memory_space<vmem>>
        %dma_start3A_332 = tpu.memref_squeeze %dma_start3A_331 : memref<1x1x80xi32, #tpu.memory_space<vmem>> -> memref<80xi32, #tpu.memory_space<vmem>>
        %dma_start3A_333 = arith.constant 0 : i32
        %dma_start3A_334 = arith.constant 0 : i32
        %dma_start3A_335 = tpu.memref_slice %arg3[%dma_start3A_333, %dma_start3A_334] : memref<10000x48xf32, #tpu.memory_space<hbm>> -> memref<10000x48xf32, #tpu.memory_space<hbm>>
        %dma_start3A_336 = tpu.memref_slice %arg8[%rem3A_292] : memref<8x!tpu.dma_semaphore, #tpu.memory_space<semaphore_mem>> -> memref<1x!tpu.dma_semaphore, #tpu.memory_space<semaphore_mem>>
        %dma_start3A_337 = tpu.memref_squeeze %dma_start3A_336 : memref<1x!tpu.dma_semaphore, #tpu.memory_space<semaphore_mem>> -> memref<!tpu.dma_semaphore, #tpu.memory_space<semaphore_mem>>
        tpu.enqueue_indirect_dma source(%dma_start3A_335 : memref<10000x48xf32, #tpu.memory_space<hbm>>) target(%dma_start3A_329 : memref<80x48xf32, #tpu.memory_space<vmem>>) offsets(%dma_start3A_332 : memref<80xi32, #tpu.memory_space<vmem>>) semaphore(%dma_start3A_337 : memref<!tpu.dma_semaphore, #tpu.memory_space<semaphore_mem>>)
      } else {
      }
      %dma_wait3A_295 = arith.constant 0 : i32
      %dma_wait3A_296 = arith.constant 0 : i32
      %dma_wait3A_297 = arith.constant 0 : i32
      %dma_wait3A_298 = tpu.memref_slice %arg6[%rem3A_290, %dma_wait3A_296, %dma_wait3A_297] : memref<8x80x48xf32, #tpu.memory_space<vmem>> -> memref<1x80x48xf32, #tpu.memory_space<vmem>>
      %dma_wait3A_299 = tpu.memref_squeeze %dma_wait3A_298 : memref<1x80x48xf32, #tpu.memory_space<vmem>> -> memref<80x48xf32, #tpu.memory_space<vmem>>
      %dma_wait3A_300 = arith.constant 0 : i32
      %dma_wait3A_301 = tpu.memref_slice %arg5[%dma_wait3A_295, %scan3A_287, %dma_wait3A_300] : memref<2x125x80xi32, #tpu.memory_space<vmem>> -> memref<1x1x80xi32, #tpu.memory_space<vmem>>
      %dma_wait3A_302 = tpu.memref_squeeze %dma_wait3A_301 : memref<1x1x80xi32, #tpu.memory_space<vmem>> -> memref<80xi32, #tpu.memory_space<vmem>>
      %dma_wait3A_303 = arith.constant 0 : i32
      %dma_wait3A_304 = arith.constant 0 : i32
      %dma_wait3A_305 = tpu.memref_slice %arg3[%dma_wait3A_303, %dma_wait3A_304] : memref<10000x48xf32, #tpu.memory_space<hbm>> -> memref<10000x48xf32, #tpu.memory_space<hbm>>
      %dma_wait3A_306 = tpu.memref_slice %arg8[%rem3A_290] : memref<8x!tpu.dma_semaphore, #tpu.memory_space<semaphore_mem>> -> memref<1x!tpu.dma_semaphore, #tpu.memory_space<semaphore_mem>>
      %dma_wait3A_307 = tpu.memref_squeeze %dma_wait3A_306 : memref<1x!tpu.dma_semaphore, #tpu.memory_space<semaphore_mem>> -> memref<!tpu.dma_semaphore, #tpu.memory_space<semaphore_mem>>
      tpu.wait_indirect_dma semaphore(%dma_wait3A_307 : memref<!tpu.dma_semaphore, #tpu.memory_space<semaphore_mem>>) src(%dma_wait3A_305 : memref<10000x48xf32, #tpu.memory_space<hbm>>) dst(%dma_wait3A_299 : memref<80x48xf32, #tpu.memory_space<vmem>>)
      %dma_start3A_308 = arith.constant 1 : i32
      %dma_start3A_309 = arith.constant 0 : i32
      %dma_start3A_310 = arith.constant 0 : i32
      %dma_start3A_311 = tpu.memref_slice %arg6[%rem3A_290, %dma_start3A_309, %dma_start3A_310] : memref<8x80x48xf32, #tpu.memory_space<vmem>> -> memref<1x80x48xf32, #tpu.memory_space<vmem>>
      %dma_start3A_312 = tpu.memref_squeeze %dma_start3A_311 : memref<1x80x48xf32, #tpu.memory_space<vmem>> -> memref<80x48xf32, #tpu.memory_space<vmem>>
      %dma_start3A_313 = arith.constant 0 : i32
      %dma_start3A_314 = tpu.memref_slice %arg5[%dma_start3A_308, %scan3A_287, %dma_start3A_313] : memref<2x125x80xi32, #tpu.memory_space<vmem>> -> memref<1x1x80xi32, #tpu.memory_space<vmem>>
      %dma_start3A_315 = tpu.memref_squeeze %dma_start3A_314 : memref<1x1x80xi32, #tpu.memory_space<vmem>> -> memref<80xi32, #tpu.memory_space<vmem>>
      %dma_start3A_316 = arith.constant 0 : i32
      %dma_start3A_317 = arith.constant 0 : i32
      %dma_start3A_318 = tpu.memref_slice %arg7[%dma_start3A_316, %dma_start3A_317] : memref<10000x48xf32, #tpu.memory_space<vmem_shared>> -> memref<10000x48xf32, #tpu.memory_space<vmem_shared>>
      %dma_start3A_319 = tpu.memref_slice %arg9[%rem3A_290] : memref<8x!tpu.dma_semaphore, #tpu.memory_space<semaphore_mem>> -> memref<1x!tpu.dma_semaphore, #tpu.memory_space<semaphore_mem>>
      %dma_start3A_320 = tpu.memref_squeeze %dma_start3A_319 : memref<1x!tpu.dma_semaphore, #tpu.memory_space<semaphore_mem>> -> memref<!tpu.dma_semaphore, #tpu.memory_space<semaphore_mem>>
      tpu.enqueue_indirect_dma source(%dma_start3A_312 : memref<80x48xf32, #tpu.memory_space<vmem>>) target(%dma_start3A_318 : memref<10000x48xf32, #tpu.memory_space<vmem_shared>>) offsets(%dma_start3A_315 : memref<80xi32, #tpu.memory_space<vmem>>) semaphore(%dma_start3A_320 : memref<!tpu.dma_semaphore, #tpu.memory_space<semaphore_mem>>) {add = true}
    }
    %scan3A_157 = arith.constant 125 : i32
    %dma_wait3A_158 = arith.constant 5 : i32
    %dma_wait3A_159 = arith.constant 1 : i32
    %dma_wait3A_160 = arith.constant 117 : i32
    %dma_wait3A_161 = arith.constant 5 : i32
    %dma_wait3A_162 = arith.constant 0 : i32
    %dma_wait3A_163 = arith.constant 0 : i32
    %dma_wait3A_164 = tpu.memref_slice %arg6[%dma_wait3A_158, %dma_wait3A_162, %dma_wait3A_163] : memref<8x80x48xf32, #tpu.memory_space<vmem>> -> memref<1x80x48xf32, #tpu.memory_space<vmem>>
    %dma_wait3A_165 = tpu.memref_squeeze %dma_wait3A_164 : memref<1x80x48xf32, #tpu.memory_space<vmem>> -> memref<80x48xf32, #tpu.memory_space<vmem>>
    %dma_wait3A_166 = arith.constant 0 : i32
    %dma_wait3A_167 = tpu.memref_slice %arg5[%dma_wait3A_159, %dma_wait3A_160, %dma_wait3A_166] : memref<2x125x80xi32, #tpu.memory_space<vmem>> -> memref<1x1x80xi32, #tpu.memory_space<vmem>>
    %dma_wait3A_168 = tpu.memref_squeeze %dma_wait3A_167 : memref<1x1x80xi32, #tpu.memory_space<vmem>> -> memref<80xi32, #tpu.memory_space<vmem>>
    %dma_wait3A_169 = arith.constant 0 : i32
    %dma_wait3A_170 = arith.constant 0 : i32
    %dma_wait3A_171 = tpu.memref_slice %arg7[%dma_wait3A_169, %dma_wait3A_170] : memref<10000x48xf32, #tpu.memory_space<vmem_shared>> -> memref<10000x48xf32, #tpu.memory_space<vmem_shared>>
    %dma_wait3A_172 = tpu.memref_slice %arg9[%dma_wait3A_161] : memref<8x!tpu.dma_semaphore, #tpu.memory_space<semaphore_mem>> -> memref<1x!tpu.dma_semaphore, #tpu.memory_space<semaphore_mem>>
    %dma_wait3A_173 = tpu.memref_squeeze %dma_wait3A_172 : memref<1x!tpu.dma_semaphore, #tpu.memory_space<semaphore_mem>> -> memref<!tpu.dma_semaphore, #tpu.memory_space<semaphore_mem>>
    tpu.wait_indirect_dma semaphore(%dma_wait3A_173 : memref<!tpu.dma_semaphore, #tpu.memory_space<semaphore_mem>>) src(%dma_wait3A_165 : memref<80x48xf32, #tpu.memory_space<vmem>>) dst(%dma_wait3A_171 : memref<10000x48xf32, #tpu.memory_space<vmem_shared>>)
    %dma_wait3A_174 = arith.constant 6 : i32
    %dma_wait3A_175 = arith.constant 1 : i32
    %dma_wait3A_176 = arith.constant 118 : i32
    %dma_wait3A_177 = arith.constant 6 : i32
    %dma_wait3A_178 = arith.constant 0 : i32
    %dma_wait3A_179 = arith.constant 0 : i32
    %dma_wait3A_180 = tpu.memref_slice %arg6[%dma_wait3A_174, %dma_wait3A_178, %dma_wait3A_179] : memref<8x80x48xf32, #tpu.memory_space<vmem>> -> memref<1x80x48xf32, #tpu.memory_space<vmem>>
    %dma_wait3A_181 = tpu.memref_squeeze %dma_wait3A_180 : memref<1x80x48xf32, #tpu.memory_space<vmem>> -> memref<80x48xf32, #tpu.memory_space<vmem>>
    %dma_wait3A_182 = arith.constant 0 : i32
    %dma_wait3A_183 = tpu.memref_slice %arg5[%dma_wait3A_175, %dma_wait3A_176, %dma_wait3A_182] : memref<2x125x80xi32, #tpu.memory_space<vmem>> -> memref<1x1x80xi32, #tpu.memory_space<vmem>>
    %dma_wait3A_184 = tpu.memref_squeeze %dma_wait3A_183 : memref<1x1x80xi32, #tpu.memory_space<vmem>> -> memref<80xi32, #tpu.memory_space<vmem>>
    %dma_wait3A_185 = arith.constant 0 : i32
    %dma_wait3A_186 = arith.constant 0 : i32
    %dma_wait3A_187 = tpu.memref_slice %arg7[%dma_wait3A_185, %dma_wait3A_186] : memref<10000x48xf32, #tpu.memory_space<vmem_shared>> -> memref<10000x48xf32, #tpu.memory_space<vmem_shared>>
    %dma_wait3A_188 = tpu.memref_slice %arg9[%dma_wait3A_177] : memref<8x!tpu.dma_semaphore, #tpu.memory_space<semaphore_mem>> -> memref<1x!tpu.dma_semaphore, #tpu.memory_space<semaphore_mem>>
    %dma_wait3A_189 = tpu.memref_squeeze %dma_wait3A_188 : memref<1x!tpu.dma_semaphore, #tpu.memory_space<semaphore_mem>> -> memref<!tpu.dma_semaphore, #tpu.memory_space<semaphore_mem>>
    tpu.wait_indirect_dma semaphore(%dma_wait3A_189 : memref<!tpu.dma_semaphore, #tpu.memory_space<semaphore_mem>>) src(%dma_wait3A_181 : memref<80x48xf32, #tpu.memory_space<vmem>>) dst(%dma_wait3A_187 : memref<10000x48xf32, #tpu.memory_space<vmem_shared>>)
    %dma_wait3A_190 = arith.constant 7 : i32
    %dma_wait3A_191 = arith.constant 1 : i32
    %dma_wait3A_192 = arith.constant 119 : i32
    %dma_wait3A_193 = arith.constant 7 : i32
    %dma_wait3A_194 = arith.constant 0 : i32
    %dma_wait3A_195 = arith.constant 0 : i32
    %dma_wait3A_196 = tpu.memref_slice %arg6[%dma_wait3A_190, %dma_wait3A_194, %dma_wait3A_195] : memref<8x80x48xf32, #tpu.memory_space<vmem>> -> memref<1x80x48xf32, #tpu.memory_space<vmem>>
    %dma_wait3A_197 = tpu.memref_squeeze %dma_wait3A_196 : memref<1x80x48xf32, #tpu.memory_space<vmem>> -> memref<80x48xf32, #tpu.memory_space<vmem>>
    %dma_wait3A_198 = arith.constant 0 : i32
    %dma_wait3A_199 = tpu.memref_slice %arg5[%dma_wait3A_191, %dma_wait3A_192, %dma_wait3A_198] : memref<2x125x80xi32, #tpu.memory_space<vmem>> -> memref<1x1x80xi32, #tpu.memory_space<vmem>>
    %dma_wait3A_200 = tpu.memref_squeeze %dma_wait3A_199 : memref<1x1x80xi32, #tpu.memory_space<vmem>> -> memref<80xi32, #tpu.memory_space<vmem>>
    %dma_wait3A_201 = arith.constant 0 : i32
    %dma_wait3A_202 = arith.constant 0 : i32
    %dma_wait3A_203 = tpu.memref_slice %arg7[%dma_wait3A_201, %dma_wait3A_202] : memref<10000x48xf32, #tpu.memory_space<vmem_shared>> -> memref<10000x48xf32, #tpu.memory_space<vmem_shared>>
    %dma_wait3A_204 = tpu.memref_slice %arg9[%dma_wait3A_193] : memref<8x!tpu.dma_semaphore, #tpu.memory_space<semaphore_mem>> -> memref<1x!tpu.dma_semaphore, #tpu.memory_space<semaphore_mem>>
    %dma_wait3A_205 = tpu.memref_squeeze %dma_wait3A_204 : memref<1x!tpu.dma_semaphore, #tpu.memory_space<semaphore_mem>> -> memref<!tpu.dma_semaphore, #tpu.memory_space<semaphore_mem>>
    tpu.wait_indirect_dma semaphore(%dma_wait3A_205 : memref<!tpu.dma_semaphore, #tpu.memory_space<semaphore_mem>>) src(%dma_wait3A_197 : memref<80x48xf32, #tpu.memory_space<vmem>>) dst(%dma_wait3A_203 : memref<10000x48xf32, #tpu.memory_space<vmem_shared>>)
    %dma_wait3A_206 = arith.constant 0 : i32
    %dma_wait3A_207 = arith.constant 1 : i32
    %dma_wait3A_208 = arith.constant 120 : i32
    %dma_wait3A_209 = arith.constant 0 : i32
    %dma_wait3A_210 = arith.constant 0 : i32
    %dma_wait3A_211 = arith.constant 0 : i32
    %dma_wait3A_212 = tpu.memref_slice %arg6[%dma_wait3A_206, %dma_wait3A_210, %dma_wait3A_211] : memref<8x80x48xf32, #tpu.memory_space<vmem>> -> memref<1x80x48xf32, #tpu.memory_space<vmem>>
    %dma_wait3A_213 = tpu.memref_squeeze %dma_wait3A_212 : memref<1x80x48xf32, #tpu.memory_space<vmem>> -> memref<80x48xf32, #tpu.memory_space<vmem>>
    %dma_wait3A_214 = arith.constant 0 : i32
    %dma_wait3A_215 = tpu.memref_slice %arg5[%dma_wait3A_207, %dma_wait3A_208, %dma_wait3A_214] : memref<2x125x80xi32, #tpu.memory_space<vmem>> -> memref<1x1x80xi32, #tpu.memory_space<vmem>>
    %dma_wait3A_216 = tpu.memref_squeeze %dma_wait3A_215 : memref<1x1x80xi32, #tpu.memory_space<vmem>> -> memref<80xi32, #tpu.memory_space<vmem>>
    %dma_wait3A_217 = arith.constant 0 : i32
    %dma_wait3A_218 = arith.constant 0 : i32
    %dma_wait3A_219 = tpu.memref_slice %arg7[%dma_wait3A_217, %dma_wait3A_218] : memref<10000x48xf32, #tpu.memory_space<vmem_shared>> -> memref<10000x48xf32, #tpu.memory_space<vmem_shared>>
    %dma_wait3A_220 = tpu.memref_slice %arg9[%dma_wait3A_209] : memref<8x!tpu.dma_semaphore, #tpu.memory_space<semaphore_mem>> -> memref<1x!tpu.dma_semaphore, #tpu.memory_space<semaphore_mem>>
    %dma_wait3A_221 = tpu.memref_squeeze %dma_wait3A_220 : memref<1x!tpu.dma_semaphore, #tpu.memory_space<semaphore_mem>> -> memref<!tpu.dma_semaphore, #tpu.memory_space<semaphore_mem>>
    tpu.wait_indirect_dma semaphore(%dma_wait3A_221 : memref<!tpu.dma_semaphore, #tpu.memory_space<semaphore_mem>>) src(%dma_wait3A_213 : memref<80x48xf32, #tpu.memory_space<vmem>>) dst(%dma_wait3A_219 : memref<10000x48xf32, #tpu.memory_space<vmem_shared>>)
    %dma_wait3A_222 = arith.constant 1 : i32
    %dma_wait3A_223 = arith.constant 1 : i32
    %dma_wait3A_224 = arith.constant 121 : i32
    %dma_wait3A_225 = arith.constant 1 : i32
    %dma_wait3A_226 = arith.constant 0 : i32
    %dma_wait3A_227 = arith.constant 0 : i32
    %dma_wait3A_228 = tpu.memref_slice %arg6[%dma_wait3A_222, %dma_wait3A_226, %dma_wait3A_227] : memref<8x80x48xf32, #tpu.memory_space<vmem>> -> memref<1x80x48xf32, #tpu.memory_space<vmem>>
    %dma_wait3A_229 = tpu.memref_squeeze %dma_wait3A_228 : memref<1x80x48xf32, #tpu.memory_space<vmem>> -> memref<80x48xf32, #tpu.memory_space<vmem>>
    %dma_wait3A_230 = arith.constant 0 : i32
    %dma_wait3A_231 = tpu.memref_slice %arg5[%dma_wait3A_223, %dma_wait3A_224, %dma_wait3A_230] : memref<2x125x80xi32, #tpu.memory_space<vmem>> -> memref<1x1x80xi32, #tpu.memory_space<vmem>>
    %dma_wait3A_232 = tpu.memref_squeeze %dma_wait3A_231 : memref<1x1x80xi32, #tpu.memory_space<vmem>> -> memref<80xi32, #tpu.memory_space<vmem>>
    %dma_wait3A_233 = arith.constant 0 : i32
    %dma_wait3A_234 = arith.constant 0 : i32
    %dma_wait3A_235 = tpu.memref_slice %arg7[%dma_wait3A_233, %dma_wait3A_234] : memref<10000x48xf32, #tpu.memory_space<vmem_shared>> -> memref<10000x48xf32, #tpu.memory_space<vmem_shared>>
    %dma_wait3A_236 = tpu.memref_slice %arg9[%dma_wait3A_225] : memref<8x!tpu.dma_semaphore, #tpu.memory_space<semaphore_mem>> -> memref<1x!tpu.dma_semaphore, #tpu.memory_space<semaphore_mem>>
    %dma_wait3A_237 = tpu.memref_squeeze %dma_wait3A_236 : memref<1x!tpu.dma_semaphore, #tpu.memory_space<semaphore_mem>> -> memref<!tpu.dma_semaphore, #tpu.memory_space<semaphore_mem>>
    tpu.wait_indirect_dma semaphore(%dma_wait3A_237 : memref<!tpu.dma_semaphore, #tpu.memory_space<semaphore_mem>>) src(%dma_wait3A_229 : memref<80x48xf32, #tpu.memory_space<vmem>>) dst(%dma_wait3A_235 : memref<10000x48xf32, #tpu.memory_space<vmem_shared>>)
    %dma_wait3A_238 = arith.constant 2 : i32
    %dma_wait3A_239 = arith.constant 1 : i32
    %dma_wait3A_240 = arith.constant 122 : i32
    %dma_wait3A_241 = arith.constant 2 : i32
    %dma_wait3A_242 = arith.constant 0 : i32
    %dma_wait3A_243 = arith.constant 0 : i32
    %dma_wait3A_244 = tpu.memref_slice %arg6[%dma_wait3A_238, %dma_wait3A_242, %dma_wait3A_243] : memref<8x80x48xf32, #tpu.memory_space<vmem>> -> memref<1x80x48xf32, #tpu.memory_space<vmem>>
    %dma_wait3A_245 = tpu.memref_squeeze %dma_wait3A_244 : memref<1x80x48xf32, #tpu.memory_space<vmem>> -> memref<80x48xf32, #tpu.memory_space<vmem>>
    %dma_wait3A_246 = arith.constant 0 : i32
    %dma_wait3A_247 = tpu.memref_slice %arg5[%dma_wait3A_239, %dma_wait3A_240, %dma_wait3A_246] : memref<2x125x80xi32, #tpu.memory_space<vmem>> -> memref<1x1x80xi32, #tpu.memory_space<vmem>>
    %dma_wait3A_248 = tpu.memref_squeeze %dma_wait3A_247 : memref<1x1x80xi32, #tpu.memory_space<vmem>> -> memref<80xi32, #tpu.memory_space<vmem>>
    %dma_wait3A_249 = arith.constant 0 : i32
    %dma_wait3A_250 = arith.constant 0 : i32
    %dma_wait3A_251 = tpu.memref_slice %arg7[%dma_wait3A_249, %dma_wait3A_250] : memref<10000x48xf32, #tpu.memory_space<vmem_shared>> -> memref<10000x48xf32, #tpu.memory_space<vmem_shared>>
    %dma_wait3A_252 = tpu.memref_slice %arg9[%dma_wait3A_241] : memref<8x!tpu.dma_semaphore, #tpu.memory_space<semaphore_mem>> -> memref<1x!tpu.dma_semaphore, #tpu.memory_space<semaphore_mem>>
    %dma_wait3A_253 = tpu.memref_squeeze %dma_wait3A_252 : memref<1x!tpu.dma_semaphore, #tpu.memory_space<semaphore_mem>> -> memref<!tpu.dma_semaphore, #tpu.memory_space<semaphore_mem>>
    tpu.wait_indirect_dma semaphore(%dma_wait3A_253 : memref<!tpu.dma_semaphore, #tpu.memory_space<semaphore_mem>>) src(%dma_wait3A_245 : memref<80x48xf32, #tpu.memory_space<vmem>>) dst(%dma_wait3A_251 : memref<10000x48xf32, #tpu.memory_space<vmem_shared>>)
    %dma_wait3A_254 = arith.constant 3 : i32
    %dma_wait3A_255 = arith.constant 1 : i32
    %dma_wait3A_256 = arith.constant 123 : i32
    %dma_wait3A_257 = arith.constant 3 : i32
    %dma_wait3A_258 = arith.constant 0 : i32
    %dma_wait3A_259 = arith.constant 0 : i32
    %dma_wait3A_260 = tpu.memref_slice %arg6[%dma_wait3A_254, %dma_wait3A_258, %dma_wait3A_259] : memref<8x80x48xf32, #tpu.memory_space<vmem>> -> memref<1x80x48xf32, #tpu.memory_space<vmem>>
    %dma_wait3A_261 = tpu.memref_squeeze %dma_wait3A_260 : memref<1x80x48xf32, #tpu.memory_space<vmem>> -> memref<80x48xf32, #tpu.memory_space<vmem>>
    %dma_wait3A_262 = arith.constant 0 : i32
    %dma_wait3A_263 = tpu.memref_slice %arg5[%dma_wait3A_255, %dma_wait3A_256, %dma_wait3A_262] : memref<2x125x80xi32, #tpu.memory_space<vmem>> -> memref<1x1x80xi32, #tpu.memory_space<vmem>>
    %dma_wait3A_264 = tpu.memref_squeeze %dma_wait3A_263 : memref<1x1x80xi32, #tpu.memory_space<vmem>> -> memref<80xi32, #tpu.memory_space<vmem>>
    %dma_wait3A_265 = arith.constant 0 : i32
    %dma_wait3A_266 = arith.constant 0 : i32
    %dma_wait3A_267 = tpu.memref_slice %arg7[%dma_wait3A_265, %dma_wait3A_266] : memref<10000x48xf32, #tpu.memory_space<vmem_shared>> -> memref<10000x48xf32, #tpu.memory_space<vmem_shared>>
    %dma_wait3A_268 = tpu.memref_slice %arg9[%dma_wait3A_257] : memref<8x!tpu.dma_semaphore, #tpu.memory_space<semaphore_mem>> -> memref<1x!tpu.dma_semaphore, #tpu.memory_space<semaphore_mem>>
    %dma_wait3A_269 = tpu.memref_squeeze %dma_wait3A_268 : memref<1x!tpu.dma_semaphore, #tpu.memory_space<semaphore_mem>> -> memref<!tpu.dma_semaphore, #tpu.memory_space<semaphore_mem>>
    tpu.wait_indirect_dma semaphore(%dma_wait3A_269 : memref<!tpu.dma_semaphore, #tpu.memory_space<semaphore_mem>>) src(%dma_wait3A_261 : memref<80x48xf32, #tpu.memory_space<vmem>>) dst(%dma_wait3A_267 : memref<10000x48xf32, #tpu.memory_space<vmem_shared>>)
    %dma_wait3A_270 = arith.constant 4 : i32
    %dma_wait3A_271 = arith.constant 1 : i32
    %dma_wait3A_272 = arith.constant 124 : i32
    %dma_wait3A_273 = arith.constant 4 : i32
    %dma_wait3A_274 = arith.constant 0 : i32
    %dma_wait3A_275 = arith.constant 0 : i32
    %dma_wait3A_276 = tpu.memref_slice %arg6[%dma_wait3A_270, %dma_wait3A_274, %dma_wait3A_275] : memref<8x80x48xf32, #tpu.memory_space<vmem>> -> memref<1x80x48xf32, #tpu.memory_space<vmem>>
    %dma_wait3A_277 = tpu.memref_squeeze %dma_wait3A_276 : memref<1x80x48xf32, #tpu.memory_space<vmem>> -> memref<80x48xf32, #tpu.memory_space<vmem>>
    %dma_wait3A_278 = arith.constant 0 : i32
    %dma_wait3A_279 = tpu.memref_slice %arg5[%dma_wait3A_271, %dma_wait3A_272, %dma_wait3A_278] : memref<2x125x80xi32, #tpu.memory_space<vmem>> -> memref<1x1x80xi32, #tpu.memory_space<vmem>>
    %dma_wait3A_280 = tpu.memref_squeeze %dma_wait3A_279 : memref<1x1x80xi32, #tpu.memory_space<vmem>> -> memref<80xi32, #tpu.memory_space<vmem>>
    %dma_wait3A_281 = arith.constant 0 : i32
    %dma_wait3A_282 = arith.constant 0 : i32
    %dma_wait3A_283 = tpu.memref_slice %arg7[%dma_wait3A_281, %dma_wait3A_282] : memref<10000x48xf32, #tpu.memory_space<vmem_shared>> -> memref<10000x48xf32, #tpu.memory_space<vmem_shared>>
    %dma_wait3A_284 = tpu.memref_slice %arg9[%dma_wait3A_273] : memref<8x!tpu.dma_semaphore, #tpu.memory_space<semaphore_mem>> -> memref<1x!tpu.dma_semaphore, #tpu.memory_space<semaphore_mem>>
    %dma_wait3A_285 = tpu.memref_squeeze %dma_wait3A_284 : memref<1x!tpu.dma_semaphore, #tpu.memory_space<semaphore_mem>> -> memref<!tpu.dma_semaphore, #tpu.memory_space<semaphore_mem>>
    tpu.wait_indirect_dma semaphore(%dma_wait3A_285 : memref<!tpu.dma_semaphore, #tpu.memory_space<semaphore_mem>>) src(%dma_wait3A_277 : memref<80x48xf32, #tpu.memory_space<vmem>>) dst(%dma_wait3A_283 : memref<10000x48xf32, #tpu.memory_space<vmem_shared>>)
    %barrier3A_286 = arith.constant 0 : index
    tpu.barrier barrier_id(%barrier3A_286)
    "tpu.region"() ({
      %run_scoped3A = tpu.sem_alloc : memref<!tpu.dma_semaphore, #tpu.memory_space<semaphore_mem>>
      %dma_start3A_287 = arith.constant 0 : i32
      %dma_start3A_288 = tpu.memref_slice %arg4[%arg0, %mul3A_37, %dma_start3A_287] : memref<2x10000x48xf32, #tpu.memory_space<hbm>> -> memref<1x625x48xf32, #tpu.memory_space<hbm>>
      %dma_start3A_289 = tpu.memref_squeeze %dma_start3A_288 : memref<1x625x48xf32, #tpu.memory_space<hbm>> -> memref<625x48xf32, #tpu.memory_space<hbm>>
      %dma_start3A_290 = arith.constant 0 : i32
      %dma_start3A_291 = tpu.memref_slice %arg7[%mul3A_37, %dma_start3A_290] : memref<10000x48xf32, #tpu.memory_space<vmem_shared>> -> memref<625x48xf32, #tpu.memory_space<vmem_shared>>
      tpu.enqueue_dma source(%dma_start3A_291 : memref<625x48xf32, #tpu.memory_space<vmem_shared>>) target(%dma_start3A_289 : memref<625x48xf32, #tpu.memory_space<hbm>>) target_semaphore(%run_scoped3A : memref<!tpu.dma_semaphore, #tpu.memory_space<semaphore_mem>>)
      %dma_wait3A_292 = arith.constant 0 : i32
      %dma_wait3A_293 = tpu.memref_slice %arg4[%arg0, %mul3A_37, %dma_wait3A_292] : memref<2x10000x48xf32, #tpu.memory_space<hbm>> -> memref<1x625x48xf32, #tpu.memory_space<hbm>>
      %dma_wait3A_294 = tpu.memref_squeeze %dma_wait3A_293 : memref<1x625x48xf32, #tpu.memory_space<hbm>> -> memref<625x48xf32, #tpu.memory_space<hbm>>
      %dma_wait3A_295 = arith.constant 0 : i32
      %dma_wait3A_296 = tpu.memref_slice %arg7[%mul3A_37, %dma_wait3A_295] : memref<10000x48xf32, #tpu.memory_space<vmem_shared>> -> memref<625x48xf32, #tpu.memory_space<vmem_shared>>
      tpu.wait_dma2 semaphore(%run_scoped3A : memref<!tpu.dma_semaphore, #tpu.memory_space<semaphore_mem>>) src(%dma_wait3A_296 : memref<625x48xf32, #tpu.memory_space<vmem_shared>>) dst(%dma_wait3A_294 : memref<625x48xf32, #tpu.memory_space<hbm>>)
      tpu.yield
    }) : () -> ()
    return
  }
}

#map = affine_map<(d0, d1) -> (0, 0, 0, 0)>
#map1 = affine_map<(d0, d1) -> (0, 0)>
#map2 = affine_map<(d0, d1) -> (0, 0, 0)>
module attributes {stable_mosaic.version = 14 : i64} {
  func.func @_sc_conv(%arg0: i32, %arg1: i32, %arg2: memref<2x32x125x80xi32, #tpu.memory_space<hbm>>, %arg3: memref<10000x48xf32, #tpu.memory_space<hbm>>, %arg4: memref<2x10000x48xf32, #tpu.memory_space<hbm>>, %arg5: memref<2x125x80xi32, #tpu.memory_space<vmem>>, %arg6: memref<8x80x48xf32, #tpu.memory_space<vmem>>, %arg7: memref<10000x48xf32, #tpu.memory_space<vmem_shared>>, %arg8: memref<8x!tpu.dma_semaphore, #tpu.memory_space<semaphore_mem>>, %arg9: memref<8x!tpu.dma_semaphore, #tpu.memory_space<semaphore_mem>>, %arg10: memref<!tpu.dma_semaphore, #tpu.memory_space<semaphore_mem>>) attributes {dimension_semantics = [#tpu.dimension_semantics<core_parallel>, #tpu.dimension_semantics<subcore_parallel>], iteration_bounds = array<i64: 2, 16>, scalar_prefetch = 0 : i64, scratch_operands = 6 : i64, tpu.core_type = #tpu.core_type<sc_vector_subcore>, window_params = [{transform_indices = #map}, {transform_indices = #map1}, {transform_indices = #map2}]} {
    %mul3A = arith.constant 2 : i32
    %mul3A_0 = arith.muli %arg1, %mul3A : i32
    %add3A = arith.addi %mul3A_0, %arg0 : i32
    %dma_start3A = arith.constant 0 : i32
    %dma_start3A_1 = arith.constant 0 : i32
    %dma_start3A_2 = arith.constant 0 : i32
    %dma_start3A_3 = arith.constant 0 : i32
    %dma_start3A_4 = tpu.memref_slice %arg5[%dma_start3A_1, %dma_start3A_2, %dma_start3A_3] : memref<2x125x80xi32, #tpu.memory_space<vmem>> -> memref<1x125x80xi32, #tpu.memory_space<vmem>>
    %dma_start3A_5 = tpu.memref_squeeze %dma_start3A_4 : memref<1x125x80xi32, #tpu.memory_space<vmem>> -> memref<125x80xi32, #tpu.memory_space<vmem>>
    %dma_start3A_6 = arith.constant 0 : i32
    %dma_start3A_7 = arith.constant 0 : i32
    %dma_start3A_8 = tpu.memref_slice %arg2[%dma_start3A, %add3A, %dma_start3A_6, %dma_start3A_7] : memref<2x32x125x80xi32, #tpu.memory_space<hbm>> -> memref<1x1x125x80xi32, #tpu.memory_space<hbm>>
    %dma_start3A_9 = tpu.memref_squeeze %dma_start3A_8 : memref<1x1x125x80xi32, #tpu.memory_space<hbm>> -> memref<125x80xi32, #tpu.memory_space<hbm>>
    %dma_start3A_10 = arith.constant 0 : i32
    %dma_start3A_11 = arith.constant 0 : i32
    %dma_start3A_12 = tpu.memref_slice %arg5[%dma_start3A_1, %dma_start3A_10, %dma_start3A_11] : memref<2x125x80xi32, #tpu.memory_space<vmem>> -> memref<1x125x80xi32, #tpu.memory_space<vmem>>
    %dma_start3A_13 = tpu.memref_squeeze %dma_start3A_12 : memref<1x125x80xi32, #tpu.memory_space<vmem>> -> memref<125x80xi32, #tpu.memory_space<vmem>>
    %dma_start3A_14 = arith.constant 0 : i32
    %dma_start3A_15 = arith.constant 0 : i32
    %dma_start3A_16 = tpu.memref_slice %arg2[%dma_start3A, %add3A, %dma_start3A_14, %dma_start3A_15] : memref<2x32x125x80xi32, #tpu.memory_space<hbm>> -> memref<1x1x125x80xi32, #tpu.memory_space<hbm>>
    %dma_start3A_17 = tpu.memref_squeeze %dma_start3A_16 : memref<1x1x125x80xi32, #tpu.memory_space<hbm>> -> memref<125x80xi32, #tpu.memory_space<hbm>>
    tpu.enqueue_dma source(%dma_start3A_17 : memref<125x80xi32, #tpu.memory_space<hbm>>) target(%dma_start3A_13 : memref<125x80xi32, #tpu.memory_space<vmem>>) target_semaphore(%arg10 : memref<!tpu.dma_semaphore, #tpu.memory_space<semaphore_mem>>)
    %dma_start3A_18 = arith.constant 1 : i32
    %dma_start3A_19 = arith.constant 1 : i32
    %dma_start3A_20 = arith.constant 0 : i32
    %dma_start3A_21 = arith.constant 0 : i32
    %dma_start3A_22 = tpu.memref_slice %arg5[%dma_start3A_19, %dma_start3A_20, %dma_start3A_21] : memref<2x125x80xi32, #tpu.memory_space<vmem>> -> memref<1x125x80xi32, #tpu.memory_space<vmem>>
    %dma_start3A_23 = tpu.memref_squeeze %dma_start3A_22 : memref<1x125x80xi32, #tpu.memory_space<vmem>> -> memref<125x80xi32, #tpu.memory_space<vmem>>
    %dma_start3A_24 = arith.constant 0 : i32
    %dma_start3A_25 = arith.constant 0 : i32
    %dma_start3A_26 = tpu.memref_slice %arg2[%dma_start3A_18, %add3A, %dma_start3A_24, %dma_start3A_25] : memref<2x32x125x80xi32, #tpu.memory_space<hbm>> -> memref<1x1x125x80xi32, #tpu.memory_space<hbm>>
    %dma_start3A_27 = tpu.memref_squeeze %dma_start3A_26 : memref<1x1x125x80xi32, #tpu.memory_space<hbm>> -> memref<125x80xi32, #tpu.memory_space<hbm>>
    %dma_start3A_28 = arith.constant 0 : i32
    %dma_start3A_29 = arith.constant 0 : i32
    %dma_start3A_30 = tpu.memref_slice %arg5[%dma_start3A_19, %dma_start3A_28, %dma_start3A_29] : memref<2x125x80xi32, #tpu.memory_space<vmem>> -> memref<1x125x80xi32, #tpu.memory_space<vmem>>
    %dma_start3A_31 = tpu.memref_squeeze %dma_start3A_30 : memref<1x125x80xi32, #tpu.memory_space<vmem>> -> memref<125x80xi32, #tpu.memory_space<vmem>>
    %dma_start3A_32 = arith.constant 0 : i32
    %dma_start3A_33 = arith.constant 0 : i32
    %dma_start3A_34 = tpu.memref_slice %arg2[%dma_start3A_18, %add3A, %dma_start3A_32, %dma_start3A_33] : memref<2x32x125x80xi32, #tpu.memory_space<hbm>> -> memref<1x1x125x80xi32, #tpu.memory_space<hbm>>
    %dma_start3A_35 = tpu.memref_squeeze %dma_start3A_34 : memref<1x1x125x80xi32, #tpu.memory_space<hbm>> -> memref<125x80xi32, #tpu.memory_space<hbm>>
    tpu.enqueue_dma source(%dma_start3A_35 : memref<125x80xi32, #tpu.memory_space<hbm>>) target(%dma_start3A_31 : memref<125x80xi32, #tpu.memory_space<vmem>>) target_semaphore(%arg10 : memref<!tpu.dma_semaphore, #tpu.memory_space<semaphore_mem>>)
    %mul3A_36 = arith.constant 625 : i32
    %mul3A_37 = arith.muli %arg1, %mul3A_36 : i32
    "tpu.region"() ({
      %run_scoped3A = tpu.sem_alloc : memref<!tpu.dma_semaphore, #tpu.memory_space<semaphore_mem>>
      %dma_start3A_287 = arith.constant 0 : i32
      %dma_start3A_288 = tpu.memref_slice %arg7[%mul3A_37, %dma_start3A_287] : memref<10000x48xf32, #tpu.memory_space<vmem_shared>> -> memref<625x48xf32, #tpu.memory_space<vmem_shared>>
      %dma_start3A_289 = arith.constant 0 : i32
      %dma_start3A_290 = tpu.memref_slice %arg3[%mul3A_37, %dma_start3A_289] : memref<10000x48xf32, #tpu.memory_space<hbm>> -> memref<625x48xf32, #tpu.memory_space<hbm>>
      tpu.enqueue_dma source(%dma_start3A_290 : memref<625x48xf32, #tpu.memory_space<hbm>>) target(%dma_start3A_288 : memref<625x48xf32, #tpu.memory_space<vmem_shared>>) target_semaphore(%run_scoped3A : memref<!tpu.dma_semaphore, #tpu.memory_space<semaphore_mem>>)
      %dma_wait3A_291 = arith.constant 0 : i32
      %dma_wait3A_292 = tpu.memref_slice %arg7[%mul3A_37, %dma_wait3A_291] : memref<10000x48xf32, #tpu.memory_space<vmem_shared>> -> memref<625x48xf32, #tpu.memory_space<vmem_shared>>
      %dma_wait3A_293 = arith.constant 0 : i32
      %dma_wait3A_294 = tpu.memref_slice %arg3[%mul3A_37, %dma_wait3A_293] : memref<10000x48xf32, #tpu.memory_space<hbm>> -> memref<625x48xf32, #tpu.memory_space<hbm>>
      tpu.wait_dma2 semaphore(%run_scoped3A : memref<!tpu.dma_semaphore, #tpu.memory_space<semaphore_mem>>) src(%dma_wait3A_294 : memref<625x48xf32, #tpu.memory_space<hbm>>) dst(%dma_wait3A_292 : memref<625x48xf32, #tpu.memory_space<vmem_shared>>)
      tpu.yield
    }) : () -> ()
    %dma_wait3A = arith.constant 0 : i32
    %dma_wait3A_38 = arith.constant 0 : i32
    %dma_wait3A_39 = arith.constant 0 : i32
    %dma_wait3A_40 = arith.constant 0 : i32
    %dma_wait3A_41 = tpu.memref_slice %arg5[%dma_wait3A_38, %dma_wait3A_39, %dma_wait3A_40] : memref<2x125x80xi32, #tpu.memory_space<vmem>> -> memref<1x125x80xi32, #tpu.memory_space<vmem>>
    %dma_wait3A_42 = tpu.memref_squeeze %dma_wait3A_41 : memref<1x125x80xi32, #tpu.memory_space<vmem>> -> memref<125x80xi32, #tpu.memory_space<vmem>>
    %dma_wait3A_43 = arith.constant 0 : i32
    %dma_wait3A_44 = arith.constant 0 : i32
    %dma_wait3A_45 = tpu.memref_slice %arg2[%dma_wait3A, %add3A, %dma_wait3A_43, %dma_wait3A_44] : memref<2x32x125x80xi32, #tpu.memory_space<hbm>> -> memref<1x1x125x80xi32, #tpu.memory_space<hbm>>
    %dma_wait3A_46 = tpu.memref_squeeze %dma_wait3A_45 : memref<1x1x125x80xi32, #tpu.memory_space<hbm>> -> memref<125x80xi32, #tpu.memory_space<hbm>>
    %dma_wait3A_47 = arith.constant 0 : i32
    %dma_wait3A_48 = arith.constant 0 : i32
    %dma_wait3A_49 = tpu.memref_slice %arg5[%dma_wait3A_38, %dma_wait3A_47, %dma_wait3A_48] : memref<2x125x80xi32, #tpu.memory_space<vmem>> -> memref<1x125x80xi32, #tpu.memory_space<vmem>>
    %dma_wait3A_50 = tpu.memref_squeeze %dma_wait3A_49 : memref<1x125x80xi32, #tpu.memory_space<vmem>> -> memref<125x80xi32, #tpu.memory_space<vmem>>
    %dma_wait3A_51 = arith.constant 0 : i32
    %dma_wait3A_52 = arith.constant 0 : i32
    %dma_wait3A_53 = tpu.memref_slice %arg2[%dma_wait3A, %add3A, %dma_wait3A_51, %dma_wait3A_52] : memref<2x32x125x80xi32, #tpu.memory_space<hbm>> -> memref<1x1x125x80xi32, #tpu.memory_space<hbm>>
    %dma_wait3A_54 = tpu.memref_squeeze %dma_wait3A_53 : memref<1x1x125x80xi32, #tpu.memory_space<hbm>> -> memref<125x80xi32, #tpu.memory_space<hbm>>
    tpu.wait_dma2 semaphore(%arg10 : memref<!tpu.dma_semaphore, #tpu.memory_space<semaphore_mem>>) src(%dma_wait3A_54 : memref<125x80xi32, #tpu.memory_space<hbm>>) dst(%dma_wait3A_50 : memref<125x80xi32, #tpu.memory_space<vmem>>)
    %dma_wait3A_55 = arith.constant 1 : i32
    %dma_wait3A_56 = arith.constant 1 : i32
    %dma_wait3A_57 = arith.constant 0 : i32
    %dma_wait3A_58 = arith.constant 0 : i32
    %dma_wait3A_59 = tpu.memref_slice %arg5[%dma_wait3A_56, %dma_wait3A_57, %dma_wait3A_58] : memref<2x125x80xi32, #tpu.memory_space<vmem>> -> memref<1x125x80xi32, #tpu.memory_space<vmem>>
    %dma_wait3A_60 = tpu.memref_squeeze %dma_wait3A_59 : memref<1x125x80xi32, #tpu.memory_space<vmem>> -> memref<125x80xi32, #tpu.memory_space<vmem>>
    %dma_wait3A_61 = arith.constant 0 : i32
    %dma_wait3A_62 = arith.constant 0 : i32
    %dma_wait3A_63 = tpu.memref_slice %arg2[%dma_wait3A_55, %add3A, %dma_wait3A_61, %dma_wait3A_62] : memref<2x32x125x80xi32, #tpu.memory_space<hbm>> -> memref<1x1x125x80xi32, #tpu.memory_space<hbm>>
    %dma_wait3A_64 = tpu.memref_squeeze %dma_wait3A_63 : memref<1x1x125x80xi32, #tpu.memory_space<hbm>> -> memref<125x80xi32, #tpu.memory_space<hbm>>
    %dma_wait3A_65 = arith.constant 0 : i32
    %dma_wait3A_66 = arith.constant 0 : i32
    %dma_wait3A_67 = tpu.memref_slice %arg5[%dma_wait3A_56, %dma_wait3A_65, %dma_wait3A_66] : memref<2x125x80xi32, #tpu.memory_space<vmem>> -> memref<1x125x80xi32, #tpu.memory_space<vmem>>
    %dma_wait3A_68 = tpu.memref_squeeze %dma_wait3A_67 : memref<1x125x80xi32, #tpu.memory_space<vmem>> -> memref<125x80xi32, #tpu.memory_space<vmem>>
    %dma_wait3A_69 = arith.constant 0 : i32
    %dma_wait3A_70 = arith.constant 0 : i32
    %dma_wait3A_71 = tpu.memref_slice %arg2[%dma_wait3A_55, %add3A, %dma_wait3A_69, %dma_wait3A_70] : memref<2x32x125x80xi32, #tpu.memory_space<hbm>> -> memref<1x1x125x80xi32, #tpu.memory_space<hbm>>
    %dma_wait3A_72 = tpu.memref_squeeze %dma_wait3A_71 : memref<1x1x125x80xi32, #tpu.memory_space<hbm>> -> memref<125x80xi32, #tpu.memory_space<hbm>>
    tpu.wait_dma2 semaphore(%arg10 : memref<!tpu.dma_semaphore, #tpu.memory_space<semaphore_mem>>) src(%dma_wait3A_72 : memref<125x80xi32, #tpu.memory_space<hbm>>) dst(%dma_wait3A_68 : memref<125x80xi32, #tpu.memory_space<vmem>>)
    %barrier3A = arith.constant 0 : index
    tpu.barrier barrier_id(%barrier3A)
    %dma_start3A_73 = arith.constant 0 : i32
    %dma_start3A_74 = arith.constant 0 : i32
    %dma_start3A_75 = arith.constant 0 : i32
    %dma_start3A_76 = arith.constant 0 : i32
    %dma_start3A_77 = arith.constant 0 : i32
    %dma_start3A_78 = arith.constant 0 : i32
    %dma_start3A_79 = tpu.memref_slice %arg6[%dma_start3A_75, %dma_start3A_77, %dma_start3A_78] : memref<8x80x48xf32, #tpu.memory_space<vmem>> -> memref<1x80x48xf32, #tpu.memory_space<vmem>>
    %dma_start3A_80 = tpu.memref_squeeze %dma_start3A_79 : memref<1x80x48xf32, #tpu.memory_space<vmem>> -> memref<80x48xf32, #tpu.memory_space<vmem>>
    %dma_start3A_81 = arith.constant 0 : i32
    %dma_start3A_82 = tpu.memref_slice %arg5[%dma_start3A_73, %dma_start3A_74, %dma_start3A_81] : memref<2x125x80xi32, #tpu.memory_space<vmem>> -> memref<1x1x80xi32, #tpu.memory_space<vmem>>
    %dma_start3A_83 = tpu.memref_squeeze %dma_start3A_82 : memref<1x1x80xi32, #tpu.memory_space<vmem>> -> memref<80xi32, #tpu.memory_space<vmem>>
    %dma_start3A_84 = arith.constant 0 : i32
    %dma_start3A_85 = arith.constant 0 : i32
    %dma_start3A_86 = tpu.memref_slice %arg3[%dma_start3A_84, %dma_start3A_85] : memref<10000x48xf32, #tpu.memory_space<hbm>> -> memref<10000x48xf32, #tpu.memory_space<hbm>>
    %dma_start3A_87 = tpu.memref_slice %arg8[%dma_start3A_76] : memref<8x!tpu.dma_semaphore, #tpu.memory_space<semaphore_mem>> -> memref<1x!tpu.dma_semaphore, #tpu.memory_space<semaphore_mem>>
    %dma_start3A_88 = tpu.memref_squeeze %dma_start3A_87 : memref<1x!tpu.dma_semaphore, #tpu.memory_space<semaphore_mem>> -> memref<!tpu.dma_semaphore, #tpu.memory_space<semaphore_mem>>
    tpu.enqueue_indirect_dma source(%dma_start3A_86 : memref<10000x48xf32, #tpu.memory_space<hbm>>) target(%dma_start3A_80 : memref<80x48xf32, #tpu.memory_space<vmem>>) offsets(%dma_start3A_83 : memref<80xi32, #tpu.memory_space<vmem>>) semaphore(%dma_start3A_88 : memref<!tpu.dma_semaphore, #tpu.memory_space<semaphore_mem>>)
    %dma_start3A_89 = arith.constant 0 : i32
    %dma_start3A_90 = arith.constant 1 : i32
    %dma_start3A_91 = arith.constant 1 : i32
    %dma_start3A_92 = arith.constant 1 : i32
    %dma_start3A_93 = arith.constant 0 : i32
    %dma_start3A_94 = arith.constant 0 : i32
    %dma_start3A_95 = tpu.memref_slice %arg6[%dma_start3A_91, %dma_start3A_93, %dma_start3A_94] : memref<8x80x48xf32, #tpu.memory_space<vmem>> -> memref<1x80x48xf32, #tpu.memory_space<vmem>>
    %dma_start3A_96 = tpu.memref_squeeze %dma_start3A_95 : memref<1x80x48xf32, #tpu.memory_space<vmem>> -> memref<80x48xf32, #tpu.memory_space<vmem>>
    %dma_start3A_97 = arith.constant 0 : i32
    %dma_start3A_98 = tpu.memref_slice %arg5[%dma_start3A_89, %dma_start3A_90, %dma_start3A_97] : memref<2x125x80xi32, #tpu.memory_space<vmem>> -> memref<1x1x80xi32, #tpu.memory_space<vmem>>
    %dma_start3A_99 = tpu.memref_squeeze %dma_start3A_98 : memref<1x1x80xi32, #tpu.memory_space<vmem>> -> memref<80xi32, #tpu.memory_space<vmem>>
    %dma_start3A_100 = arith.constant 0 : i32
    %dma_start3A_101 = arith.constant 0 : i32
    %dma_start3A_102 = tpu.memref_slice %arg3[%dma_start3A_100, %dma_start3A_101] : memref<10000x48xf32, #tpu.memory_space<hbm>> -> memref<10000x48xf32, #tpu.memory_space<hbm>>
    %dma_start3A_103 = tpu.memref_slice %arg8[%dma_start3A_92] : memref<8x!tpu.dma_semaphore, #tpu.memory_space<semaphore_mem>> -> memref<1x!tpu.dma_semaphore, #tpu.memory_space<semaphore_mem>>
    %dma_start3A_104 = tpu.memref_squeeze %dma_start3A_103 : memref<1x!tpu.dma_semaphore, #tpu.memory_space<semaphore_mem>> -> memref<!tpu.dma_semaphore, #tpu.memory_space<semaphore_mem>>
    tpu.enqueue_indirect_dma source(%dma_start3A_102 : memref<10000x48xf32, #tpu.memory_space<hbm>>) target(%dma_start3A_96 : memref<80x48xf32, #tpu.memory_space<vmem>>) offsets(%dma_start3A_99 : memref<80xi32, #tpu.memory_space<vmem>>) semaphore(%dma_start3A_104 : memref<!tpu.dma_semaphore, #tpu.memory_space<semaphore_mem>>)
    %dma_start3A_105 = arith.constant 0 : i32
    %dma_start3A_106 = arith.constant 2 : i32
    %dma_start3A_107 = arith.constant 2 : i32
    %dma_start3A_108 = arith.constant 2 : i32
    %dma_start3A_109 = arith.constant 0 : i32
    %dma_start3A_110 = arith.constant 0 : i32
    %dma_start3A_111 = tpu.memref_slice %arg6[%dma_start3A_107, %dma_start3A_109, %dma_start3A_110] : memref<8x80x48xf32, #tpu.memory_space<vmem>> -> memref<1x80x48xf32, #tpu.memory_space<vmem>>
    %dma_start3A_112 = tpu.memref_squeeze %dma_start3A_111 : memref<1x80x48xf32, #tpu.memory_space<vmem>> -> memref<80x48xf32, #tpu.memory_space<vmem>>
    %dma_start3A_113 = arith.constant 0 : i32
    %dma_start3A_114 = tpu.memref_slice %arg5[%dma_start3A_105, %dma_start3A_106, %dma_start3A_113] : memref<2x125x80xi32, #tpu.memory_space<vmem>> -> memref<1x1x80xi32, #tpu.memory_space<vmem>>
    %dma_start3A_115 = tpu.memref_squeeze %dma_start3A_114 : memref<1x1x80xi32, #tpu.memory_space<vmem>> -> memref<80xi32, #tpu.memory_space<vmem>>
    %dma_start3A_116 = arith.constant 0 : i32
    %dma_start3A_117 = arith.constant 0 : i32
    %dma_start3A_118 = tpu.memref_slice %arg3[%dma_start3A_116, %dma_start3A_117] : memref<10000x48xf32, #tpu.memory_space<hbm>> -> memref<10000x48xf32, #tpu.memory_space<hbm>>
    %dma_start3A_119 = tpu.memref_slice %arg8[%dma_start3A_108] : memref<8x!tpu.dma_semaphore, #tpu.memory_space<semaphore_mem>> -> memref<1x!tpu.dma_semaphore, #tpu.memory_space<semaphore_mem>>
    %dma_start3A_120 = tpu.memref_squeeze %dma_start3A_119 : memref<1x!tpu.dma_semaphore, #tpu.memory_space<semaphore_mem>> -> memref<!tpu.dma_semaphore, #tpu.memory_space<semaphore_mem>>
    tpu.enqueue_indirect_dma source(%dma_start3A_118 : memref<10000x48xf32, #tpu.memory_space<hbm>>) target(%dma_start3A_112 : memref<80x48xf32, #tpu.memory_space<vmem>>) offsets(%dma_start3A_115 : memref<80xi32, #tpu.memory_space<vmem>>) semaphore(%dma_start3A_120 : memref<!tpu.dma_semaphore, #tpu.memory_space<semaphore_mem>>)
    %dma_start3A_121 = arith.constant 0 : i32
    %dma_start3A_122 = arith.constant 3 : i32
    %dma_start3A_123 = arith.constant 3 : i32
    %dma_start3A_124 = arith.constant 3 : i32
    %dma_start3A_125 = arith.constant 0 : i32
    %dma_start3A_126 = arith.constant 0 : i32
    %dma_start3A_127 = tpu.memref_slice %arg6[%dma_start3A_123, %dma_start3A_125, %dma_start3A_126] : memref<8x80x48xf32, #tpu.memory_space<vmem>> -> memref<1x80x48xf32, #tpu.memory_space<vmem>>
    %dma_start3A_128 = tpu.memref_squeeze %dma_start3A_127 : memref<1x80x48xf32, #tpu.memory_space<vmem>> -> memref<80x48xf32, #tpu.memory_space<vmem>>
    %dma_start3A_129 = arith.constant 0 : i32
    %dma_start3A_130 = tpu.memref_slice %arg5[%dma_start3A_121, %dma_start3A_122, %dma_start3A_129] : memref<2x125x80xi32, #tpu.memory_space<vmem>> -> memref<1x1x80xi32, #tpu.memory_space<vmem>>
    %dma_start3A_131 = tpu.memref_squeeze %dma_start3A_130 : memref<1x1x80xi32, #tpu.memory_space<vmem>> -> memref<80xi32, #tpu.memory_space<vmem>>
    %dma_start3A_132 = arith.constant 0 : i32
    %dma_start3A_133 = arith.constant 0 : i32
    %dma_start3A_134 = tpu.memref_slice %arg3[%dma_start3A_132, %dma_start3A_133] : memref<10000x48xf32, #tpu.memory_space<hbm>> -> memref<10000x48xf32, #tpu.memory_space<hbm>>
    %dma_start3A_135 = tpu.memref_slice %arg8[%dma_start3A_124] : memref<8x!tpu.dma_semaphore, #tpu.memory_space<semaphore_mem>> -> memref<1x!tpu.dma_semaphore, #tpu.memory_space<semaphore_mem>>
    %dma_start3A_136 = tpu.memref_squeeze %dma_start3A_135 : memref<1x!tpu.dma_semaphore, #tpu.memory_space<semaphore_mem>> -> memref<!tpu.dma_semaphore, #tpu.memory_space<semaphore_mem>>
    tpu.enqueue_indirect_dma source(%dma_start3A_134 : memref<10000x48xf32, #tpu.memory_space<hbm>>) target(%dma_start3A_128 : memref<80x48xf32, #tpu.memory_space<vmem>>) offsets(%dma_start3A_131 : memref<80xi32, #tpu.memory_space<vmem>>) semaphore(%dma_start3A_136 : memref<!tpu.dma_semaphore, #tpu.memory_space<semaphore_mem>>)
    %dma_start3A_137 = arith.constant 0 : i32
    %dma_start3A_138 = arith.constant 4 : i32
    %dma_start3A_139 = arith.constant 4 : i32
    %dma_start3A_140 = arith.constant 4 : i32
    %dma_start3A_141 = arith.constant 0 : i32
    %dma_start3A_142 = arith.constant 0 : i32
    %dma_start3A_143 = tpu.memref_slice %arg6[%dma_start3A_139, %dma_start3A_141, %dma_start3A_142] : memref<8x80x48xf32, #tpu.memory_space<vmem>> -> memref<1x80x48xf32, #tpu.memory_space<vmem>>
    %dma_start3A_144 = tpu.memref_squeeze %dma_start3A_143 : memref<1x80x48xf32, #tpu.memory_space<vmem>> -> memref<80x48xf32, #tpu.memory_space<vmem>>
    %dma_start3A_145 = arith.constant 0 : i32
    %dma_start3A_146 = tpu.memref_slice %arg5[%dma_start3A_137, %dma_start3A_138, %dma_start3A_145] : memref<2x125x80xi32, #tpu.memory_space<vmem>> -> memref<1x1x80xi32, #tpu.memory_space<vmem>>
    %dma_start3A_147 = tpu.memref_squeeze %dma_start3A_146 : memref<1x1x80xi32, #tpu.memory_space<vmem>> -> memref<80xi32, #tpu.memory_space<vmem>>
    %dma_start3A_148 = arith.constant 0 : i32
    %dma_start3A_149 = arith.constant 0 : i32
    %dma_start3A_150 = tpu.memref_slice %arg3[%dma_start3A_148, %dma_start3A_149] : memref<10000x48xf32, #tpu.memory_space<hbm>> -> memref<10000x48xf32, #tpu.memory_space<hbm>>
    %dma_start3A_151 = tpu.memref_slice %arg8[%dma_start3A_140] : memref<8x!tpu.dma_semaphore, #tpu.memory_space<semaphore_mem>> -> memref<1x!tpu.dma_semaphore, #tpu.memory_space<semaphore_mem>>
    %dma_start3A_152 = tpu.memref_squeeze %dma_start3A_151 : memref<1x!tpu.dma_semaphore, #tpu.memory_space<semaphore_mem>> -> memref<!tpu.dma_semaphore, #tpu.memory_space<semaphore_mem>>
    tpu.enqueue_indirect_dma source(%dma_start3A_150 : memref<10000x48xf32, #tpu.memory_space<hbm>>) target(%dma_start3A_144 : memref<80x48xf32, #tpu.memory_space<vmem>>) offsets(%dma_start3A_147 : memref<80xi32, #tpu.memory_space<vmem>>) semaphore(%dma_start3A_152 : memref<!tpu.dma_semaphore, #tpu.memory_space<semaphore_mem>>)
    %scan3A = arith.constant 0 : i32
    %scan3A_153 = arith.constant 0 : i32
    %scan3A_154 = arith.constant 125 : i32
    %scan3A_155 = arith.addi %scan3A_153, %scan3A_154 : i32
    %scan3A_156 = arith.constant 1 : i32
    scf.for %scan3A_287 = %scan3A_153 to %scan3A_155 step %scan3A_156  : i32 {
      %add3A_288 = arith.constant 5 : i32
      %add3A_289 = arith.addi %scan3A_287, %add3A_288 : i32
      %rem3A = arith.constant 8 : i32
      %rem3A_290 = arith.remsi %scan3A_287, %rem3A : i32
      %rem3A_291 = arith.constant 8 : i32
      %rem3A_292 = arith.remsi %add3A_289, %rem3A_291 : i32
      %lt3A = arith.constant 125 : i32
      %lt3A_293 = arith.cmpi slt, %add3A_289, %lt3A : i32
      %convert_element_type3A = arith.extui %lt3A_293 : i1 to i32
      %cond3A = arith.constant 0 : i32
      %cond3A_294 = arith.cmpi ne, %convert_element_type3A, %cond3A : i32
      scf.if %cond3A_294 {
        %ge3A = arith.constant 8 : i32
        %ge3A_321 = arith.cmpi sge, %add3A_289, %ge3A : i32
        %convert_element_type3A_322 = arith.extui %ge3A_321 : i1 to i32
        %cond3A_323 = arith.constant 0 : i32
        %cond3A_324 = arith.cmpi ne, %convert_element_type3A_322, %cond3A_323 : i32
        scf.if %cond3A_324 {
          %sub3A = arith.constant 8 : i32
          %sub3A_338 = arith.subi %add3A_289, %sub3A : i32
          %dma_wait3A_339 = arith.constant 1 : i32
          %dma_wait3A_340 = arith.constant 0 : i32
          %dma_wait3A_341 = arith.constant 0 : i32
          %dma_wait3A_342 = tpu.memref_slice %arg6[%rem3A_292, %dma_wait3A_340, %dma_wait3A_341] : memref<8x80x48xf32, #tpu.memory_space<vmem>> -> memref<1x80x48xf32, #tpu.memory_space<vmem>>
          %dma_wait3A_343 = tpu.memref_squeeze %dma_wait3A_342 : memref<1x80x48xf32, #tpu.memory_space<vmem>> -> memref<80x48xf32, #tpu.memory_space<vmem>>
          %dma_wait3A_344 = arith.constant 0 : i32
          %dma_wait3A_345 = tpu.memref_slice %arg5[%dma_wait3A_339, %sub3A_338, %dma_wait3A_344] : memref<2x125x80xi32, #tpu.memory_space<vmem>> -> memref<1x1x80xi32, #tpu.memory_space<vmem>>
          %dma_wait3A_346 = tpu.memref_squeeze %dma_wait3A_345 : memref<1x1x80xi32, #tpu.memory_space<vmem>> -> memref<80xi32, #tpu.memory_space<vmem>>
          %dma_wait3A_347 = arith.constant 0 : i32
          %dma_wait3A_348 = arith.constant 0 : i32
          %dma_wait3A_349 = tpu.memref_slice %arg7[%dma_wait3A_347, %dma_wait3A_348] : memref<10000x48xf32, #tpu.memory_space<vmem_shared>> -> memref<10000x48xf32, #tpu.memory_space<vmem_shared>>
          %dma_wait3A_350 = tpu.memref_slice %arg9[%rem3A_292] : memref<8x!tpu.dma_semaphore, #tpu.memory_space<semaphore_mem>> -> memref<1x!tpu.dma_semaphore, #tpu.memory_space<semaphore_mem>>
          %dma_wait3A_351 = tpu.memref_squeeze %dma_wait3A_350 : memref<1x!tpu.dma_semaphore, #tpu.memory_space<semaphore_mem>> -> memref<!tpu.dma_semaphore, #tpu.memory_space<semaphore_mem>>
          tpu.wait_indirect_dma semaphore(%dma_wait3A_351 : memref<!tpu.dma_semaphore, #tpu.memory_space<semaphore_mem>>) src(%dma_wait3A_343 : memref<80x48xf32, #tpu.memory_space<vmem>>) dst(%dma_wait3A_349 : memref<10000x48xf32, #tpu.memory_space<vmem_shared>>)
        } else {
        }
        %dma_start3A_325 = arith.constant 0 : i32
        %dma_start3A_326 = arith.constant 0 : i32
        %dma_start3A_327 = arith.constant 0 : i32
        %dma_start3A_328 = tpu.memref_slice %arg6[%rem3A_292, %dma_start3A_326, %dma_start3A_327] : memref<8x80x48xf32, #tpu.memory_space<vmem>> -> memref<1x80x48xf32, #tpu.memory_space<vmem>>
        %dma_start3A_329 = tpu.memref_squeeze %dma_start3A_328 : memref<1x80x48xf32, #tpu.memory_space<vmem>> -> memref<80x48xf32, #tpu.memory_space<vmem>>
        %dma_start3A_330 = arith.constant 0 : i32
        %dma_start3A_331 = tpu.memref_slice %arg5[%dma_start3A_325, %add3A_289, %dma_start3A_330] : memref<2x125x80xi32, #tpu.memory_space<vmem>> -> memref<1x1x80xi32, #tpu.memory_space<vmem>>
        %dma_start3A_332 = tpu.memref_squeeze %dma_start3A_331 : memref<1x1x80xi32, #tpu.memory_space<vmem>> -> memref<80xi32, #tpu.memory_space<vmem>>
        %dma_start3A_333 = arith.constant 0 : i32
        %dma_start3A_334 = arith.constant 0 : i32
        %dma_start3A_335 = tpu.memref_slice %arg3[%dma_start3A_333, %dma_start3A_334] : memref<10000x48xf32, #tpu.memory_space<hbm>> -> memref<10000x48xf32, #tpu.memory_space<hbm>>
        %dma_start3A_336 = tpu.memref_slice %arg8[%rem3A_292] : memref<8x!tpu.dma_semaphore, #tpu.memory_space<semaphore_mem>> -> memref<1x!tpu.dma_semaphore, #tpu.memory_space<semaphore_mem>>
        %dma_start3A_337 = tpu.memref_squeeze %dma_start3A_336 : memref<1x!tpu.dma_semaphore, #tpu.memory_space<semaphore_mem>> -> memref<!tpu.dma_semaphore, #tpu.memory_space<semaphore_mem>>
        tpu.enqueue_indirect_dma source(%dma_start3A_335 : memref<10000x48xf32, #tpu.memory_space<hbm>>) target(%dma_start3A_329 : memref<80x48xf32, #tpu.memory_space<vmem>>) offsets(%dma_start3A_332 : memref<80xi32, #tpu.memory_space<vmem>>) semaphore(%dma_start3A_337 : memref<!tpu.dma_semaphore, #tpu.memory_space<semaphore_mem>>)
      } else {
      }
      %dma_wait3A_295 = arith.constant 0 : i32
      %dma_wait3A_296 = arith.constant 0 : i32
      %dma_wait3A_297 = arith.constant 0 : i32
      %dma_wait3A_298 = tpu.memref_slice %arg6[%rem3A_290, %dma_wait3A_296, %dma_wait3A_297] : memref<8x80x48xf32, #tpu.memory_space<vmem>> -> memref<1x80x48xf32, #tpu.memory_space<vmem>>
      %dma_wait3A_299 = tpu.memref_squeeze %dma_wait3A_298 : memref<1x80x48xf32, #tpu.memory_space<vmem>> -> memref<80x48xf32, #tpu.memory_space<vmem>>
      %dma_wait3A_300 = arith.constant 0 : i32
      %dma_wait3A_301 = tpu.memref_slice %arg5[%dma_wait3A_295, %scan3A_287, %dma_wait3A_300] : memref<2x125x80xi32, #tpu.memory_space<vmem>> -> memref<1x1x80xi32, #tpu.memory_space<vmem>>
      %dma_wait3A_302 = tpu.memref_squeeze %dma_wait3A_301 : memref<1x1x80xi32, #tpu.memory_space<vmem>> -> memref<80xi32, #tpu.memory_space<vmem>>
      %dma_wait3A_303 = arith.constant 0 : i32
      %dma_wait3A_304 = arith.constant 0 : i32
      %dma_wait3A_305 = tpu.memref_slice %arg3[%dma_wait3A_303, %dma_wait3A_304] : memref<10000x48xf32, #tpu.memory_space<hbm>> -> memref<10000x48xf32, #tpu.memory_space<hbm>>
      %dma_wait3A_306 = tpu.memref_slice %arg8[%rem3A_290] : memref<8x!tpu.dma_semaphore, #tpu.memory_space<semaphore_mem>> -> memref<1x!tpu.dma_semaphore, #tpu.memory_space<semaphore_mem>>
      %dma_wait3A_307 = tpu.memref_squeeze %dma_wait3A_306 : memref<1x!tpu.dma_semaphore, #tpu.memory_space<semaphore_mem>> -> memref<!tpu.dma_semaphore, #tpu.memory_space<semaphore_mem>>
      tpu.wait_indirect_dma semaphore(%dma_wait3A_307 : memref<!tpu.dma_semaphore, #tpu.memory_space<semaphore_mem>>) src(%dma_wait3A_305 : memref<10000x48xf32, #tpu.memory_space<hbm>>) dst(%dma_wait3A_299 : memref<80x48xf32, #tpu.memory_space<vmem>>)
      %dma_start3A_308 = arith.constant 1 : i32
      %dma_start3A_309 = arith.constant 0 : i32
      %dma_start3A_310 = arith.constant 0 : i32
      %dma_start3A_311 = tpu.memref_slice %arg6[%rem3A_290, %dma_start3A_309, %dma_start3A_310] : memref<8x80x48xf32, #tpu.memory_space<vmem>> -> memref<1x80x48xf32, #tpu.memory_space<vmem>>
      %dma_start3A_312 = tpu.memref_squeeze %dma_start3A_311 : memref<1x80x48xf32, #tpu.memory_space<vmem>> -> memref<80x48xf32, #tpu.memory_space<vmem>>
      %dma_start3A_313 = arith.constant 0 : i32
      %dma_start3A_314 = tpu.memref_slice %arg5[%dma_start3A_308, %scan3A_287, %dma_start3A_313] : memref<2x125x80xi32, #tpu.memory_space<vmem>> -> memref<1x1x80xi32, #tpu.memory_space<vmem>>
      %dma_start3A_315 = tpu.memref_squeeze %dma_start3A_314 : memref<1x1x80xi32, #tpu.memory_space<vmem>> -> memref<80xi32, #tpu.memory_space<vmem>>
      %dma_start3A_316 = arith.constant 0 : i32
      %dma_start3A_317 = arith.constant 0 : i32
      %dma_start3A_318 = tpu.memref_slice %arg7[%dma_start3A_316, %dma_start3A_317] : memref<10000x48xf32, #tpu.memory_space<vmem_shared>> -> memref<10000x48xf32, #tpu.memory_space<vmem_shared>>
      %dma_start3A_319 = tpu.memref_slice %arg9[%rem3A_290] : memref<8x!tpu.dma_semaphore, #tpu.memory_space<semaphore_mem>> -> memref<1x!tpu.dma_semaphore, #tpu.memory_space<semaphore_mem>>
      %dma_start3A_320 = tpu.memref_squeeze %dma_start3A_319 : memref<1x!tpu.dma_semaphore, #tpu.memory_space<semaphore_mem>> -> memref<!tpu.dma_semaphore, #tpu.memory_space<semaphore_mem>>
      tpu.enqueue_indirect_dma source(%dma_start3A_312 : memref<80x48xf32, #tpu.memory_space<vmem>>) target(%dma_start3A_318 : memref<10000x48xf32, #tpu.memory_space<vmem_shared>>) offsets(%dma_start3A_315 : memref<80xi32, #tpu.memory_space<vmem>>) semaphore(%dma_start3A_320 : memref<!tpu.dma_semaphore, #tpu.memory_space<semaphore_mem>>) {add = true}
    }
    %scan3A_157 = arith.constant 125 : i32
    %dma_wait3A_158 = arith.constant 5 : i32
    %dma_wait3A_159 = arith.constant 1 : i32
    %dma_wait3A_160 = arith.constant 117 : i32
    %dma_wait3A_161 = arith.constant 5 : i32
    %dma_wait3A_162 = arith.constant 0 : i32
    %dma_wait3A_163 = arith.constant 0 : i32
    %dma_wait3A_164 = tpu.memref_slice %arg6[%dma_wait3A_158, %dma_wait3A_162, %dma_wait3A_163] : memref<8x80x48xf32, #tpu.memory_space<vmem>> -> memref<1x80x48xf32, #tpu.memory_space<vmem>>
    %dma_wait3A_165 = tpu.memref_squeeze %dma_wait3A_164 : memref<1x80x48xf32, #tpu.memory_space<vmem>> -> memref<80x48xf32, #tpu.memory_space<vmem>>
    %dma_wait3A_166 = arith.constant 0 : i32
    %dma_wait3A_167 = tpu.memref_slice %arg5[%dma_wait3A_159, %dma_wait3A_160, %dma_wait3A_166] : memref<2x125x80xi32, #tpu.memory_space<vmem>> -> memref<1x1x80xi32, #tpu.memory_space<vmem>>
    %dma_wait3A_168 = tpu.memref_squeeze %dma_wait3A_167 : memref<1x1x80xi32, #tpu.memory_space<vmem>> -> memref<80xi32, #tpu.memory_space<vmem>>
    %dma_wait3A_169 = arith.constant 0 : i32
    %dma_wait3A_170 = arith.constant 0 : i32
    %dma_wait3A_171 = tpu.memref_slice %arg7[%dma_wait3A_169, %dma_wait3A_170] : memref<10000x48xf32, #tpu.memory_space<vmem_shared>> -> memref<10000x48xf32, #tpu.memory_space<vmem_shared>>
    %dma_wait3A_172 = tpu.memref_slice %arg9[%dma_wait3A_161] : memref<8x!tpu.dma_semaphore, #tpu.memory_space<semaphore_mem>> -> memref<1x!tpu.dma_semaphore, #tpu.memory_space<semaphore_mem>>
    %dma_wait3A_173 = tpu.memref_squeeze %dma_wait3A_172 : memref<1x!tpu.dma_semaphore, #tpu.memory_space<semaphore_mem>> -> memref<!tpu.dma_semaphore, #tpu.memory_space<semaphore_mem>>
    tpu.wait_indirect_dma semaphore(%dma_wait3A_173 : memref<!tpu.dma_semaphore, #tpu.memory_space<semaphore_mem>>) src(%dma_wait3A_165 : memref<80x48xf32, #tpu.memory_space<vmem>>) dst(%dma_wait3A_171 : memref<10000x48xf32, #tpu.memory_space<vmem_shared>>)
    %dma_wait3A_174 = arith.constant 6 : i32
    %dma_wait3A_175 = arith.constant 1 : i32
    %dma_wait3A_176 = arith.constant 118 : i32
    %dma_wait3A_177 = arith.constant 6 : i32
    %dma_wait3A_178 = arith.constant 0 : i32
    %dma_wait3A_179 = arith.constant 0 : i32
    %dma_wait3A_180 = tpu.memref_slice %arg6[%dma_wait3A_174, %dma_wait3A_178, %dma_wait3A_179] : memref<8x80x48xf32, #tpu.memory_space<vmem>> -> memref<1x80x48xf32, #tpu.memory_space<vmem>>
    %dma_wait3A_181 = tpu.memref_squeeze %dma_wait3A_180 : memref<1x80x48xf32, #tpu.memory_space<vmem>> -> memref<80x48xf32, #tpu.memory_space<vmem>>
    %dma_wait3A_182 = arith.constant 0 : i32
    %dma_wait3A_183 = tpu.memref_slice %arg5[%dma_wait3A_175, %dma_wait3A_176, %dma_wait3A_182] : memref<2x125x80xi32, #tpu.memory_space<vmem>> -> memref<1x1x80xi32, #tpu.memory_space<vmem>>
    %dma_wait3A_184 = tpu.memref_squeeze %dma_wait3A_183 : memref<1x1x80xi32, #tpu.memory_space<vmem>> -> memref<80xi32, #tpu.memory_space<vmem>>
    %dma_wait3A_185 = arith.constant 0 : i32
    %dma_wait3A_186 = arith.constant 0 : i32
    %dma_wait3A_187 = tpu.memref_slice %arg7[%dma_wait3A_185, %dma_wait3A_186] : memref<10000x48xf32, #tpu.memory_space<vmem_shared>> -> memref<10000x48xf32, #tpu.memory_space<vmem_shared>>
    %dma_wait3A_188 = tpu.memref_slice %arg9[%dma_wait3A_177] : memref<8x!tpu.dma_semaphore, #tpu.memory_space<semaphore_mem>> -> memref<1x!tpu.dma_semaphore, #tpu.memory_space<semaphore_mem>>
    %dma_wait3A_189 = tpu.memref_squeeze %dma_wait3A_188 : memref<1x!tpu.dma_semaphore, #tpu.memory_space<semaphore_mem>> -> memref<!tpu.dma_semaphore, #tpu.memory_space<semaphore_mem>>
    tpu.wait_indirect_dma semaphore(%dma_wait3A_189 : memref<!tpu.dma_semaphore, #tpu.memory_space<semaphore_mem>>) src(%dma_wait3A_181 : memref<80x48xf32, #tpu.memory_space<vmem>>) dst(%dma_wait3A_187 : memref<10000x48xf32, #tpu.memory_space<vmem_shared>>)
    %dma_wait3A_190 = arith.constant 7 : i32
    %dma_wait3A_191 = arith.constant 1 : i32
    %dma_wait3A_192 = arith.constant 119 : i32
    %dma_wait3A_193 = arith.constant 7 : i32
    %dma_wait3A_194 = arith.constant 0 : i32
    %dma_wait3A_195 = arith.constant 0 : i32
    %dma_wait3A_196 = tpu.memref_slice %arg6[%dma_wait3A_190, %dma_wait3A_194, %dma_wait3A_195] : memref<8x80x48xf32, #tpu.memory_space<vmem>> -> memref<1x80x48xf32, #tpu.memory_space<vmem>>
    %dma_wait3A_197 = tpu.memref_squeeze %dma_wait3A_196 : memref<1x80x48xf32, #tpu.memory_space<vmem>> -> memref<80x48xf32, #tpu.memory_space<vmem>>
    %dma_wait3A_198 = arith.constant 0 : i32
    %dma_wait3A_199 = tpu.memref_slice %arg5[%dma_wait3A_191, %dma_wait3A_192, %dma_wait3A_198] : memref<2x125x80xi32, #tpu.memory_space<vmem>> -> memref<1x1x80xi32, #tpu.memory_space<vmem>>
    %dma_wait3A_200 = tpu.memref_squeeze %dma_wait3A_199 : memref<1x1x80xi32, #tpu.memory_space<vmem>> -> memref<80xi32, #tpu.memory_space<vmem>>
    %dma_wait3A_201 = arith.constant 0 : i32
    %dma_wait3A_202 = arith.constant 0 : i32
    %dma_wait3A_203 = tpu.memref_slice %arg7[%dma_wait3A_201, %dma_wait3A_202] : memref<10000x48xf32, #tpu.memory_space<vmem_shared>> -> memref<10000x48xf32, #tpu.memory_space<vmem_shared>>
    %dma_wait3A_204 = tpu.memref_slice %arg9[%dma_wait3A_193] : memref<8x!tpu.dma_semaphore, #tpu.memory_space<semaphore_mem>> -> memref<1x!tpu.dma_semaphore, #tpu.memory_space<semaphore_mem>>
    %dma_wait3A_205 = tpu.memref_squeeze %dma_wait3A_204 : memref<1x!tpu.dma_semaphore, #tpu.memory_space<semaphore_mem>> -> memref<!tpu.dma_semaphore, #tpu.memory_space<semaphore_mem>>
    tpu.wait_indirect_dma semaphore(%dma_wait3A_205 : memref<!tpu.dma_semaphore, #tpu.memory_space<semaphore_mem>>) src(%dma_wait3A_197 : memref<80x48xf32, #tpu.memory_space<vmem>>) dst(%dma_wait3A_203 : memref<10000x48xf32, #tpu.memory_space<vmem_shared>>)
    %dma_wait3A_206 = arith.constant 0 : i32
    %dma_wait3A_207 = arith.constant 1 : i32
    %dma_wait3A_208 = arith.constant 120 : i32
    %dma_wait3A_209 = arith.constant 0 : i32
    %dma_wait3A_210 = arith.constant 0 : i32
    %dma_wait3A_211 = arith.constant 0 : i32
    %dma_wait3A_212 = tpu.memref_slice %arg6[%dma_wait3A_206, %dma_wait3A_210, %dma_wait3A_211] : memref<8x80x48xf32, #tpu.memory_space<vmem>> -> memref<1x80x48xf32, #tpu.memory_space<vmem>>
    %dma_wait3A_213 = tpu.memref_squeeze %dma_wait3A_212 : memref<1x80x48xf32, #tpu.memory_space<vmem>> -> memref<80x48xf32, #tpu.memory_space<vmem>>
    %dma_wait3A_214 = arith.constant 0 : i32
    %dma_wait3A_215 = tpu.memref_slice %arg5[%dma_wait3A_207, %dma_wait3A_208, %dma_wait3A_214] : memref<2x125x80xi32, #tpu.memory_space<vmem>> -> memref<1x1x80xi32, #tpu.memory_space<vmem>>
    %dma_wait3A_216 = tpu.memref_squeeze %dma_wait3A_215 : memref<1x1x80xi32, #tpu.memory_space<vmem>> -> memref<80xi32, #tpu.memory_space<vmem>>
    %dma_wait3A_217 = arith.constant 0 : i32
    %dma_wait3A_218 = arith.constant 0 : i32
    %dma_wait3A_219 = tpu.memref_slice %arg7[%dma_wait3A_217, %dma_wait3A_218] : memref<10000x48xf32, #tpu.memory_space<vmem_shared>> -> memref<10000x48xf32, #tpu.memory_space<vmem_shared>>
    %dma_wait3A_220 = tpu.memref_slice %arg9[%dma_wait3A_209] : memref<8x!tpu.dma_semaphore, #tpu.memory_space<semaphore_mem>> -> memref<1x!tpu.dma_semaphore, #tpu.memory_space<semaphore_mem>>
    %dma_wait3A_221 = tpu.memref_squeeze %dma_wait3A_220 : memref<1x!tpu.dma_semaphore, #tpu.memory_space<semaphore_mem>> -> memref<!tpu.dma_semaphore, #tpu.memory_space<semaphore_mem>>
    tpu.wait_indirect_dma semaphore(%dma_wait3A_221 : memref<!tpu.dma_semaphore, #tpu.memory_space<semaphore_mem>>) src(%dma_wait3A_213 : memref<80x48xf32, #tpu.memory_space<vmem>>) dst(%dma_wait3A_219 : memref<10000x48xf32, #tpu.memory_space<vmem_shared>>)
    %dma_wait3A_222 = arith.constant 1 : i32
    %dma_wait3A_223 = arith.constant 1 : i32
    %dma_wait3A_224 = arith.constant 121 : i32
    %dma_wait3A_225 = arith.constant 1 : i32
    %dma_wait3A_226 = arith.constant 0 : i32
    %dma_wait3A_227 = arith.constant 0 : i32
    %dma_wait3A_228 = tpu.memref_slice %arg6[%dma_wait3A_222, %dma_wait3A_226, %dma_wait3A_227] : memref<8x80x48xf32, #tpu.memory_space<vmem>> -> memref<1x80x48xf32, #tpu.memory_space<vmem>>
    %dma_wait3A_229 = tpu.memref_squeeze %dma_wait3A_228 : memref<1x80x48xf32, #tpu.memory_space<vmem>> -> memref<80x48xf32, #tpu.memory_space<vmem>>
    %dma_wait3A_230 = arith.constant 0 : i32
    %dma_wait3A_231 = tpu.memref_slice %arg5[%dma_wait3A_223, %dma_wait3A_224, %dma_wait3A_230] : memref<2x125x80xi32, #tpu.memory_space<vmem>> -> memref<1x1x80xi32, #tpu.memory_space<vmem>>
    %dma_wait3A_232 = tpu.memref_squeeze %dma_wait3A_231 : memref<1x1x80xi32, #tpu.memory_space<vmem>> -> memref<80xi32, #tpu.memory_space<vmem>>
    %dma_wait3A_233 = arith.constant 0 : i32
    %dma_wait3A_234 = arith.constant 0 : i32
    %dma_wait3A_235 = tpu.memref_slice %arg7[%dma_wait3A_233, %dma_wait3A_234] : memref<10000x48xf32, #tpu.memory_space<vmem_shared>> -> memref<10000x48xf32, #tpu.memory_space<vmem_shared>>
    %dma_wait3A_236 = tpu.memref_slice %arg9[%dma_wait3A_225] : memref<8x!tpu.dma_semaphore, #tpu.memory_space<semaphore_mem>> -> memref<1x!tpu.dma_semaphore, #tpu.memory_space<semaphore_mem>>
    %dma_wait3A_237 = tpu.memref_squeeze %dma_wait3A_236 : memref<1x!tpu.dma_semaphore, #tpu.memory_space<semaphore_mem>> -> memref<!tpu.dma_semaphore, #tpu.memory_space<semaphore_mem>>
    tpu.wait_indirect_dma semaphore(%dma_wait3A_237 : memref<!tpu.dma_semaphore, #tpu.memory_space<semaphore_mem>>) src(%dma_wait3A_229 : memref<80x48xf32, #tpu.memory_space<vmem>>) dst(%dma_wait3A_235 : memref<10000x48xf32, #tpu.memory_space<vmem_shared>>)
    %dma_wait3A_238 = arith.constant 2 : i32
    %dma_wait3A_239 = arith.constant 1 : i32
    %dma_wait3A_240 = arith.constant 122 : i32
    %dma_wait3A_241 = arith.constant 2 : i32
    %dma_wait3A_242 = arith.constant 0 : i32
    %dma_wait3A_243 = arith.constant 0 : i32
    %dma_wait3A_244 = tpu.memref_slice %arg6[%dma_wait3A_238, %dma_wait3A_242, %dma_wait3A_243] : memref<8x80x48xf32, #tpu.memory_space<vmem>> -> memref<1x80x48xf32, #tpu.memory_space<vmem>>
    %dma_wait3A_245 = tpu.memref_squeeze %dma_wait3A_244 : memref<1x80x48xf32, #tpu.memory_space<vmem>> -> memref<80x48xf32, #tpu.memory_space<vmem>>
    %dma_wait3A_246 = arith.constant 0 : i32
    %dma_wait3A_247 = tpu.memref_slice %arg5[%dma_wait3A_239, %dma_wait3A_240, %dma_wait3A_246] : memref<2x125x80xi32, #tpu.memory_space<vmem>> -> memref<1x1x80xi32, #tpu.memory_space<vmem>>
    %dma_wait3A_248 = tpu.memref_squeeze %dma_wait3A_247 : memref<1x1x80xi32, #tpu.memory_space<vmem>> -> memref<80xi32, #tpu.memory_space<vmem>>
    %dma_wait3A_249 = arith.constant 0 : i32
    %dma_wait3A_250 = arith.constant 0 : i32
    %dma_wait3A_251 = tpu.memref_slice %arg7[%dma_wait3A_249, %dma_wait3A_250] : memref<10000x48xf32, #tpu.memory_space<vmem_shared>> -> memref<10000x48xf32, #tpu.memory_space<vmem_shared>>
    %dma_wait3A_252 = tpu.memref_slice %arg9[%dma_wait3A_241] : memref<8x!tpu.dma_semaphore, #tpu.memory_space<semaphore_mem>> -> memref<1x!tpu.dma_semaphore, #tpu.memory_space<semaphore_mem>>
    %dma_wait3A_253 = tpu.memref_squeeze %dma_wait3A_252 : memref<1x!tpu.dma_semaphore, #tpu.memory_space<semaphore_mem>> -> memref<!tpu.dma_semaphore, #tpu.memory_space<semaphore_mem>>
    tpu.wait_indirect_dma semaphore(%dma_wait3A_253 : memref<!tpu.dma_semaphore, #tpu.memory_space<semaphore_mem>>) src(%dma_wait3A_245 : memref<80x48xf32, #tpu.memory_space<vmem>>) dst(%dma_wait3A_251 : memref<10000x48xf32, #tpu.memory_space<vmem_shared>>)
    %dma_wait3A_254 = arith.constant 3 : i32
    %dma_wait3A_255 = arith.constant 1 : i32
    %dma_wait3A_256 = arith.constant 123 : i32
    %dma_wait3A_257 = arith.constant 3 : i32
    %dma_wait3A_258 = arith.constant 0 : i32
    %dma_wait3A_259 = arith.constant 0 : i32
    %dma_wait3A_260 = tpu.memref_slice %arg6[%dma_wait3A_254, %dma_wait3A_258, %dma_wait3A_259] : memref<8x80x48xf32, #tpu.memory_space<vmem>> -> memref<1x80x48xf32, #tpu.memory_space<vmem>>
    %dma_wait3A_261 = tpu.memref_squeeze %dma_wait3A_260 : memref<1x80x48xf32, #tpu.memory_space<vmem>> -> memref<80x48xf32, #tpu.memory_space<vmem>>
    %dma_wait3A_262 = arith.constant 0 : i32
    %dma_wait3A_263 = tpu.memref_slice %arg5[%dma_wait3A_255, %dma_wait3A_256, %dma_wait3A_262] : memref<2x125x80xi32, #tpu.memory_space<vmem>> -> memref<1x1x80xi32, #tpu.memory_space<vmem>>
    %dma_wait3A_264 = tpu.memref_squeeze %dma_wait3A_263 : memref<1x1x80xi32, #tpu.memory_space<vmem>> -> memref<80xi32, #tpu.memory_space<vmem>>
    %dma_wait3A_265 = arith.constant 0 : i32
    %dma_wait3A_266 = arith.constant 0 : i32
    %dma_wait3A_267 = tpu.memref_slice %arg7[%dma_wait3A_265, %dma_wait3A_266] : memref<10000x48xf32, #tpu.memory_space<vmem_shared>> -> memref<10000x48xf32, #tpu.memory_space<vmem_shared>>
    %dma_wait3A_268 = tpu.memref_slice %arg9[%dma_wait3A_257] : memref<8x!tpu.dma_semaphore, #tpu.memory_space<semaphore_mem>> -> memref<1x!tpu.dma_semaphore, #tpu.memory_space<semaphore_mem>>
    %dma_wait3A_269 = tpu.memref_squeeze %dma_wait3A_268 : memref<1x!tpu.dma_semaphore, #tpu.memory_space<semaphore_mem>> -> memref<!tpu.dma_semaphore, #tpu.memory_space<semaphore_mem>>
    tpu.wait_indirect_dma semaphore(%dma_wait3A_269 : memref<!tpu.dma_semaphore, #tpu.memory_space<semaphore_mem>>) src(%dma_wait3A_261 : memref<80x48xf32, #tpu.memory_space<vmem>>) dst(%dma_wait3A_267 : memref<10000x48xf32, #tpu.memory_space<vmem_shared>>)
    %dma_wait3A_270 = arith.constant 4 : i32
    %dma_wait3A_271 = arith.constant 1 : i32
    %dma_wait3A_272 = arith.constant 124 : i32
    %dma_wait3A_273 = arith.constant 4 : i32
    %dma_wait3A_274 = arith.constant 0 : i32
    %dma_wait3A_275 = arith.constant 0 : i32
    %dma_wait3A_276 = tpu.memref_slice %arg6[%dma_wait3A_270, %dma_wait3A_274, %dma_wait3A_275] : memref<8x80x48xf32, #tpu.memory_space<vmem>> -> memref<1x80x48xf32, #tpu.memory_space<vmem>>
    %dma_wait3A_277 = tpu.memref_squeeze %dma_wait3A_276 : memref<1x80x48xf32, #tpu.memory_space<vmem>> -> memref<80x48xf32, #tpu.memory_space<vmem>>
    %dma_wait3A_278 = arith.constant 0 : i32
    %dma_wait3A_279 = tpu.memref_slice %arg5[%dma_wait3A_271, %dma_wait3A_272, %dma_wait3A_278] : memref<2x125x80xi32, #tpu.memory_space<vmem>> -> memref<1x1x80xi32, #tpu.memory_space<vmem>>
    %dma_wait3A_280 = tpu.memref_squeeze %dma_wait3A_279 : memref<1x1x80xi32, #tpu.memory_space<vmem>> -> memref<80xi32, #tpu.memory_space<vmem>>
    %dma_wait3A_281 = arith.constant 0 : i32
    %dma_wait3A_282 = arith.constant 0 : i32
    %dma_wait3A_283 = tpu.memref_slice %arg7[%dma_wait3A_281, %dma_wait3A_282] : memref<10000x48xf32, #tpu.memory_space<vmem_shared>> -> memref<10000x48xf32, #tpu.memory_space<vmem_shared>>
    %dma_wait3A_284 = tpu.memref_slice %arg9[%dma_wait3A_273] : memref<8x!tpu.dma_semaphore, #tpu.memory_space<semaphore_mem>> -> memref<1x!tpu.dma_semaphore, #tpu.memory_space<semaphore_mem>>
    %dma_wait3A_285 = tpu.memref_squeeze %dma_wait3A_284 : memref<1x!tpu.dma_semaphore, #tpu.memory_space<semaphore_mem>> -> memref<!tpu.dma_semaphore, #tpu.memory_space<semaphore_mem>>
    tpu.wait_indirect_dma semaphore(%dma_wait3A_285 : memref<!tpu.dma_semaphore, #tpu.memory_space<semaphore_mem>>) src(%dma_wait3A_277 : memref<80x48xf32, #tpu.memory_space<vmem>>) dst(%dma_wait3A_283 : memref<10000x48xf32, #tpu.memory_space<vmem_shared>>)
    %barrier3A_286 = arith.constant 0 : index
    tpu.barrier barrier_id(%barrier3A_286)
    "tpu.region"() ({
      %run_scoped3A = tpu.sem_alloc : memref<!tpu.dma_semaphore, #tpu.memory_space<semaphore_mem>>
      %dma_start3A_287 = arith.constant 0 : i32
      %dma_start3A_288 = tpu.memref_slice %arg4[%arg0, %mul3A_37, %dma_start3A_287] : memref<2x10000x48xf32, #tpu.memory_space<hbm>> -> memref<1x625x48xf32, #tpu.memory_space<hbm>>
      %dma_start3A_289 = tpu.memref_squeeze %dma_start3A_288 : memref<1x625x48xf32, #tpu.memory_space<hbm>> -> memref<625x48xf32, #tpu.memory_space<hbm>>
      %dma_start3A_290 = arith.constant 0 : i32
      %dma_start3A_291 = tpu.memref_slice %arg7[%mul3A_37, %dma_start3A_290] : memref<10000x48xf32, #tpu.memory_space<vmem_shared>> -> memref<625x48xf32, #tpu.memory_space<vmem_shared>>
      tpu.enqueue_dma source(%dma_start3A_291 : memref<625x48xf32, #tpu.memory_space<vmem_shared>>) target(%dma_start3A_289 : memref<625x48xf32, #tpu.memory_space<hbm>>) target_semaphore(%run_scoped3A : memref<!tpu.dma_semaphore, #tpu.memory_space<semaphore_mem>>)
      %dma_wait3A_292 = arith.constant 0 : i32
      %dma_wait3A_293 = tpu.memref_slice %arg4[%arg0, %mul3A_37, %dma_wait3A_292] : memref<2x10000x48xf32, #tpu.memory_space<hbm>> -> memref<1x625x48xf32, #tpu.memory_space<hbm>>
      %dma_wait3A_294 = tpu.memref_squeeze %dma_wait3A_293 : memref<1x625x48xf32, #tpu.memory_space<hbm>> -> memref<625x48xf32, #tpu.memory_space<hbm>>
      %dma_wait3A_295 = arith.constant 0 : i32
      %dma_wait3A_296 = tpu.memref_slice %arg7[%mul3A_37, %dma_wait3A_295] : memref<10000x48xf32, #tpu.memory_space<vmem_shared>> -> memref<625x48xf32, #tpu.memory_space<vmem_shared>>
      tpu.wait_dma2 semaphore(%run_scoped3A : memref<!tpu.dma_semaphore, #tpu.memory_space<semaphore_mem>>) src(%dma_wait3A_296 : memref<625x48xf32, #tpu.memory_space<vmem_shared>>) dst(%dma_wait3A_294 : memref<625x48xf32, #tpu.memory_space<hbm>>)
      tpu.yield
    }) : () -> ()
    return
  }
}

module attributes {stable_mosaic.version = 14 : i64} {
  func.func @_tc_encoder_body(%arg0: i32, %arg1: memref<1000x128xf32, #tpu.memory_space<vmem>>, %arg2: memref<128x48xf32, #tpu.memory_space<vmem>>, %arg3: memref<48xf32, #tpu.memory_space<vmem>>, %arg4: memref<48xf32, #tpu.memory_space<vmem>>, %arg5: memref<48xf32, #tpu.memory_space<vmem>>, %arg6: memref<48x48xf32, #tpu.memory_space<vmem>>, %arg7: memref<1000x1xf32, #tpu.memory_space<vmem>>, %arg8: memref<1000x1xf32, #tpu.memory_space<vmem>>, %arg9: memref<1000x48xf32, #tpu.memory_space<vmem>>, %arg10: memref<1000x1xf32, #tpu.memory_space<vmem>>) attributes {dimension_semantics = [#tpu.dimension_semantics<arbitrary>], iteration_bounds = array<i64: 10>, scalar_prefetch = 0 : i64, scratch_operands = 0 : i64, tpu.core_type = #tpu.core_type<tc>, window_params = [{transform_indices = @transform_0, window_bounds = array<i64: 1000, 128>}, {pipeline_mode = #tpu.pipeline_mode<synchronous>, transform_indices = @transform_1, window_bounds = array<i64: 128, 48>}, {pipeline_mode = #tpu.pipeline_mode<synchronous>, transform_indices = @transform_2, window_bounds = array<i64: 48>}, {pipeline_mode = #tpu.pipeline_mode<synchronous>, transform_indices = @transform_3, window_bounds = array<i64: 48>}, {pipeline_mode = #tpu.pipeline_mode<synchronous>, transform_indices = @transform_4, window_bounds = array<i64: 48>}, {pipeline_mode = #tpu.pipeline_mode<synchronous>, transform_indices = @transform_5, window_bounds = array<i64: 48, 48>}, {transform_indices = @transform_6, window_bounds = array<i64: 1000, 1>}, {transform_indices = @transform_7, window_bounds = array<i64: 1000, 1>}, {transform_indices = @transform_8, window_bounds = array<i64: 1000, 48>}, {transform_indices = @transform_9, window_bounds = array<i64: 1000, 1>}]} {
    %get3A = arith.constant 0 : index
    %get3A_0 = arith.constant 0 : index
    %get3A_1 = vector.load %arg1[%get3A, %get3A_0] : memref<1000x128xf32, #tpu.memory_space<vmem>>, vector<1000x128xf32>
    %get3A_2 = arith.constant 0 : index
    %get3A_3 = arith.constant 0 : index
    %get3A_4 = vector.load %arg2[%get3A_2, %get3A_3] : memref<128x48xf32, #tpu.memory_space<vmem>>, vector<128x48xf32>
    %dot_general3A = arith.constant dense<0.000000e+00> : vector<1000x48xf32>
    %dot_general3A_5 = tpu.matmul %get3A_1, %get3A_4, %dot_general3A {dimension_numbers = #tpu.dot_dimension_numbers<[1], [0], [0], [1], [0, 0, 1, 1], [], []>, transpose_lhs_hint = false} : vector<1000x128xf32>, vector<128x48xf32>, vector<1000x48xf32> -> vector<1000x48xf32>
    %get3A_6 = arith.constant 0 : index
    %get3A_7 = vector.load %arg3[%get3A_6] : memref<48xf32, #tpu.memory_space<vmem>>, vector<48xf32>
    %broadcast_in_dim3A = vector.shape_cast %get3A_7 : vector<48xf32> to vector<1x48xf32>
    %add3A = vector.broadcast %broadcast_in_dim3A : vector<1x48xf32> to vector<1000x48xf32>
    %add3A_8 = arith.addf %dot_general3A_5, %add3A : vector<1000x48xf32>
    %max3A = arith.constant 0.000000e+00 : f32
    %max3A_9 = vector.broadcast %max3A : f32 to vector<1000x48xf32>
    %max3A_10 = arith.maximumf %add3A_8, %max3A_9 : vector<1000x48xf32>
    %slice3A = vector.extract_strided_slice %max3A_10 {offsets = [0, 0], sizes = [1000, 8], strides = [1, 1]} : vector<1000x48xf32> to vector<1000x8xf32>
    %slice3A_11 = vector.extract_strided_slice %max3A_10 {offsets = [0, 8], sizes = [1000, 8], strides = [1, 1]} : vector<1000x48xf32> to vector<1000x8xf32>
    %add3A_12 = arith.addf %slice3A, %slice3A_11 : vector<1000x8xf32>
    %slice3A_13 = vector.extract_strided_slice %max3A_10 {offsets = [0, 16], sizes = [1000, 8], strides = [1, 1]} : vector<1000x48xf32> to vector<1000x8xf32>
    %add3A_14 = arith.addf %add3A_12, %slice3A_13 : vector<1000x8xf32>
    %slice3A_15 = vector.extract_strided_slice %max3A_10 {offsets = [0, 24], sizes = [1000, 8], strides = [1, 1]} : vector<1000x48xf32> to vector<1000x8xf32>
    %add3A_16 = arith.addf %add3A_14, %slice3A_15 : vector<1000x8xf32>
    %slice3A_17 = vector.extract_strided_slice %max3A_10 {offsets = [0, 32], sizes = [1000, 8], strides = [1, 1]} : vector<1000x48xf32> to vector<1000x8xf32>
    %add3A_18 = arith.addf %add3A_16, %slice3A_17 : vector<1000x8xf32>
    %slice3A_19 = vector.extract_strided_slice %max3A_10 {offsets = [0, 40], sizes = [1000, 8], strides = [1, 1]} : vector<1000x48xf32> to vector<1000x8xf32>
    %add3A_20 = arith.addf %add3A_18, %slice3A_19 : vector<1000x8xf32>
    %slice3A_21 = vector.extract_strided_slice %add3A_20 {offsets = [0, 0], sizes = [1000, 4], strides = [1, 1]} : vector<1000x8xf32> to vector<1000x4xf32>
    %slice3A_22 = vector.extract_strided_slice %add3A_20 {offsets = [0, 4], sizes = [1000, 4], strides = [1, 1]} : vector<1000x8xf32> to vector<1000x4xf32>
    %add3A_23 = arith.addf %slice3A_21, %slice3A_22 : vector<1000x4xf32>
    %slice3A_24 = vector.extract_strided_slice %add3A_23 {offsets = [0, 0], sizes = [1000, 2], strides = [1, 1]} : vector<1000x4xf32> to vector<1000x2xf32>
    %slice3A_25 = vector.extract_strided_slice %add3A_23 {offsets = [0, 2], sizes = [1000, 2], strides = [1, 1]} : vector<1000x4xf32> to vector<1000x2xf32>
    %add3A_26 = arith.addf %slice3A_24, %slice3A_25 : vector<1000x2xf32>
    %slice3A_27 = vector.extract_strided_slice %add3A_26 {offsets = [0, 0], sizes = [1000, 1], strides = [1, 1]} : vector<1000x2xf32> to vector<1000x1xf32>
    %slice3A_28 = vector.extract_strided_slice %add3A_26 {offsets = [0, 1], sizes = [1000, 1], strides = [1, 1]} : vector<1000x2xf32> to vector<1000x1xf32>
    %add3A_29 = arith.addf %slice3A_27, %slice3A_28 : vector<1000x1xf32>
    %mul3A = arith.constant 0.020833334 : f32
    %mul3A_30 = vector.broadcast %mul3A : f32 to vector<1000x1xf32>
    %mul3A_31 = arith.mulf %add3A_29, %mul3A_30 : vector<1000x1xf32>
    %sub3A = vector.broadcast %mul3A_31 : vector<1000x1xf32> to vector<1000x48xf32>
    %sub3A_32 = arith.subf %max3A_10, %sub3A : vector<1000x48xf32>
    %mul3A_33 = arith.mulf %sub3A_32, %sub3A_32 : vector<1000x48xf32>
    %slice3A_34 = vector.extract_strided_slice %mul3A_33 {offsets = [0, 0], sizes = [1000, 8], strides = [1, 1]} : vector<1000x48xf32> to vector<1000x8xf32>
    %slice3A_35 = vector.extract_strided_slice %mul3A_33 {offsets = [0, 8], sizes = [1000, 8], strides = [1, 1]} : vector<1000x48xf32> to vector<1000x8xf32>
    %add3A_36 = arith.addf %slice3A_34, %slice3A_35 : vector<1000x8xf32>
    %slice3A_37 = vector.extract_strided_slice %mul3A_33 {offsets = [0, 16], sizes = [1000, 8], strides = [1, 1]} : vector<1000x48xf32> to vector<1000x8xf32>
    %add3A_38 = arith.addf %add3A_36, %slice3A_37 : vector<1000x8xf32>
    %slice3A_39 = vector.extract_strided_slice %mul3A_33 {offsets = [0, 24], sizes = [1000, 8], strides = [1, 1]} : vector<1000x48xf32> to vector<1000x8xf32>
    %add3A_40 = arith.addf %add3A_38, %slice3A_39 : vector<1000x8xf32>
    %slice3A_41 = vector.extract_strided_slice %mul3A_33 {offsets = [0, 32], sizes = [1000, 8], strides = [1, 1]} : vector<1000x48xf32> to vector<1000x8xf32>
    %add3A_42 = arith.addf %add3A_40, %slice3A_41 : vector<1000x8xf32>
    %slice3A_43 = vector.extract_strided_slice %mul3A_33 {offsets = [0, 40], sizes = [1000, 8], strides = [1, 1]} : vector<1000x48xf32> to vector<1000x8xf32>
    %add3A_44 = arith.addf %add3A_42, %slice3A_43 : vector<1000x8xf32>
    %slice3A_45 = vector.extract_strided_slice %add3A_44 {offsets = [0, 0], sizes = [1000, 4], strides = [1, 1]} : vector<1000x8xf32> to vector<1000x4xf32>
    %slice3A_46 = vector.extract_strided_slice %add3A_44 {offsets = [0, 4], sizes = [1000, 4], strides = [1, 1]} : vector<1000x8xf32> to vector<1000x4xf32>
    %add3A_47 = arith.addf %slice3A_45, %slice3A_46 : vector<1000x4xf32>
    %slice3A_48 = vector.extract_strided_slice %add3A_47 {offsets = [0, 0], sizes = [1000, 2], strides = [1, 1]} : vector<1000x4xf32> to vector<1000x2xf32>
    %slice3A_49 = vector.extract_strided_slice %add3A_47 {offsets = [0, 2], sizes = [1000, 2], strides = [1, 1]} : vector<1000x4xf32> to vector<1000x2xf32>
    %add3A_50 = arith.addf %slice3A_48, %slice3A_49 : vector<1000x2xf32>
    %slice3A_51 = vector.extract_strided_slice %add3A_50 {offsets = [0, 0], sizes = [1000, 1], strides = [1, 1]} : vector<1000x2xf32> to vector<1000x1xf32>
    %slice3A_52 = vector.extract_strided_slice %add3A_50 {offsets = [0, 1], sizes = [1000, 1], strides = [1, 1]} : vector<1000x2xf32> to vector<1000x1xf32>
    %add3A_53 = arith.addf %slice3A_51, %slice3A_52 : vector<1000x1xf32>
    %mul3A_54 = arith.constant 0.020833334 : f32
    %mul3A_55 = vector.broadcast %mul3A_54 : f32 to vector<1000x1xf32>
    %mul3A_56 = arith.mulf %add3A_53, %mul3A_55 : vector<1000x1xf32>
    %add3A_57 = arith.constant 9.99999974E-6 : f32
    %add3A_58 = vector.broadcast %add3A_57 : f32 to vector<1000x1xf32>
    %add3A_59 = arith.addf %mul3A_56, %add3A_58 : vector<1000x1xf32>
    %sqrt3A = math.sqrt %add3A_59 : vector<1000x1xf32>
    %div3A = vector.broadcast %sqrt3A : vector<1000x1xf32> to vector<1000x48xf32>
    %div3A_60 = arith.divf %sub3A_32, %div3A : vector<1000x48xf32>
    %get3A_61 = arith.constant 0 : index
    %get3A_62 = vector.load %arg4[%get3A_61] : memref<48xf32, #tpu.memory_space<vmem>>, vector<48xf32>
    %broadcast_in_dim3A_63 = vector.shape_cast %get3A_62 : vector<48xf32> to vector<1x48xf32>
    %mul3A_64 = vector.broadcast %broadcast_in_dim3A_63 : vector<1x48xf32> to vector<1000x48xf32>
    %mul3A_65 = arith.mulf %div3A_60, %mul3A_64 : vector<1000x48xf32>
    %get3A_66 = arith.constant 0 : index
    %get3A_67 = vector.load %arg5[%get3A_66] : memref<48xf32, #tpu.memory_space<vmem>>, vector<48xf32>
    %broadcast_in_dim3A_68 = vector.shape_cast %get3A_67 : vector<48xf32> to vector<1x48xf32>
    %add3A_69 = vector.broadcast %broadcast_in_dim3A_68 : vector<1x48xf32> to vector<1000x48xf32>
    %add3A_70 = arith.addf %mul3A_65, %add3A_69 : vector<1000x48xf32>
    %get3A_71 = arith.constant 0 : index
    %get3A_72 = arith.constant 0 : index
    %get3A_73 = vector.load %arg7[%get3A_71, %get3A_72] : memref<1000x1xf32, #tpu.memory_space<vmem>>, vector<1000x1xf32>
    %get3A_74 = arith.constant 0 : index
    %get3A_75 = arith.constant 0 : index
    %get3A_76 = vector.load %arg8[%get3A_74, %get3A_75] : memref<1000x1xf32, #tpu.memory_space<vmem>>, vector<1000x1xf32>
    %add3A_77 = arith.addf %get3A_73, %get3A_76 : vector<1000x1xf32>
    %add3A_78 = arith.constant 1.000000e+00 : f32
    %add3A_79 = vector.broadcast %add3A_78 : f32 to vector<1000x1xf32>
    %add3A_80 = arith.addf %add3A_77, %add3A_79 : vector<1000x1xf32>
    %rsqrt3A = math.rsqrt %add3A_80 : vector<1000x1xf32>
    %swap3A = arith.constant 0 : index
    %swap3A_81 = arith.constant 0 : index
    %swap3A_82 = vector.load %arg10[%swap3A, %swap3A_81] : memref<1000x1xf32, #tpu.memory_space<vmem>>, vector<1000x1xf32>
    tpu.vector_store %arg10[%swap3A, %swap3A_81], %rsqrt3A {strides = array<i32>} : memref<1000x1xf32, #tpu.memory_space<vmem>>, vector<1000x1xf32>,
    %get3A_83 = arith.constant 0 : index
    %get3A_84 = arith.constant 0 : index
    %get3A_85 = vector.load %arg6[%get3A_83, %get3A_84] : memref<48x48xf32, #tpu.memory_space<vmem>>, vector<48x48xf32>
    %dot_general3A_86 = arith.constant dense<0.000000e+00> : vector<1000x48xf32>
    %dot_general3A_87 = tpu.matmul %add3A_70, %get3A_85, %dot_general3A_86 {dimension_numbers = #tpu.dot_dimension_numbers<[1], [0], [0], [1], [0, 0, 1, 1], [], []>, transpose_lhs_hint = false} : vector<1000x48xf32>, vector<48x48xf32>, vector<1000x48xf32> -> vector<1000x48xf32>
    %mul3A_88 = vector.broadcast %rsqrt3A : vector<1000x1xf32> to vector<1000x48xf32>
    %mul3A_89 = arith.mulf %dot_general3A_87, %mul3A_88 : vector<1000x48xf32>
    %swap3A_90 = arith.constant 0 : index
    %swap3A_91 = arith.constant 0 : index
    %swap3A_92 = vector.load %arg9[%swap3A_90, %swap3A_91] : memref<1000x48xf32, #tpu.memory_space<vmem>>, vector<1000x48xf32>
    tpu.vector_store %arg9[%swap3A_90, %swap3A_91], %mul3A_89 {strides = array<i32>} : memref<1000x48xf32, #tpu.memory_space<vmem>>, vector<1000x48xf32>,
    return
  }
  func.func @transform_0(%arg0: i32) -> (i32, i32) {
    %c0_i32 = arith.constant 0 : i32
    %c0_i32_0 = arith.constant 0 : i32
    return %arg0, %c0_i32 : i32, i32
  }
  func.func @transform_1(%arg0: i32) -> (i32, i32) {
    %c0_i32 = arith.constant 0 : i32
    %c0_i32_0 = arith.constant 0 : i32
    %c0_i32_1 = arith.constant 0 : i32
    return %c0_i32, %c0_i32_0 : i32, i32
  }
  func.func @transform_2(%arg0: i32) -> i32 {
    %c0_i32 = arith.constant 0 : i32
    %c0_i32_0 = arith.constant 0 : i32
    return %c0_i32 : i32
  }
  func.func @transform_3(%arg0: i32) -> i32 {
    %c0_i32 = arith.constant 0 : i32
    %c0_i32_0 = arith.constant 0 : i32
    return %c0_i32 : i32
  }
  func.func @transform_4(%arg0: i32) -> i32 {
    %c0_i32 = arith.constant 0 : i32
    %c0_i32_0 = arith.constant 0 : i32
    return %c0_i32 : i32
  }
  func.func @transform_5(%arg0: i32) -> (i32, i32) {
    %c0_i32 = arith.constant 0 : i32
    %c0_i32_0 = arith.constant 0 : i32
    %c0_i32_1 = arith.constant 0 : i32
    return %c0_i32, %c0_i32_0 : i32, i32
  }
  func.func @transform_6(%arg0: i32) -> (i32, i32) {
    %c0_i32 = arith.constant 0 : i32
    %c0_i32_0 = arith.constant 0 : i32
    return %arg0, %c0_i32 : i32, i32
  }
  func.func @transform_7(%arg0: i32) -> (i32, i32) {
    %c0_i32 = arith.constant 0 : i32
    %c0_i32_0 = arith.constant 0 : i32
    return %arg0, %c0_i32 : i32, i32
  }
  func.func @transform_8(%arg0: i32) -> (i32, i32) {
    %c0_i32 = arith.constant 0 : i32
    %c0_i32_0 = arith.constant 0 : i32
    return %arg0, %c0_i32 : i32, i32
  }
  func.func @transform_9(%arg0: i32) -> (i32, i32) {
    %c0_i32 = arith.constant 0 : i32
    %c0_i32_0 = arith.constant 0 : i32
    return %arg0, %c0_i32 : i32, i32
  }
}

module attributes {stable_mosaic.version = 14 : i64} {
  func.func @_tc_mid_body(%arg0: memref<2x10000x48xf32, #tpu.memory_space<vmem>>, %arg1: memref<10000x48xf32, #tpu.memory_space<vmem>>, %arg2: memref<10000x1xf32, #tpu.memory_space<vmem>>, %arg3: memref<48xf32, #tpu.memory_space<vmem>>, %arg4: memref<48x48xf32, #tpu.memory_space<vmem>>, %arg5: memref<10000x48xf32, #tpu.memory_space<vmem>>) attributes {dimension_semantics = [], scalar_prefetch = 0 : i64, scratch_operands = 0 : i64, tpu.core_type = #tpu.core_type<tc>} {
    %get3A = arith.constant 0 : index
    %get3A_0 = arith.constant 0 : index
    %get3A_1 = vector.load %arg2[%get3A, %get3A_0] : memref<10000x1xf32, #tpu.memory_space<vmem>>, vector<10000x1xf32>
    %get3A_2 = arith.constant 0 : index
    %get3A_3 = arith.constant 0 : index
    %get3A_4 = arith.constant 0 : index
    %get3A_5 = vector.load %arg0[%get3A_2, %get3A_3, %get3A_4] : memref<2x10000x48xf32, #tpu.memory_space<vmem>>, vector<1x10000x48xf32>
    %get3A_6 = vector.shape_cast %get3A_5 : vector<1x10000x48xf32> to vector<10000x48xf32>
    %get3A_7 = arith.constant 1 : index
    %get3A_8 = arith.constant 0 : index
    %get3A_9 = arith.constant 0 : index
    %get3A_10 = vector.load %arg0[%get3A_7, %get3A_8, %get3A_9] : memref<2x10000x48xf32, #tpu.memory_space<vmem>>, vector<1x10000x48xf32>
    %get3A_11 = vector.shape_cast %get3A_10 : vector<1x10000x48xf32> to vector<10000x48xf32>
    %add3A = arith.addf %get3A_6, %get3A_11 : vector<10000x48xf32>
    %get3A_12 = arith.constant 0 : index
    %get3A_13 = arith.constant 0 : index
    %get3A_14 = vector.load %arg1[%get3A_12, %get3A_13] : memref<10000x48xf32, #tpu.memory_space<vmem>>, vector<10000x48xf32>
    %sub3A = arith.subf %add3A, %get3A_14 : vector<10000x48xf32>
    %mul3A = vector.broadcast %get3A_1 : vector<10000x1xf32> to vector<10000x48xf32>
    %mul3A_15 = arith.mulf %sub3A, %mul3A : vector<10000x48xf32>
    %get3A_16 = arith.constant 0 : index
    %get3A_17 = vector.load %arg3[%get3A_16] : memref<48xf32, #tpu.memory_space<vmem>>, vector<48xf32>
    %broadcast_in_dim3A = vector.shape_cast %get3A_17 : vector<48xf32> to vector<1x48xf32>
    %add3A_18 = vector.broadcast %broadcast_in_dim3A : vector<1x48xf32> to vector<10000x48xf32>
    %add3A_19 = arith.addf %mul3A_15, %add3A_18 : vector<10000x48xf32>
    %max3A = arith.constant 0.000000e+00 : f32
    %max3A_20 = vector.broadcast %max3A : f32 to vector<10000x48xf32>
    %max3A_21 = arith.maximumf %add3A_19, %max3A_20 : vector<10000x48xf32>
    %get3A_22 = arith.constant 0 : index
    %get3A_23 = arith.constant 0 : index
    %get3A_24 = vector.load %arg4[%get3A_22, %get3A_23] : memref<48x48xf32, #tpu.memory_space<vmem>>, vector<48x48xf32>
    %dot_general3A = arith.constant dense<0.000000e+00> : vector<10000x48xf32>
    %dot_general3A_25 = tpu.matmul %max3A_21, %get3A_24, %dot_general3A {dimension_numbers = #tpu.dot_dimension_numbers<[1], [0], [0], [1], [0, 0, 1, 1], [], []>, transpose_lhs_hint = false} : vector<10000x48xf32>, vector<48x48xf32>, vector<10000x48xf32> -> vector<10000x48xf32>
    %mul3A_26 = vector.broadcast %get3A_1 : vector<10000x1xf32> to vector<10000x48xf32>
    %mul3A_27 = arith.mulf %dot_general3A_25, %mul3A_26 : vector<10000x48xf32>
    %swap3A = arith.constant 0 : index
    %swap3A_28 = arith.constant 0 : index
    %swap3A_29 = vector.load %arg5[%swap3A, %swap3A_28] : memref<10000x48xf32, #tpu.memory_space<vmem>>, vector<10000x48xf32>
    tpu.vector_store %arg5[%swap3A, %swap3A_28], %mul3A_27 {strides = array<i32>} : memref<10000x48xf32, #tpu.memory_space<vmem>>, vector<10000x48xf32>,
    return
  }
}

module attributes {stable_mosaic.version = 14 : i64} {
  func.func @_tc_final_body(%arg0: memref<2x10000x48xf32, #tpu.memory_space<vmem>>, %arg1: memref<10000x48xf32, #tpu.memory_space<vmem>>, %arg2: memref<10000x1xf32, #tpu.memory_space<vmem>>, %arg3: memref<48xf32, #tpu.memory_space<vmem>>, %arg4: memref<10000xi32, #tpu.memory_space<vmem>>, %arg5: memref<48x48xf32, #tpu.memory_space<vmem>>, %arg6: memref<48xf32, #tpu.memory_space<vmem>>, %arg7: memref<48x1xf32, #tpu.memory_space<vmem>>, %arg8: memref<1xf32, #tpu.memory_space<vmem>>, %arg9: memref<64x1xf32, #tpu.memory_space<vmem>>) attributes {dimension_semantics = [], scalar_prefetch = 0 : i64, scratch_operands = 0 : i64, tpu.core_type = #tpu.core_type<tc>} {
    %get3A = arith.constant 0 : index
    %get3A_0 = arith.constant 0 : index
    %get3A_1 = vector.load %arg2[%get3A, %get3A_0] : memref<10000x1xf32, #tpu.memory_space<vmem>>, vector<10000x1xf32>
    %get3A_2 = arith.constant 0 : index
    %get3A_3 = arith.constant 0 : index
    %get3A_4 = arith.constant 0 : index
    %get3A_5 = vector.load %arg0[%get3A_2, %get3A_3, %get3A_4] : memref<2x10000x48xf32, #tpu.memory_space<vmem>>, vector<1x10000x48xf32>
    %get3A_6 = vector.shape_cast %get3A_5 : vector<1x10000x48xf32> to vector<10000x48xf32>
    %get3A_7 = arith.constant 1 : index
    %get3A_8 = arith.constant 0 : index
    %get3A_9 = arith.constant 0 : index
    %get3A_10 = vector.load %arg0[%get3A_7, %get3A_8, %get3A_9] : memref<2x10000x48xf32, #tpu.memory_space<vmem>>, vector<1x10000x48xf32>
    %get3A_11 = vector.shape_cast %get3A_10 : vector<1x10000x48xf32> to vector<10000x48xf32>
    %add3A = arith.addf %get3A_6, %get3A_11 : vector<10000x48xf32>
    %get3A_12 = arith.constant 0 : index
    %get3A_13 = arith.constant 0 : index
    %get3A_14 = vector.load %arg1[%get3A_12, %get3A_13] : memref<10000x48xf32, #tpu.memory_space<vmem>>, vector<10000x48xf32>
    %sub3A = arith.subf %add3A, %get3A_14 : vector<10000x48xf32>
    %mul3A = vector.broadcast %get3A_1 : vector<10000x1xf32> to vector<10000x48xf32>
    %mul3A_15 = arith.mulf %sub3A, %mul3A : vector<10000x48xf32>
    %get3A_16 = arith.constant 0 : index
    %get3A_17 = vector.load %arg3[%get3A_16] : memref<48xf32, #tpu.memory_space<vmem>>, vector<48xf32>
    %broadcast_in_dim3A = vector.shape_cast %get3A_17 : vector<48xf32> to vector<1x48xf32>
    %add3A_18 = vector.broadcast %broadcast_in_dim3A : vector<1x48xf32> to vector<10000x48xf32>
    %add3A_19 = arith.addf %mul3A_15, %add3A_18 : vector<10000x48xf32>
    %max3A = arith.constant 0.000000e+00 : f32
    %max3A_20 = vector.broadcast %max3A : f32 to vector<10000x48xf32>
    %max3A_21 = arith.maximumf %add3A_19, %max3A_20 : vector<10000x48xf32>
    %get3A_22 = arith.constant 0 : index
    %get3A_23 = vector.load %arg4[%get3A_22] : memref<10000xi32, #tpu.memory_space<vmem>>, vector<10000xi32>
    %iota3A = tpu.iota {dimensions = array<i32: 0>} : vector<64x10000xi32>
    %broadcast_in_dim3A_24 = vector.shape_cast %get3A_23 : vector<10000xi32> to vector<1x10000xi32>
    %eq3A = vector.broadcast %broadcast_in_dim3A_24 : vector<1x10000xi32> to vector<64x10000xi32>
    %eq3A_25 = arith.cmpi eq, %iota3A, %eq3A : vector<64x10000xi32>
    %convert_element_type3A = arith.extui %eq3A_25 : vector<64x10000xi1> to vector<64x10000xi32>
    %convert_element_type3A_26 = arith.sitofp %convert_element_type3A : vector<64x10000xi32> to vector<64x10000xf32>
    %dot_general3A = arith.constant dense<0.000000e+00> : vector<64x48xf32>
    %dot_general3A_27 = tpu.matmul %convert_element_type3A_26, %max3A_21, %dot_general3A {dimension_numbers = #tpu.dot_dimension_numbers<[1], [0], [0], [1], [0, 0, 1, 1], [], []>, transpose_lhs_hint = false} : vector<64x10000xf32>, vector<10000x48xf32>, vector<64x48xf32> -> vector<64x48xf32>
    %reduce_sum3A = arith.constant dense<0.000000e+00> : vector<64xf32>
    %reduce_sum3A_28 = vector.multi_reduction <add>, %convert_element_type3A_26, %reduce_sum3A [1] : vector<64x10000xf32> to vector<64xf32>
    %broadcast_in_dim3A_29 = vector.shape_cast %reduce_sum3A_28 : vector<64xf32> to vector<64x1xf32>
    %max3A_30 = arith.constant 1.000000e+00 : f32
    %max3A_31 = vector.broadcast %max3A_30 : f32 to vector<64x1xf32>
    %max3A_32 = arith.maximumf %broadcast_in_dim3A_29, %max3A_31 : vector<64x1xf32>
    %div3A = vector.broadcast %max3A_32 : vector<64x1xf32> to vector<64x48xf32>
    %div3A_33 = arith.divf %dot_general3A_27, %div3A : vector<64x48xf32>
    %get3A_34 = arith.constant 0 : index
    %get3A_35 = arith.constant 0 : index
    %get3A_36 = vector.load %arg5[%get3A_34, %get3A_35] : memref<48x48xf32, #tpu.memory_space<vmem>>, vector<48x48xf32>
    %dot_general3A_37 = arith.constant dense<0.000000e+00> : vector<64x48xf32>
    %dot_general3A_38 = tpu.matmul %div3A_33, %get3A_36, %dot_general3A_37 {dimension_numbers = #tpu.dot_dimension_numbers<[1], [0], [0], [1], [0, 0, 1, 1], [], []>, transpose_lhs_hint = false} : vector<64x48xf32>, vector<48x48xf32>, vector<64x48xf32> -> vector<64x48xf32>
    %get3A_39 = arith.constant 0 : index
    %get3A_40 = vector.load %arg6[%get3A_39] : memref<48xf32, #tpu.memory_space<vmem>>, vector<48xf32>
    %broadcast_in_dim3A_41 = vector.shape_cast %get3A_40 : vector<48xf32> to vector<1x48xf32>
    %add3A_42 = vector.broadcast %broadcast_in_dim3A_41 : vector<1x48xf32> to vector<64x48xf32>
    %add3A_43 = arith.addf %dot_general3A_38, %add3A_42 : vector<64x48xf32>
    %max3A_44 = arith.constant 0.000000e+00 : f32
    %max3A_45 = vector.broadcast %max3A_44 : f32 to vector<64x48xf32>
    %max3A_46 = arith.maximumf %add3A_43, %max3A_45 : vector<64x48xf32>
    %get3A_47 = arith.constant 0 : index
    %get3A_48 = arith.constant 0 : index
    %get3A_49 = vector.load %arg7[%get3A_47, %get3A_48] : memref<48x1xf32, #tpu.memory_space<vmem>>, vector<48x1xf32>
    %dot_general3A_50 = arith.constant dense<0.000000e+00> : vector<64x1xf32>
    %dot_general3A_51 = tpu.matmul %max3A_46, %get3A_49, %dot_general3A_50 {dimension_numbers = #tpu.dot_dimension_numbers<[1], [0], [0], [1], [0, 0, 1, 1], [], []>, transpose_lhs_hint = false} : vector<64x48xf32>, vector<48x1xf32>, vector<64x1xf32> -> vector<64x1xf32>
    %get3A_52 = arith.constant 0 : index
    %get3A_53 = vector.load %arg8[%get3A_52] : memref<1xf32, #tpu.memory_space<vmem>>, vector<1xf32>
    %broadcast_in_dim3A_54 = vector.shape_cast %get3A_53 : vector<1xf32> to vector<1x1xf32>
    %add3A_55 = vector.broadcast %broadcast_in_dim3A_54 : vector<1x1xf32> to vector<64x1xf32>
    %add3A_56 = arith.addf %dot_general3A_51, %add3A_55 : vector<64x1xf32>
    %swap3A = arith.constant 0 : index
    %swap3A_57 = arith.constant 0 : index
    %swap3A_58 = vector.load %arg9[%swap3A, %swap3A_57] : memref<64x1xf32, #tpu.memory_space<vmem>>, vector<64x1xf32>
    tpu.vector_store %arg9[%swap3A, %swap3A_57], %add3A_56 {strides = array<i32>} : memref<64x1xf32, #tpu.memory_space<vmem>>, vector<64x1xf32>,
    return
  }
}

</mosaic_0001>

<sc_bundles>
// kernel: kernel.11.cloned.1.call-start
scs
__scs_entry_jumppad:
0x0: {  	(pc) =	sbr.rel $0x88, $3  }
0x1: {  	(tag) =	ssettag $0x0;
	lr =	simm.s32 $0x1  }
0x2: {  	[smem:$0x3F92] =	sst lr;
	_ =	strace $0xD0000000  }
0x3: {  	_ = 	snop  }
0x4: {  	_ = 	snop  }
0x5: {  	_ = 	snop  }
0x6: {  	_ = 	snop  }
0x7: {  	_ = 	snop  }
__scs_overlays_trampoline_lowered:
0x8: {  	[smem:$0x3FA1] =	sst s0  }
0x9: {  	[smem:$0x3FA2] =	sst s1  }
0xa: {  	[smem:$0x3FA3] =	sst s2  }
0xb: {  	[smem:$0x3FA4] =	sst s3  }
0xc: {  	[smem:$0x3FA5] =	sst s4  }
0xd: {  	[smem:$0x3FA6] =	sst s5  }
0xe: {  	[smem:$0x3FA7] =	sst s6  }
0xf: {  	[smem:$0x3FA8] =	sst s7  }
0x10: {  	[smem:$0x3FA9] =	sst s8  }
0x11: {  	[smem:$0x3FAA] =	sst s9;
	s0 =	simm.s32 @!p0 $0x0  }
0x12: {  	s1 =	sld [smem:$0x3F90];
	s0 =	simm.s32 @p0 $0x1  }
0x13: {  	[smem:$0x3FAB] =	sst s0;
	s0 =	simm.s32 @!p1 $0x0  }
0x14: {  	s2 =	sld [smem:$0x3F8F];
	s0 =	simm.s32 @p1 $0x1  }
0x15: {  	[smem:$0x3FAC] =	sst s0;
	s0 =	simm.s32 @!p2 $0x0  }
0x16: {  	s3 =	sld [smem:$0x3FDB];
	s0 =	simm.s32 @p2 $0x1  }
0x17: {  	s4 =	simm.s32 $0x1BF5;
	[smem:$0x3FAE] =	sst s0  }
0x18: {  	s0 =	sld [smem:$0x3F91];
	_ =	swait.ge [sflag:s4], $0x0  }
0x19: {  	s7 =	sld [smem:$0x3F92]  }
0x1a: {  	s8 =	sadd.s32 $0xFFFFE003, lr  }
0x1b: {  	s9 =	sadd.s32 $0xFFFFFEF7, lr;
	s5 =	simm.s32 $0xFFFFFFFF;
	p2 =	slt.u32 s8, $0xFFFFF086  }
0x1c: {  	p1 =	slt.u32 s9, $0xF7A;
	s5 =	simm.s32 @!p2 $0x0  }
0x1d: {  	s5 =	simm.s32 @p1 $0x1;
	p0 =	seq.s32 s7, s2  }
0x1e: {  	s7 =	smul.u32 @!p0 $0xF7A, s2;
	p2 =	seq.s32 @!p0 s5, $0x0  }
0x1f: {  	s9 =	smul.u32 $0xF7A, s1;
	s8 =	simm.s32 @!p0 $0x1BF5;
	p2 =	por !p2, p0  }
0x20: {  	[sflag:s8] =	ssyncset.s32 @!p0 $0xFFFFF086;
	s6 =	sadd.s32 @!p0 s3, s7;
	s7 =	simm.s32 @!p0 $0x108  }
0x21: {  	s3 =	sadd.s32 s3, s9;
	s6 =	sadd.s32 @!p0 $0x88, s6;
	s7 =	simm.s32 @p2 $0x1082  }
0x22: {  	[simem:s7], [sflag:s8] =	dma.local @!p0 [hbm:s6], $0xF7A  }
0x23: {  	s9 =	sor.u32 $0xD0000000, s2;
	s6 =	simm.s32 $0x108;
	_ =	swait.ge @!p0 [sflag:s8], $0x0  }
0x24: {  	s3 =	sadd.s32 $0x88, s3;
	s6 =	simm.s32 @!p1 $0x1082;
	[sflag:s4] =	ssyncset.s32 $0xFFFFF086  }
0x25: {  	[simem:s6], [sflag:s4] =	dma.local [hbm:s3], $0xF7A  }
0x26: {  	[smem:$0x3F92] =	sst s1;
	(tag) =	ssettag s2;
	_ =	strace s9  }
0x27: {  	s1 =	sld [smem:$0x3FA2]  }
0x28: {  	s2 =	sld [smem:$0x3FA3]  }
0x29: {  	s4 =	sld [smem:$0x3FA5]  }
0x2a: {  	p0 =	seq.s32 s5, $0x0;
	s5 =	sld [smem:$0x3FA6]  }
0x2b: {  	s6 =	sld [smem:$0x3FA7]  }
0x2c: {  	s7 =	sld [smem:$0x3FA8]  }
0x2d: {  	s3 =	simm.s32 $0x108;
	s8 =	sld [smem:$0x3FA9]  }
0x2e: {  	s3 =	simm.s32 @!p0 $0x1082;
	s9 =	sld [smem:$0x3FAA]  }
0x2f: {  	lr =	sadd.s32 s0, s3;
	s0 =	sld [smem:$0x3FA1]  }
0x30: {  	s3 =	sld [smem:$0x3FA4]  }
0x31: {  	[smem:$0x3FAD] =	sst s10  }
0x32: {  	s10 =	sld [smem:$0x3FAB];
	_ =	sdelay $0x3  }
0x33: {  	p0 =	seq.s32 s10, $0x1;
	s10 =	sld [smem:$0x3FAD];
	_ =	sdelay $0x3  }
0x34: {  	[smem:$0x3FAD] =	sst s10  }
0x35: {  	s10 =	sld [smem:$0x3FAC];
	_ =	sdelay $0x3  }
0x36: {  	p1 =	seq.s32 s10, $0x1;
	s10 =	sld [smem:$0x3FAD];
	_ =	sdelay $0x3  }
0x37: {  	[smem:$0x3FAD] =	sst s10  }
0x38: {  	s10 =	sld [smem:$0x3FAE]  }
0x39: {  	_ = 	snop;
	(pc) =	sbr.ind lr, $3  }
0x3a: {  	_ = 	snop  }
0x3b: {  	_ = 	snop  }
0x3c: {  	p2 =	seq.s32 s10, $0x1;
	s10 =	sld [smem:$0x3FAD]  }
0x3d: {  	_ =	shalt  }
0x3e: {  	_ =	shalt  }
0x3f: {  	_ =	shalt  }
0x40: {  	_ =	shalt  }
0x41: {  	_ =	shalt  }
0x42: {  	_ =	shalt  }
0x43: {  	_ =	shalt  }
0x44: {  	_ =	shalt  }
0x45: {  	_ =	shalt  }
0x46: {  	_ =	shalt  }
0x47: {  	_ =	shalt  }
0x48: {  	_ =	shalt  }
0x49: {  	_ =	shalt  }
0x4a: {  	_ =	shalt  }
0x4b: {  	_ =	shalt  }
0x4c: {  	_ =	shalt  }
0x4d: {  	_ =	shalt  }
0x4e: {  	_ =	shalt  }
0x4f: {  	_ =	shalt  }
0x50: {  	_ =	shalt  }
0x51: {  	_ =	shalt  }
0x52: {  	_ =	shalt  }
0x53: {  	_ =	shalt  }
0x54: {  	_ =	shalt  }
0x55: {  	_ =	shalt  }
0x56: {  	_ =	shalt  }
0x57: {  	_ =	shalt  }
0x58: {  	_ =	shalt  }
0x59: {  	_ =	shalt  }
0x5a: {  	_ =	shalt  }
0x5b: {  	_ =	shalt  }
0x5c: {  	_ =	shalt  }
0x5d: {  	_ =	shalt  }
0x5e: {  	_ =	shalt  }
0x5f: {  	_ =	shalt  }
0x60: {  	_ =	shalt  }
0x61: {  	_ =	shalt  }
0x62: {  	_ =	shalt  }
0x63: {  	_ =	shalt  }
0x64: {  	_ =	shalt  }
0x65: {  	_ =	shalt  }
0x66: {  	_ =	shalt  }
0x67: {  	_ =	shalt  }
0x68: {  	_ =	shalt  }
0x69: {  	_ =	shalt  }
0x6a: {  	_ =	shalt  }
0x6b: {  	_ =	shalt  }
0x6c: {  	_ =	shalt  }
0x6d: {  	_ =	shalt  }
0x6e: {  	_ =	shalt  }
0x6f: {  	_ =	shalt  }
0x70: {  	_ =	shalt  }
0x71: {  	_ =	shalt  }
0x72: {  	_ =	shalt  }
0x73: {  	_ =	shalt  }
0x74: {  	_ =	shalt  }
0x75: {  	_ =	shalt  }
0x76: {  	_ =	shalt  }
0x77: {  	_ =	shalt  }
0x78: {  	_ =	shalt  }
0x79: {  	_ =	shalt  }
0x7a: {  	_ =	shalt  }
0x7b: {  	_ =	shalt  }
0x7c: {  	_ =	shalt  }
0x7d: {  	_ =	shalt  }
0x7e: {  	_ =	shalt  }
0x7f: {  	_ =	shalt  }
0x80: {  	_ =	shalt  }
0x81: {  	_ =	shalt  }
0x82: {  	_ =	shalt  }
0x83: {  	_ =	shalt  }
0x84: {  	_ =	shalt  }
0x85: {  	_ =	shalt  }
0x86: {  	_ =	shalt  }
0x87: {  	_ =	shalt  }
.Lfunc_end0:
.L_simem_size_0:
called_computation.1_lowered:
.L_overlay_start_0:
0x88: {  	s2 =	sld [smem:$0x3FD9]  }
0x89: {  	s3 =	sld [smem:$0x3FFE];
	_ =	sdelay $0x1  }
0x8a: {  	s1 =	srdreg.scid  }
0x8b: {  	s0 =	sand.u32 $0x1, s1  }
0x8c: {  	s16 =	sshll.u32 s0, $0xA;
	s2 =	sadd.s32 s3, s2  }
0x8d: {  	s2 =	sadd.s32 s2, s16  }
0x8e: {  	[smem:$0x3FB9] =	sst s2  }
0x8f: {  	_ = 	snop  }
0x90: {  	(tm) =	ssettm $0x1  }
0x91: {  	s17 =	sld [smem:$0x3FFB];
	_ =	sdelay $0x3  }
0x92: {  	_ =	strace s17  }
0x93: {  	s2 =	sld [smem:$0x3FFC];
	_ =	sdelay $0x3  }
0x94: {  	_ =	strace s2  }
0x95: {  	s2 =	sld [smem:$0x3FFD];
	_ =	sdelay $0x3  }
0x96: {  	_ =	strace s2  }
0x97: {  	_ =	strace $0x8FFFFFFF  }
0x98: {  	s18 =	sld [smem:$0x3FDB];
	_ =	sdelay $0x1  }
0x99: {  	s19 =	simm.s32 $_scs_section_size  }
0x9a: {  	s4 =	simm.s32 $_size__tile_overlayer_lowered;
	s5 =	simm.s32 $_tile_overlayer_lowered  }
0x9b: {  	s22 =	simm.s32 $0x1BFF;
	s21 =	sshll.u32 s5, $0x1;
	s2 =	sadd.s32 s19, s18  }
0x9c: {  	s6 =	simm.s32 $0x0;
	s20 =	sshll.u32 s4, $0x1;
	s4 =	sadd.s32 s21, s2  }
0x9d: {  	[timem:s6], [sflag:s22] =	dma.local [hbm:s4], s20  }
0x9e: {  	_ =	swait.ge [sflag:s22], s20  }
0x9f: {  	s3 =	ssub.s32 $0x0, s20;
	[sflag:s22] =	ssyncset.done $0x0  }
0xa0: {  	[sflag:s22] =	ssyncadd.s32 s3;
	_ =	sdelay $0x1  }
0xa1: {  	s23 =	simm.s32 $0x1B8B  }
0xa2: {  	_ =	swait.ge [sflag:s23], $0x1  }
0xa3: {  	[sflag:s23] =	ssyncset.done $0x0  }
0xa4: {  	s25 =	simm.s32 $0x1B8E;
	s24 =	sld [smem:$0x3FFE];
	[sflag:s23] =	ssyncadd.s32 $0xFFFFFFFF  }
0xa5: {  	s26 =	simm.s32 $execute0_lowered;
	[smem:$0x3FD2] =	sst s25  }
0xa6: {  	s4 =	sshll.u32 s26, $0x1;
	_ =	strace $0x80000049;
	[dreg:$0x1] =	wrdreg $0xFFFFFFFF  }
0xa7: {  	s28 =	simm.s32 $_size_execute0_lowered;
	s2 =	sadd.s32 s2, s4;
	[dreg:$0x0] =	wrdreg $0x0  }
0xa8: {  	s4 =	sshll.u32 s28, $0x1;
	[dreg:$0x2] =	wrdreg s2  }
0xa9: {  	[dreg:$0x3] =	wrdreg s4  }
0xaa: {  	[dreg:$0x4] =	wrdreg $0xC0  }
0xab: {  	_ =	task [dreg:s6], $0x5FFFF  }
0xac: {  	[dreg:$0x1] =	wrdreg $0xFFFFFFFF  }
0xad: {  	[dreg:$0x0] =	wrdreg $0x60  }
0xae: {  	[dreg:$0x2] =	wrdreg s24  }
0xaf: {  	[dreg:$0x3] =	wrdreg $0xC6200  }
0xb0: {  	[dreg:$0x4] =	wrdreg $0x9  }
0xb1: {  	_ =	task.clear_ibuf [dreg:s6], $0x5FFFF;
	_ =	strace $0x90000049  }
0xb2: {  	s29 =	simm.s32 $0x9;
	_ =	strace $0x8000004B  }
0xb3: {  	_ =	swait.ge [sflag:s29], $0x1  }
0xb4: {  	[sflag:s29] =	ssyncadd.s32 $0xFFFFFFFF  }
0xb5: {  	_ =	strace $0x9000004B  }
0xb6: {  	_ =	sfence  }
0xb7: {  	s30 =	sld [smem:$0x0];
	_ =	sdelay $0x2  }
0xb8: {  	s31 =	sshll.u32 s1, $0xD;
	s1 =	sshrl.u32 s1, $0x2  }
0xb9: {  	s3 =	sand.u32 $0x4000, s31;
	s1 =	sadd.s32 s1, s30  }
0xba: {  	s0 =	sor.u32 s3, s0;
	s1 =	sshll.u32 s1, $0x11  }
0xbb: {  	s0 =	sor.u32 s1, s0  }
0xbc: {  	s0 =	sadd.s32 $0x8F2B, s0  }
0xbd: {  	[sflag:s0] =	ssyncadd.remote.s32 $0x1  }
0xbe: {  	_ =	sfence.sel $0xFFFF  }
0xbf: {  	[dreg:$0x0] =	wrdreg $0xFFFFFFFF;
	(pc) =	sbr.abs _section_cstart, $3  }
0xc0: {  	[dreg:$0x1] =	wrdreg $0xFFFFFFFF  }
0xc1: {  	_ =	task.clear_ibuf [dreg:s6], $0x2FFFF;
	_ =	strace $0x9FFFFFFF  }
0xc2: {  	(tm) =	ssettm $0x7FFFFFFF  }
0xc3: {  	_ =	shalt  }
tec
execute0_lowered:
.L_overlay_start_1:
0x0: {  	(tag) =	ssettag $0x1  }
0x1: {  	s0 =	srdreg.scid;
	s5 =	rddreg [dreg:$0x0]  }
0x2: {  	s9 =	stileid.u32;
	s2 =	rddreg [dreg:$0x1]  }
0x3: {  	s3 =	simm.s32 $0x0;
	s13 =	simm.s32 $0x12;
	s14 =	simm.s32 $0x11  }
0x4: {  	s15 =	simm.s32 $0x50;
	s30 =	simm.s32 $0x2;
	s18 =	simm.s32 $0x3  }
0x5: {  	s21 =	simm.s32 $0xE;
	s22 =	simm.s32 $0xF;
	s28 =	simm.s32 $0xB  }
0x6: {  	s29 =	simm.s32 $0xC;
	s31 =	simm.s32 $0xD;
	s0 =	sand.u32 $0x1, s0  }
0x7: {  	s1 =	sshll.u32 s9, $0x1;
	s6 =	smul.u32 $0x7530, s9;
	[smem:$0x7FF] =	sst s3  }
0x8: {  	s25 =	sshll.u32 s9, $0x6;
	s1 =	sor.u32 s0, s1;
	s4 =	smul.u32 $0x75300, s0  }
0x9: {  	_ =	strace $0x8000004A;
	s0 =	ssub.s32 $0x2, s0;
	s1 =	smul.u32 $0x2710, s1  }
0xa: {  	s8 =	sshrl.u32 s0, $0x1;
	s24 =	sshrl.u32 s6, $0x3;
	s4 =	sadd.s32 s6, s4  }
0xb: {  	s0 =	ssub.s32 s0, s8;
	s6 =	sadd.s32 s6, s2;
	s8 =	sor.u32 $0x1C12, s25  }
0xc: {  	s25 =	simm.s32 $0xA;
	s1 =	sshrl.u32 s1, $0x3;
	s7 =	sshrl.u32 s4, $0x3  }
0xd: {  	s4 =	sadd.s32 $0x16A00, s5;
	s0 =	smax.u32 s0, $0x1;
	s1 =	sadd.s32 s1, s5  }
0xe: {  	s12 =	sshrl.u32 s6, $0x3;
	[dreg:$0x7] =	wrdreg s0;
	s23 =	sadd.s32 $0x3000, s1  }
0xf: {  	s5 =	sadd.s32 s7, s5;
	s1 =	sadd.s32 $0xCC40, s1;
	[dreg:$0x3] =	wrdreg s23  }
0x10: {  	s26 =	sadd.s32 $0x25600, s5;
	[dreg:$0x4] =	wrdreg s1;
	s1 =	sadd.s32 s4, s24  }
0x11: {  	[dreg:$0x6] =	wrdreg s26;
	s26 =	simm.s32 $0x1;
	s23 =	simm.s32 $0x10  }
0x12: {  	s24 =	simm.s32 $0x9;
	[dreg:$0x5] =	wrdreg s1;
	s1 =	simm.s32 $0x0  }
.LBB2_1:
0x13: {  	s0 =	rddreg [dreg:$0x3]  }
0x14: {  	s16 =	rddreg [dreg:$0x4]  }
0x15: {  	[tilespmem:s3], [sflag:$0x11] =	stream.linear.gather [hbm4b:s0+s3], $0x2710, $0x38;
	[tilespmem:$0x13B50] =	vst v63  }
0x16: {  	s5 =	simm.s32 $0x2710;
	s17 =	rddreg [dreg:$0x5]  }
0x17: {  	[tilespmem:s5], [sflag:$0x11] =	stream.linear.gather [hbm4b:s16+s3], $0x2710, $0x38;
	[tilespmem:$0x13B50] =	vst v63  }
0x18: {  	[spmem:s12], [sflag:s8] =	dma.local [hbm:s17], $0xEA6  }
0x19: {  	_ =	swait.ge [sflag:s13], $0xEA6  }
0x1a: {  	[sflag:s13] =	ssyncset.done $0x0  }
0x1b: {  	[sflag:s13] =	ssyncadd.s32 $0xFFFFF15A  }
0x1c: {  	_ =	swait.ge [sflag:s14], $0x2710  }
0x1d: {  	[sflag:s14] =	ssyncset.done $0x0  }
0x1e: {  	[sflag:s14] =	ssyncadd.s32 $0xFFFFD8F0  }
0x1f: {  	_ =	swait.ge [sflag:s14], $0x2710  }
0x20: {  	[sflag:s14] =	ssyncset.done $0x0  }
0x21: {  	[sflag:s14] =	ssyncadd.s32 $0xFFFFD8F0  }
0x22: {  	s19 =	simm.s32 $0x4E20;
	[bflag:$0x0] =	sbarrier.arrive $0xFFFF  }
0x23: {  	[tilespmem:s19], [sflag:$0x1] =	stream.indirect.gather [hbm4b:s4+s15], $0x30, s3, s15, $0xb8;
	[tilespmem:$0x13B50] =	vst v63  }
0x24: {  	s6 =	simm.s32 $0x5D20  }
0x25: {  	[tilespmem:s6], [sflag:$0x2] =	stream.indirect.gather [hbm4b:s4+s15], $0x30, s15, s15, $0xb8;
	[tilespmem:$0x13B50] =	vst v63  }
0x26: {  	s7 =	simm.s32 $0xA0;
	s9 =	simm.s32 $0x6C20  }
0x27: {  	[tilespmem:s9], [sflag:$0x3] =	stream.indirect.gather [hbm4b:s4+s15], $0x30, s7, s15, $0xb8;
	[tilespmem:$0x13B50] =	vst v63  }
0x28: {  	s20 =	simm.s32 $0xF0;
	s10 =	simm.s32 $0x7B20  }
0x29: {  	[tilespmem:s10], [sflag:$0x4] =	stream.indirect.gather [hbm4b:s4+s15], $0x30, s20, s15, $0xb8;
	[tilespmem:$0x13B50] =	vst v63  }
0x2a: {  	s11 =	simm.s32 $0x8A20;
	s10 =	simm.s32 $0x140  }
0x2b: {  	[tilespmem:s11], [sflag:$0x5] =	stream.indirect.gather [hbm4b:s4+s15], $0x30, s10, s15, $0xb8;
	[tilespmem:$0x13B50] =	vst v63  }
0x2c: {  	s16 =	simm.s32 $0x190;
	s17 =	simm.s32 $0x9920  }
0x2d: {  	[tilespmem:s17], [sflag:$0x6] =	stream.indirect.gather [hbm4b:s4+s15], $0x30, s16, s15, $0xb8;
	[tilespmem:$0x13B50] =	vst v63  }
0x2e: {  	_ =	swait.ge [sflag:s26], $0xF00  }
0x2f: {  	[sflag:s26] =	ssyncset.done $0x0  }
0x30: {  	[sflag:s26] =	ssyncadd.s32 $0xFFFFF100  }
0x31: {  	[spmem:s2] =	stream.indirect.scatter.add.f32 [tilespmem:s19], [sflag:$0x9], $0x30, s5, s15, $0xb8;
	[tilespmem:$0x13B50] =	vst v63  }
0x32: {  	s20 =	simm.s32 $0xA820;
	s19 =	simm.s32 $0x1E0  }
0x33: {  	[tilespmem:s20], [sflag:$0x7] =	stream.indirect.gather [hbm4b:s4+s15], $0x30, s19, s15, $0xb8;
	[tilespmem:$0x13B50] =	vst v63  }
0x34: {  	_ =	swait.ge [sflag:s30], $0xF00  }
0x35: {  	p0 =	por $0x0, $0x0;
	[sflag:s30] =	ssyncset.done $0x0  }
0x36: {  	s0 =	simm.s32 $0x8;
	s7 =	simm.s32 $0x2760;
	[sflag:s30] =	ssyncadd.s32 $0xFFFFF100  }
0x37: {  	[spmem:s2] =	stream.indirect.scatter.add.f32 [tilespmem:s6], [sflag:$0xA], $0x30, s7, s15, $0xb8;
	[tilespmem:$0x13B50] =	vst v63  }
0x38: {  	s0 =	sand.u32 @!p0 $0x7, s0;
	s10 =	simm.s32 $0x230;
	s11 =	simm.s32 $0xB720  }
0x39: {  	[tilespmem:s11], [sflag:$0x8] =	stream.indirect.gather [hbm4b:s4+s15], $0x30, s10, s15, $0xb8;
	[tilespmem:$0x13B50] =	vst v63  }
0x3a: {  	s16 =	simm.s32 $0x27B0;
	s17 =	simm.s32 $0x3;
	_ =	swait.ge [sflag:s18], $0xF00  }
0x3b: {  	s5 =	simm.s32 @!p0 $0x50;
	s6 =	sadd.s32 @!p0 $0x9, s0;
	[sflag:s18] =	ssyncset.done $0x0  }
0x3c: {  	s7 =	smul.u32 @!p0 $0x3C00, s0;
	s0 =	sadd.s32 @!p0 $0x1, s0;
	[sflag:s18] =	ssyncadd.s32 $0xFFFFF100  }
0x3d: {  	[spmem:s2] =	stream.indirect.scatter.add.f32 [tilespmem:s9], [sflag:$0xB], $0x30, s16, s15, $0xb8;
	[tilespmem:$0x13B50] =	vst v63  }
0x3e: {  	s11 =	sand.u32 $0x7, s17;
	s7 =	sshrl.u32 @!p0 s7, $0x2;
	_ =	swait.ge @!p0 [sflag:s6], $0xF00  }
0x3f: {  	s7 =	sadd.s32 @!p0 $0x4E20, s7;
	s19 =	sadd.s32 $0x1, s11;
	[sflag:s6] =	ssyncset.done @!p0 $0x0  }
0x40: {  	s20 =	smul.u32 $0x3C00, s11;
	[sflag:s6] =	ssyncadd.s32 @!p0 $0xFFFFF100;
	s6 =	simm.s32 @!p0 $0x280  }
0x41: {  	[tilespmem:s7], [sflag:s0] =	stream.indirect.gather @!p0 [hbm4b:s4+s5], $0x30, s6, s5, $0xb8;
	[tilespmem:$0x13B50] =	vst v63  }
0x42: {  	s5 =	simm.s32 $0x2800;
	s0 =	simm.s32 $0x9;
	_ =	swait.ge [sflag:s19], $0xF00  }
0x43: {  	s7 =	sshrl.u32 s20, $0x2;
	s20 =	simm.s32 $0x2850;
	[sflag:s19] =	ssyncset.done $0x0  }
0x44: {  	s6 =	sadd.s32 $0x4E20, s7;
	s7 =	sadd.s32 $0x9, s11;
	[sflag:s19] =	ssyncadd.s32 $0xFFFFF100  }
.LBB2_2:
0x45: {  	[spmem:s2] =	stream.indirect.scatter.add.f32 [tilespmem:s6], [sflag:s7], $0x30, s5, s15, $0xb8;
	[tilespmem:$0x13B50] =	vst v63  }
0x46: {  	s5 =	sadd.s32 $0xFFFFFFFB, s0;
	s6 =	smov.u32 s0;
	s0 =	sadd.s32 $0x1, s0  }
0x47: {  	s7 =	sand.u32 $0x7, s5;
	p1 =	sgt.u32 s5, $0x77;
	p0 =	sne.s32 s0, $0x82  }
0x48: {  	s5 =	smov.u32 s20;
	s6 =	sand.u32 @!p1 $0x7, s6;
	s11 =	smul.u32 $0x3C00, s7  }
0x49: {  	s9 =	sadd.s32 @!p1 $0x9, s6;
	s10 =	smul.u32 @!p1 $0x3C00, s6;
	s6 =	sadd.s32 @!p1 $0x1, s6  }
0x4a: {  	s16 =	simm.s32 @!p1 $0x50;
	s17 =	sadd.s32 $0x1, s7;
	_ =	swait.ge @!p1 [sflag:s9], $0xF00  }
0x4b: {  	s19 =	sadd.s32 @!p1 $0xFFFFDA80, s20;
	s10 =	sshrl.u32 @!p1 s10, $0x2;
	[sflag:s9] =	ssyncset.done @!p1 $0x0  }
.Ltmp0:
0x4c: {  	[sflag:s9] =	ssyncadd.s32 @!p1 $0xFFFFF100;
	s9 =	sadd.s32 @!p1 $0x4E20, s10;
	(pc) =	sbr.rel @p0 .LBB2_2-.Ltmp0, $4  }
0x4d: {  	[tilespmem:s9], [sflag:s6] =	stream.indirect.gather @!p1 [hbm4b:s4+s16], $0x30, s19, s16, $0xb8;
	[tilespmem:$0x13B50] =	vst v63  }
0x4e: {  	s6 =	sshrl.u32 s11, $0x2;
	_ =	swait.ge [sflag:s17], $0xF00  }
0x4f: {  	s20 =	sadd.s32 $0x50, s20;
	[sflag:s17] =	ssyncset.done $0x0  }
0x50: {  	s7 =	sadd.s32 $0x9, s7;
	s6 =	sadd.s32 $0x4E20, s6;
	[sflag:s17] =	ssyncadd.s32 $0xFFFFF100  }
0x51: {  	[spmem:s2] =	stream.indirect.scatter.add.f32 [tilespmem:s6], [sflag:s7], $0x30, s5, s15, $0xb8;
	[tilespmem:$0x13B50] =	vst v63  }
0x52: {  	_ =	swait.ge [sflag:s21], $0xF00  }
0x53: {  	[sflag:s21] =	ssyncset.done $0x0  }
0x54: {  	[sflag:s21] =	ssyncadd.s32 $0xFFFFF100  }
0x55: {  	_ =	swait.ge [sflag:s22], $0xF00  }
0x56: {  	[sflag:s22] =	ssyncset.done $0x0  }
0x57: {  	[sflag:s22] =	ssyncadd.s32 $0xFFFFF100  }
0x58: {  	_ =	swait.ge [sflag:s23], $0xF00  }
0x59: {  	[sflag:s23] =	ssyncset.done $0x0  }
0x5a: {  	[sflag:s23] =	ssyncadd.s32 $0xFFFFF100  }
0x5b: {  	_ =	swait.ge [sflag:s24], $0xF00  }
0x5c: {  	[sflag:s24] =	ssyncset.done $0x0  }
0x5d: {  	[sflag:s24] =	ssyncadd.s32 $0xFFFFF100  }
0x5e: {  	_ =	swait.ge [sflag:s25], $0xF00  }
0x5f: {  	[sflag:s25] =	ssyncset.done $0x0  }
0x60: {  	[sflag:s25] =	ssyncadd.s32 $0xFFFFF100  }
0x61: {  	_ =	swait.ge [sflag:s28], $0xF00  }
0x62: {  	[sflag:s28] =	ssyncset.done $0x0  }
0x63: {  	[sflag:s28] =	ssyncadd.s32 $0xFFFFF100  }
0x64: {  	_ =	swait.ge [sflag:s29], $0xF00  }
0x65: {  	[sflag:s29] =	ssyncset.done $0x0  }
0x66: {  	[sflag:s29] =	ssyncadd.s32 $0xFFFFF100  }
0x67: {  	_ =	swait.ge [sflag:s31], $0xF00  }
0x68: {  	[sflag:s31] =	ssyncset.done $0x0  }
0x69: {  	[sflag:s31] =	ssyncadd.s32 $0xFFFFF100  }
0x6a: {  	[bflag:$0x0] =	sbarrier.arrive $0xFFFF  }
0x6b: {  	s0 =	rddreg [dreg:$0x6]  }
0x6c: {  	[hbm:s0], [sflag:s8] =	dma.local [spmem:s12], $0xEA6  }
0x6d: {  	_ =	swait.ge [sflag:s13], $0xEA6  }
0x6e: {  	s1 =	sadd.s32 $0x1, s1;
	s20 =	rddreg [dreg:$0x7]  }
0x6f: {  	p0 =	sne.s32 s1, s20  }
.Ltmp1:
0x70: {  	_ = 	snop;
	(pc) =	sbr.rel @p0 .LBB2_1-.Ltmp1, $3  }
0x71: {  	_ =	sdelay $0x1  }
0x72: {  	[sflag:s13] =	ssyncset.done $0x0  }
0x73: {  	[sflag:s13] =	ssyncadd.s32 $0xFFFFF15A  }
0x74: {  	_ =	sfence.sel $0x180000  }
0x75: {  	[bflag:$0x0] =	sbarrier.arrive $0xFFFF  }
0x76: {  	_ =	strace $0x9000004A  }
0x77: {  	s0 =	stileid.u32;
	[bflag:$0x2] =	sbarrier.arrive $0xFFFF  }
0x78: {  	p0 =	sne.s32 s0, $0x0;
	s0 =	rddreg [dreg:$0x2]  }
0x79: {  	s0 =	sadd.s32 @!p0 $0x100000, s0  }
0x7a: {  	[sflag:s0] =	ssyncadd.tile.s32 @!p0 $0x1;
	_ =	shalt  }
.Lfunc_end2:
_tile_overlayer_lowered:
.L_overlay_start_2:
0x7b: {  	(tag) =	ssettag $0x2  }
0x7c: {  	s0 =	rddreg [dreg:$0x0];
	s2 =	stileid.u32  }
0x7d: {  	s1 =	rddreg [dreg:$0x1];
	p0 =	sne.s32 s2, $0x0  }
0x7e: {  	s3 =	rddreg [dreg:$0x2];
	[bflag:$0x3] =	sbarrier.arrive $0xFFFF;
	s2 =	simm.s32 @!p0 $0x1C12  }
0x7f: {  	[timem:s3], [sflag:s2] =	dma.local @!p0 [hbm:s0], s1  }
0x80: {  	s0 =	simm.s32 @!p0 $0x12  }
0x81: {  	_ =	swait.ge @!p0 [sflag:s0], s1  }
0x82: {  	s1 =	ssub.s32 @!p0 $0x0, s1;
	[sflag:s0] =	ssyncset.done @!p0 $0x0  }
0x83: {  	[sflag:s0] =	ssyncadd.s32 @!p0 s1  }
0x84: {  	[bflag:$0x3] =	sbarrier.arrive $0xFFFF  }
0x85: {  	_ =	shalt  }

// kernel: kernel.14.cloned.1.call-start
scs
__scs_entry_jumppad:
0x0: {  	(pc) =	sbr.rel $0x88, $3  }
0x1: {  	(tag) =	ssettag $0x0;
	lr =	simm.s32 $0x1  }
0x2: {  	[smem:$0x3F92] =	sst lr;
	_ =	strace $0xD0000000  }
0x3: {  	_ = 	snop  }
0x4: {  	_ = 	snop  }
0x5: {  	_ = 	snop  }
0x6: {  	_ = 	snop  }
0x7: {  	_ = 	snop  }
__scs_overlays_trampoline_lowered:
0x8: {  	[smem:$0x3FA1] =	sst s0  }
0x9: {  	[smem:$0x3FA2] =	sst s1  }
0xa: {  	[smem:$0x3FA3] =	sst s2  }
0xb: {  	[smem:$0x3FA4] =	sst s3  }
0xc: {  	[smem:$0x3FA5] =	sst s4  }
0xd: {  	[smem:$0x3FA6] =	sst s5  }
0xe: {  	[smem:$0x3FA7] =	sst s6  }
0xf: {  	[smem:$0x3FA8] =	sst s7  }
0x10: {  	[smem:$0x3FA9] =	sst s8  }
0x11: {  	[smem:$0x3FAA] =	sst s9;
	s0 =	simm.s32 @!p0 $0x0  }
0x12: {  	s1 =	sld [smem:$0x3F90];
	s0 =	simm.s32 @p0 $0x1  }
0x13: {  	[smem:$0x3FAB] =	sst s0;
	s0 =	simm.s32 @!p1 $0x0  }
0x14: {  	s2 =	sld [smem:$0x3F8F];
	s0 =	simm.s32 @p1 $0x1  }
0x15: {  	[smem:$0x3FAC] =	sst s0;
	s0 =	simm.s32 @!p2 $0x0  }
0x16: {  	s3 =	sld [smem:$0x3FDB];
	s0 =	simm.s32 @p2 $0x1  }
0x17: {  	s4 =	simm.s32 $0x1BF5;
	[smem:$0x3FAE] =	sst s0  }
0x18: {  	s0 =	sld [smem:$0x3F91];
	_ =	swait.ge [sflag:s4], $0x0  }
0x19: {  	s7 =	sld [smem:$0x3F92]  }
0x1a: {  	s8 =	sadd.s32 $0xFFFFE003, lr  }
0x1b: {  	s9 =	sadd.s32 $0xFFFFFEF7, lr;
	s5 =	simm.s32 $0xFFFFFFFF;
	p2 =	slt.u32 s8, $0xFFFFF086  }
0x1c: {  	p1 =	slt.u32 s9, $0xF7A;
	s5 =	simm.s32 @!p2 $0x0  }
0x1d: {  	s5 =	simm.s32 @p1 $0x1;
	p0 =	seq.s32 s7, s2  }
0x1e: {  	s7 =	smul.u32 @!p0 $0xF7A, s2;
	p2 =	seq.s32 @!p0 s5, $0x0  }
0x1f: {  	s9 =	smul.u32 $0xF7A, s1;
	s8 =	simm.s32 @!p0 $0x1BF5;
	p2 =	por !p2, p0  }
0x20: {  	[sflag:s8] =	ssyncset.s32 @!p0 $0xFFFFF086;
	s6 =	sadd.s32 @!p0 s3, s7;
	s7 =	simm.s32 @!p0 $0x108  }
0x21: {  	s3 =	sadd.s32 s3, s9;
	s6 =	sadd.s32 @!p0 $0x88, s6;
	s7 =	simm.s32 @p2 $0x1082  }
0x22: {  	[simem:s7], [sflag:s8] =	dma.local @!p0 [hbm:s6], $0xF7A  }
0x23: {  	s9 =	sor.u32 $0xD0000000, s2;
	s6 =	simm.s32 $0x108;
	_ =	swait.ge @!p0 [sflag:s8], $0x0  }
0x24: {  	s3 =	sadd.s32 $0x88, s3;
	s6 =	simm.s32 @!p1 $0x1082;
	[sflag:s4] =	ssyncset.s32 $0xFFFFF086  }
0x25: {  	[simem:s6], [sflag:s4] =	dma.local [hbm:s3], $0xF7A  }
0x26: {  	[smem:$0x3F92] =	sst s1;
	(tag) =	ssettag s2;
	_ =	strace s9  }
0x27: {  	s1 =	sld [smem:$0x3FA2]  }
0x28: {  	s2 =	sld [smem:$0x3FA3]  }
0x29: {  	s4 =	sld [smem:$0x3FA5]  }
0x2a: {  	p0 =	seq.s32 s5, $0x0;
	s5 =	sld [smem:$0x3FA6]  }
0x2b: {  	s6 =	sld [smem:$0x3FA7]  }
0x2c: {  	s7 =	sld [smem:$0x3FA8]  }
0x2d: {  	s3 =	simm.s32 $0x108;
	s8 =	sld [smem:$0x3FA9]  }
0x2e: {  	s3 =	simm.s32 @!p0 $0x1082;
	s9 =	sld [smem:$0x3FAA]  }
0x2f: {  	lr =	sadd.s32 s0, s3;
	s0 =	sld [smem:$0x3FA1]  }
0x30: {  	s3 =	sld [smem:$0x3FA4]  }
0x31: {  	[smem:$0x3FAD] =	sst s10  }
0x32: {  	s10 =	sld [smem:$0x3FAB];
	_ =	sdelay $0x3  }
0x33: {  	p0 =	seq.s32 s10, $0x1;
	s10 =	sld [smem:$0x3FAD];
	_ =	sdelay $0x3  }
0x34: {  	[smem:$0x3FAD] =	sst s10  }
0x35: {  	s10 =	sld [smem:$0x3FAC];
	_ =	sdelay $0x3  }
0x36: {  	p1 =	seq.s32 s10, $0x1;
	s10 =	sld [smem:$0x3FAD];
	_ =	sdelay $0x3  }
0x37: {  	[smem:$0x3FAD] =	sst s10  }
0x38: {  	s10 =	sld [smem:$0x3FAE]  }
0x39: {  	_ = 	snop;
	(pc) =	sbr.ind lr, $3  }
0x3a: {  	_ = 	snop  }
0x3b: {  	_ = 	snop  }
0x3c: {  	p2 =	seq.s32 s10, $0x1;
	s10 =	sld [smem:$0x3FAD]  }
0x3d: {  	_ =	shalt  }
0x3e: {  	_ =	shalt  }
0x3f: {  	_ =	shalt  }
0x40: {  	_ =	shalt  }
0x41: {  	_ =	shalt  }
0x42: {  	_ =	shalt  }
0x43: {  	_ =	shalt  }
0x44: {  	_ =	shalt  }
0x45: {  	_ =	shalt  }
0x46: {  	_ =	shalt  }
0x47: {  	_ =	shalt  }
0x48: {  	_ =	shalt  }
0x49: {  	_ =	shalt  }
0x4a: {  	_ =	shalt  }
0x4b: {  	_ =	shalt  }
0x4c: {  	_ =	shalt  }
0x4d: {  	_ =	shalt  }
0x4e: {  	_ =	shalt  }
0x4f: {  	_ =	shalt  }
0x50: {  	_ =	shalt  }
0x51: {  	_ =	shalt  }
0x52: {  	_ =	shalt  }
0x53: {  	_ =	shalt  }
0x54: {  	_ =	shalt  }
0x55: {  	_ =	shalt  }
0x56: {  	_ =	shalt  }
0x57: {  	_ =	shalt  }
0x58: {  	_ =	shalt  }
0x59: {  	_ =	shalt  }
0x5a: {  	_ =	shalt  }
0x5b: {  	_ =	shalt  }
0x5c: {  	_ =	shalt  }
0x5d: {  	_ =	shalt  }
0x5e: {  	_ =	shalt  }
0x5f: {  	_ =	shalt  }
0x60: {  	_ =	shalt  }
0x61: {  	_ =	shalt  }
0x62: {  	_ =	shalt  }
0x63: {  	_ =	shalt  }
0x64: {  	_ =	shalt  }
0x65: {  	_ =	shalt  }
0x66: {  	_ =	shalt  }
0x67: {  	_ =	shalt  }
0x68: {  	_ =	shalt  }
0x69: {  	_ =	shalt  }
0x6a: {  	_ =	shalt  }
0x6b: {  	_ =	shalt  }
0x6c: {  	_ =	shalt  }
0x6d: {  	_ =	shalt  }
0x6e: {  	_ =	shalt  }
0x6f: {  	_ =	shalt  }
0x70: {  	_ =	shalt  }
0x71: {  	_ =	shalt  }
0x72: {  	_ =	shalt  }
0x73: {  	_ =	shalt  }
0x74: {  	_ =	shalt  }
0x75: {  	_ =	shalt  }
0x76: {  	_ =	shalt  }
0x77: {  	_ =	shalt  }
0x78: {  	_ =	shalt  }
0x79: {  	_ =	shalt  }
0x7a: {  	_ =	shalt  }
0x7b: {  	_ =	shalt  }
0x7c: {  	_ =	shalt  }
0x7d: {  	_ =	shalt  }
0x7e: {  	_ =	shalt  }
0x7f: {  	_ =	shalt  }
0x80: {  	_ =	shalt  }
0x81: {  	_ =	shalt  }
0x82: {  	_ =	shalt  }
0x83: {  	_ =	shalt  }
0x84: {  	_ =	shalt  }
0x85: {  	_ =	shalt  }
0x86: {  	_ =	shalt  }
0x87: {  	_ =	shalt  }
.Lfunc_end0:
.L_simem_size_0:
called_computation.2_lowered:
.L_overlay_start_0:
0x88: {  	s2 =	sld [smem:$0x3FD9]  }
0x89: {  	s3 =	sld [smem:$0x3FFE];
	_ =	sdelay $0x1  }
0x8a: {  	s1 =	srdreg.scid  }
0x8b: {  	s0 =	sand.u32 $0x1, s1  }
0x8c: {  	s16 =	sshll.u32 s0, $0xA;
	s2 =	sadd.s32 s3, s2  }
0x8d: {  	s2 =	sadd.s32 s2, s16  }
0x8e: {  	[smem:$0x3FB9] =	sst s2  }
0x8f: {  	_ = 	snop  }
0x90: {  	(tm) =	ssettm $0x1  }
0x91: {  	s17 =	sld [smem:$0x3FFB];
	_ =	sdelay $0x3  }
0x92: {  	_ =	strace s17  }
0x93: {  	s2 =	sld [smem:$0x3FFC];
	_ =	sdelay $0x3  }
0x94: {  	_ =	strace s2  }
0x95: {  	s2 =	sld [smem:$0x3FFD];
	_ =	sdelay $0x3  }
0x96: {  	_ =	strace s2  }
0x97: {  	_ =	strace $0x8FFFFFFF  }
0x98: {  	s18 =	sld [smem:$0x3FDB];
	_ =	sdelay $0x1  }
0x99: {  	s19 =	simm.s32 $_scs_section_size  }
0x9a: {  	s4 =	simm.s32 $_size__tile_overlayer_lowered;
	s5 =	simm.s32 $_tile_overlayer_lowered  }
0x9b: {  	s22 =	simm.s32 $0x1BFF;
	s21 =	sshll.u32 s5, $0x1;
	s2 =	sadd.s32 s19, s18  }
0x9c: {  	s6 =	simm.s32 $0x0;
	s20 =	sshll.u32 s4, $0x1;
	s4 =	sadd.s32 s21, s2  }
0x9d: {  	[timem:s6], [sflag:s22] =	dma.local [hbm:s4], s20  }
0x9e: {  	_ =	swait.ge [sflag:s22], s20  }
0x9f: {  	s3 =	ssub.s32 $0x0, s20;
	[sflag:s22] =	ssyncset.done $0x0  }
0xa0: {  	[sflag:s22] =	ssyncadd.s32 s3;
	_ =	sdelay $0x1  }
0xa1: {  	s23 =	simm.s32 $0x1B8B  }
0xa2: {  	_ =	swait.ge [sflag:s23], $0x1  }
0xa3: {  	[sflag:s23] =	ssyncset.done $0x0  }
0xa4: {  	s25 =	simm.s32 $0x1B8E;
	s24 =	sld [smem:$0x3FFE];
	[sflag:s23] =	ssyncadd.s32 $0xFFFFFFFF  }
0xa5: {  	s26 =	simm.s32 $execute0_lowered;
	[smem:$0x3FD2] =	sst s25  }
0xa6: {  	s4 =	sshll.u32 s26, $0x1;
	_ =	strace $0x8000004C;
	[dreg:$0x1] =	wrdreg $0xFFFFFFFF  }
0xa7: {  	s28 =	simm.s32 $_size_execute0_lowered;
	s2 =	sadd.s32 s2, s4;
	[dreg:$0x0] =	wrdreg $0x0  }
0xa8: {  	s4 =	sshll.u32 s28, $0x1;
	[dreg:$0x2] =	wrdreg s2  }
0xa9: {  	[dreg:$0x3] =	wrdreg s4  }
0xaa: {  	[dreg:$0x4] =	wrdreg $0xC0  }
0xab: {  	_ =	task [dreg:s6], $0x5FFFF  }
0xac: {  	[dreg:$0x1] =	wrdreg $0xFFFFFFFF  }
0xad: {  	[dreg:$0x0] =	wrdreg $0x60  }
0xae: {  	[dreg:$0x2] =	wrdreg s24  }
0xaf: {  	[dreg:$0x3] =	wrdreg $0xC6200  }
0xb0: {  	[dreg:$0x4] =	wrdreg $0x9  }
0xb1: {  	_ =	task.clear_ibuf [dreg:s6], $0x5FFFF;
	_ =	strace $0x9000004C  }
0xb2: {  	s29 =	simm.s32 $0x9;
	_ =	strace $0x8000004E  }
0xb3: {  	_ =	swait.ge [sflag:s29], $0x1  }
0xb4: {  	[sflag:s29] =	ssyncadd.s32 $0xFFFFFFFF  }
0xb5: {  	_ =	strace $0x9000004E  }
0xb6: {  	_ =	sfence  }
0xb7: {  	s30 =	sld [smem:$0x0];
	_ =	sdelay $0x2  }
0xb8: {  	s31 =	sshll.u32 s1, $0xD;
	s1 =	sshrl.u32 s1, $0x2  }
0xb9: {  	s3 =	sand.u32 $0x4000, s31;
	s1 =	sadd.s32 s1, s30  }
0xba: {  	s0 =	sor.u32 s3, s0;
	s1 =	sshll.u32 s1, $0x11  }
0xbb: {  	s0 =	sor.u32 s1, s0  }
0xbc: {  	s0 =	sadd.s32 $0x8F2B, s0  }
0xbd: {  	[sflag:s0] =	ssyncadd.remote.s32 $0x1  }
0xbe: {  	_ =	sfence.sel $0xFFFF  }
0xbf: {  	[dreg:$0x0] =	wrdreg $0xFFFFFFFF;
	(pc) =	sbr.abs _section_cstart, $3  }
0xc0: {  	[dreg:$0x1] =	wrdreg $0xFFFFFFFF  }
0xc1: {  	_ =	task.clear_ibuf [dreg:s6], $0x2FFFF;
	_ =	strace $0x9FFFFFFF  }
0xc2: {  	(tm) =	ssettm $0x7FFFFFFF  }
0xc3: {  	_ =	shalt  }
tec
execute0_lowered:
.L_overlay_start_1:
0x0: {  	(tag) =	ssettag $0x1  }
0x1: {  	s0 =	srdreg.scid;
	s5 =	rddreg [dreg:$0x0]  }
0x2: {  	s9 =	stileid.u32;
	s2 =	rddreg [dreg:$0x1]  }
0x3: {  	s3 =	simm.s32 $0x0;
	s13 =	simm.s32 $0x12;
	s14 =	simm.s32 $0x11  }
0x4: {  	s15 =	simm.s32 $0x50;
	s30 =	simm.s32 $0x2;
	s18 =	simm.s32 $0x3  }
0x5: {  	s21 =	simm.s32 $0xE;
	s22 =	simm.s32 $0xF;
	s28 =	simm.s32 $0xB  }
0x6: {  	s29 =	simm.s32 $0xC;
	s31 =	simm.s32 $0xD;
	s0 =	sand.u32 $0x1, s0  }
0x7: {  	s1 =	sshll.u32 s9, $0x1;
	s6 =	smul.u32 $0x7530, s9;
	[smem:$0x7FF] =	sst s3  }
0x8: {  	s25 =	sshll.u32 s9, $0x6;
	s1 =	sor.u32 s0, s1;
	s4 =	smul.u32 $0x75300, s0  }
0x9: {  	_ =	strace $0x8000004D;
	s0 =	ssub.s32 $0x2, s0;
	s1 =	smul.u32 $0x2710, s1  }
0xa: {  	s8 =	sshrl.u32 s0, $0x1;
	s24 =	sshrl.u32 s6, $0x3;
	s4 =	sadd.s32 s6, s4  }
0xb: {  	s0 =	ssub.s32 s0, s8;
	s6 =	sadd.s32 s6, s2;
	s8 =	sor.u32 $0x1C12, s25  }
0xc: {  	s25 =	simm.s32 $0xA;
	s1 =	sshrl.u32 s1, $0x3;
	s7 =	sshrl.u32 s4, $0x3  }
0xd: {  	s4 =	sadd.s32 $0x16A00, s5;
	s0 =	smax.u32 s0, $0x1;
	s1 =	sadd.s32 s1, s5  }
0xe: {  	s12 =	sshrl.u32 s6, $0x3;
	[dreg:$0x7] =	wrdreg s0;
	s23 =	sadd.s32 $0x3000, s1  }
0xf: {  	s5 =	sadd.s32 s7, s5;
	s1 =	sadd.s32 $0xCC40, s1;
	[dreg:$0x3] =	wrdreg s23  }
0x10: {  	s26 =	sadd.s32 $0x25600, s5;
	[dreg:$0x4] =	wrdreg s1;
	s1 =	sadd.s32 s4, s24  }
0x11: {  	[dreg:$0x6] =	wrdreg s26;
	s26 =	simm.s32 $0x1;
	s23 =	simm.s32 $0x10  }
0x12: {  	s24 =	simm.s32 $0x9;
	[dreg:$0x5] =	wrdreg s1;
	s1 =	simm.s32 $0x0  }
.LBB2_1:
0x13: {  	s0 =	rddreg [dreg:$0x3]  }
0x14: {  	s16 =	rddreg [dreg:$0x4]  }
0x15: {  	[tilespmem:s3], [sflag:$0x11] =	stream.linear.gather [hbm4b:s0+s3], $0x2710, $0x38;
	[tilespmem:$0x13B50] =	vst v63  }
0x16: {  	s5 =	simm.s32 $0x2710;
	s17 =	rddreg [dreg:$0x5]  }
0x17: {  	[tilespmem:s5], [sflag:$0x11] =	stream.linear.gather [hbm4b:s16+s3], $0x2710, $0x38;
	[tilespmem:$0x13B50] =	vst v63  }
0x18: {  	[spmem:s12], [sflag:s8] =	dma.local [hbm:s17], $0xEA6  }
0x19: {  	_ =	swait.ge [sflag:s13], $0xEA6  }
0x1a: {  	[sflag:s13] =	ssyncset.done $0x0  }
0x1b: {  	[sflag:s13] =	ssyncadd.s32 $0xFFFFF15A  }
0x1c: {  	_ =	swait.ge [sflag:s14], $0x2710  }
0x1d: {  	[sflag:s14] =	ssyncset.done $0x0  }
0x1e: {  	[sflag:s14] =	ssyncadd.s32 $0xFFFFD8F0  }
0x1f: {  	_ =	swait.ge [sflag:s14], $0x2710  }
0x20: {  	[sflag:s14] =	ssyncset.done $0x0  }
0x21: {  	[sflag:s14] =	ssyncadd.s32 $0xFFFFD8F0  }
0x22: {  	s19 =	simm.s32 $0x4E20;
	[bflag:$0x0] =	sbarrier.arrive $0xFFFF  }
0x23: {  	[tilespmem:s19], [sflag:$0x1] =	stream.indirect.gather [hbm4b:s4+s15], $0x30, s3, s15, $0xb8;
	[tilespmem:$0x13B50] =	vst v63  }
0x24: {  	s6 =	simm.s32 $0x5D20  }
0x25: {  	[tilespmem:s6], [sflag:$0x2] =	stream.indirect.gather [hbm4b:s4+s15], $0x30, s15, s15, $0xb8;
	[tilespmem:$0x13B50] =	vst v63  }
0x26: {  	s7 =	simm.s32 $0xA0;
	s9 =	simm.s32 $0x6C20  }
0x27: {  	[tilespmem:s9], [sflag:$0x3] =	stream.indirect.gather [hbm4b:s4+s15], $0x30, s7, s15, $0xb8;
	[tilespmem:$0x13B50] =	vst v63  }
0x28: {  	s20 =	simm.s32 $0xF0;
	s10 =	simm.s32 $0x7B20  }
0x29: {  	[tilespmem:s10], [sflag:$0x4] =	stream.indirect.gather [hbm4b:s4+s15], $0x30, s20, s15, $0xb8;
	[tilespmem:$0x13B50] =	vst v63  }
0x2a: {  	s11 =	simm.s32 $0x8A20;
	s10 =	simm.s32 $0x140  }
0x2b: {  	[tilespmem:s11], [sflag:$0x5] =	stream.indirect.gather [hbm4b:s4+s15], $0x30, s10, s15, $0xb8;
	[tilespmem:$0x13B50] =	vst v63  }
0x2c: {  	s16 =	simm.s32 $0x190;
	s17 =	simm.s32 $0x9920  }
0x2d: {  	[tilespmem:s17], [sflag:$0x6] =	stream.indirect.gather [hbm4b:s4+s15], $0x30, s16, s15, $0xb8;
	[tilespmem:$0x13B50] =	vst v63  }
0x2e: {  	_ =	swait.ge [sflag:s26], $0xF00  }
0x2f: {  	[sflag:s26] =	ssyncset.done $0x0  }
0x30: {  	[sflag:s26] =	ssyncadd.s32 $0xFFFFF100  }
0x31: {  	[spmem:s2] =	stream.indirect.scatter.add.f32 [tilespmem:s19], [sflag:$0x9], $0x30, s5, s15, $0xb8;
	[tilespmem:$0x13B50] =	vst v63  }
0x32: {  	s20 =	simm.s32 $0xA820;
	s19 =	simm.s32 $0x1E0  }
0x33: {  	[tilespmem:s20], [sflag:$0x7] =	stream.indirect.gather [hbm4b:s4+s15], $0x30, s19, s15, $0xb8;
	[tilespmem:$0x13B50] =	vst v63  }
0x34: {  	_ =	swait.ge [sflag:s30], $0xF00  }
0x35: {  	p0 =	por $0x0, $0x0;
	[sflag:s30] =	ssyncset.done $0x0  }
0x36: {  	s0 =	simm.s32 $0x8;
	s7 =	simm.s32 $0x2760;
	[sflag:s30] =	ssyncadd.s32 $0xFFFFF100  }
0x37: {  	[spmem:s2] =	stream.indirect.scatter.add.f32 [tilespmem:s6], [sflag:$0xA], $0x30, s7, s15, $0xb8;
	[tilespmem:$0x13B50] =	vst v63  }
0x38: {  	s0 =	sand.u32 @!p0 $0x7, s0;
	s10 =	simm.s32 $0x230;
	s11 =	simm.s32 $0xB720  }
0x39: {  	[tilespmem:s11], [sflag:$0x8] =	stream.indirect.gather [hbm4b:s4+s15], $0x30, s10, s15, $0xb8;
	[tilespmem:$0x13B50] =	vst v63  }
0x3a: {  	s16 =	simm.s32 $0x27B0;
	s17 =	simm.s32 $0x3;
	_ =	swait.ge [sflag:s18], $0xF00  }
0x3b: {  	s5 =	simm.s32 @!p0 $0x50;
	s6 =	sadd.s32 @!p0 $0x9, s0;
	[sflag:s18] =	ssyncset.done $0x0  }
0x3c: {  	s7 =	smul.u32 @!p0 $0x3C00, s0;
	s0 =	sadd.s32 @!p0 $0x1, s0;
	[sflag:s18] =	ssyncadd.s32 $0xFFFFF100  }
0x3d: {  	[spmem:s2] =	stream.indirect.scatter.add.f32 [tilespmem:s9], [sflag:$0xB], $0x30, s16, s15, $0xb8;
	[tilespmem:$0x13B50] =	vst v63  }
0x3e: {  	s11 =	sand.u32 $0x7, s17;
	s7 =	sshrl.u32 @!p0 s7, $0x2;
	_ =	swait.ge @!p0 [sflag:s6], $0xF00  }
0x3f: {  	s7 =	sadd.s32 @!p0 $0x4E20, s7;
	s19 =	sadd.s32 $0x1, s11;
	[sflag:s6] =	ssyncset.done @!p0 $0x0  }
0x40: {  	s20 =	smul.u32 $0x3C00, s11;
	[sflag:s6] =	ssyncadd.s32 @!p0 $0xFFFFF100;
	s6 =	simm.s32 @!p0 $0x280  }
0x41: {  	[tilespmem:s7], [sflag:s0] =	stream.indirect.gather @!p0 [hbm4b:s4+s5], $0x30, s6, s5, $0xb8;
	[tilespmem:$0x13B50] =	vst v63  }
0x42: {  	s5 =	simm.s32 $0x2800;
	s0 =	simm.s32 $0x9;
	_ =	swait.ge [sflag:s19], $0xF00  }
0x43: {  	s7 =	sshrl.u32 s20, $0x2;
	s20 =	simm.s32 $0x2850;
	[sflag:s19] =	ssyncset.done $0x0  }
0x44: {  	s6 =	sadd.s32 $0x4E20, s7;
	s7 =	sadd.s32 $0x9, s11;
	[sflag:s19] =	ssyncadd.s32 $0xFFFFF100  }
.LBB2_2:
0x45: {  	[spmem:s2] =	stream.indirect.scatter.add.f32 [tilespmem:s6], [sflag:s7], $0x30, s5, s15, $0xb8;
	[tilespmem:$0x13B50] =	vst v63  }
0x46: {  	s5 =	sadd.s32 $0xFFFFFFFB, s0;
	s6 =	smov.u32 s0;
	s0 =	sadd.s32 $0x1, s0  }
0x47: {  	s7 =	sand.u32 $0x7, s5;
	p1 =	sgt.u32 s5, $0x77;
	p0 =	sne.s32 s0, $0x82  }
0x48: {  	s5 =	smov.u32 s20;
	s6 =	sand.u32 @!p1 $0x7, s6;
	s11 =	smul.u32 $0x3C00, s7  }
0x49: {  	s9 =	sadd.s32 @!p1 $0x9, s6;
	s10 =	smul.u32 @!p1 $0x3C00, s6;
	s6 =	sadd.s32 @!p1 $0x1, s6  }
0x4a: {  	s16 =	simm.s32 @!p1 $0x50;
	s17 =	sadd.s32 $0x1, s7;
	_ =	swait.ge @!p1 [sflag:s9], $0xF00  }
0x4b: {  	s19 =	sadd.s32 @!p1 $0xFFFFDA80, s20;
	s10 =	sshrl.u32 @!p1 s10, $0x2;
	[sflag:s9] =	ssyncset.done @!p1 $0x0  }
.Ltmp0:
0x4c: {  	[sflag:s9] =	ssyncadd.s32 @!p1 $0xFFFFF100;
	s9 =	sadd.s32 @!p1 $0x4E20, s10;
	(pc) =	sbr.rel @p0 .LBB2_2-.Ltmp0, $4  }
0x4d: {  	[tilespmem:s9], [sflag:s6] =	stream.indirect.gather @!p1 [hbm4b:s4+s16], $0x30, s19, s16, $0xb8;
	[tilespmem:$0x13B50] =	vst v63  }
0x4e: {  	s6 =	sshrl.u32 s11, $0x2;
	_ =	swait.ge [sflag:s17], $0xF00  }
0x4f: {  	s20 =	sadd.s32 $0x50, s20;
	[sflag:s17] =	ssyncset.done $0x0  }
0x50: {  	s7 =	sadd.s32 $0x9, s7;
	s6 =	sadd.s32 $0x4E20, s6;
	[sflag:s17] =	ssyncadd.s32 $0xFFFFF100  }
0x51: {  	[spmem:s2] =	stream.indirect.scatter.add.f32 [tilespmem:s6], [sflag:s7], $0x30, s5, s15, $0xb8;
	[tilespmem:$0x13B50] =	vst v63  }
0x52: {  	_ =	swait.ge [sflag:s21], $0xF00  }
0x53: {  	[sflag:s21] =	ssyncset.done $0x0  }
0x54: {  	[sflag:s21] =	ssyncadd.s32 $0xFFFFF100  }
0x55: {  	_ =	swait.ge [sflag:s22], $0xF00  }
0x56: {  	[sflag:s22] =	ssyncset.done $0x0  }
0x57: {  	[sflag:s22] =	ssyncadd.s32 $0xFFFFF100  }
0x58: {  	_ =	swait.ge [sflag:s23], $0xF00  }
0x59: {  	[sflag:s23] =	ssyncset.done $0x0  }
0x5a: {  	[sflag:s23] =	ssyncadd.s32 $0xFFFFF100  }
0x5b: {  	_ =	swait.ge [sflag:s24], $0xF00  }
0x5c: {  	[sflag:s24] =	ssyncset.done $0x0  }
0x5d: {  	[sflag:s24] =	ssyncadd.s32 $0xFFFFF100  }
0x5e: {  	_ =	swait.ge [sflag:s25], $0xF00  }
0x5f: {  	[sflag:s25] =	ssyncset.done $0x0  }
0x60: {  	[sflag:s25] =	ssyncadd.s32 $0xFFFFF100  }
0x61: {  	_ =	swait.ge [sflag:s28], $0xF00  }
0x62: {  	[sflag:s28] =	ssyncset.done $0x0  }
0x63: {  	[sflag:s28] =	ssyncadd.s32 $0xFFFFF100  }
0x64: {  	_ =	swait.ge [sflag:s29], $0xF00  }
0x65: {  	[sflag:s29] =	ssyncset.done $0x0  }
0x66: {  	[sflag:s29] =	ssyncadd.s32 $0xFFFFF100  }
0x67: {  	_ =	swait.ge [sflag:s31], $0xF00  }
0x68: {  	[sflag:s31] =	ssyncset.done $0x0  }
0x69: {  	[sflag:s31] =	ssyncadd.s32 $0xFFFFF100  }
0x6a: {  	[bflag:$0x0] =	sbarrier.arrive $0xFFFF  }
0x6b: {  	s0 =	rddreg [dreg:$0x6]  }
0x6c: {  	[hbm:s0], [sflag:s8] =	dma.local [spmem:s12], $0xEA6  }
0x6d: {  	_ =	swait.ge [sflag:s13], $0xEA6  }
0x6e: {  	s1 =	sadd.s32 $0x1, s1;
	s20 =	rddreg [dreg:$0x7]  }
0x6f: {  	p0 =	sne.s32 s1, s20  }
.Ltmp1:
0x70: {  	_ = 	snop;
	(pc) =	sbr.rel @p0 .LBB2_1-.Ltmp1, $3  }
0x71: {  	_ =	sdelay $0x1  }
0x72: {  	[sflag:s13] =	ssyncset.done $0x0  }
0x73: {  	[sflag:s13] =	ssyncadd.s32 $0xFFFFF15A  }
0x74: {  	_ =	sfence.sel $0x180000  }
0x75: {  	[bflag:$0x0] =	sbarrier.arrive $0xFFFF  }
0x76: {  	_ =	strace $0x9000004D  }
0x77: {  	s0 =	stileid.u32;
	[bflag:$0x2] =	sbarrier.arrive $0xFFFF  }
0x78: {  	p0 =	sne.s32 s0, $0x0;
	s0 =	rddreg [dreg:$0x2]  }
0x79: {  	s0 =	sadd.s32 @!p0 $0x100000, s0  }
0x7a: {  	[sflag:s0] =	ssyncadd.tile.s32 @!p0 $0x1;
	_ =	shalt  }
.Lfunc_end2:
_tile_overlayer_lowered:
.L_overlay_start_2:
0x7b: {  	(tag) =	ssettag $0x2  }
0x7c: {  	s0 =	rddreg [dreg:$0x0];
	s2 =	stileid.u32  }
0x7d: {  	s1 =	rddreg [dreg:$0x1];
	p0 =	sne.s32 s2, $0x0  }
0x7e: {  	s3 =	rddreg [dreg:$0x2];
	[bflag:$0x3] =	sbarrier.arrive $0xFFFF;
	s2 =	simm.s32 @!p0 $0x1C12  }
0x7f: {  	[timem:s3], [sflag:s2] =	dma.local @!p0 [hbm:s0], s1  }
0x80: {  	s0 =	simm.s32 @!p0 $0x12  }
0x81: {  	_ =	swait.ge @!p0 [sflag:s0], s1  }
0x82: {  	s1 =	ssub.s32 @!p0 $0x0, s1;
	[sflag:s0] =	ssyncset.done @!p0 $0x0  }
0x83: {  	[sflag:s0] =	ssyncadd.s32 @!p0 s1  }
0x84: {  	[bflag:$0x3] =	sbarrier.arrive $0xFFFF  }
0x85: {  	_ =	shalt  }

// kernel: kernel.8.cloned.1.call-start
scs
__scs_entry_jumppad:
0x0: {  	(pc) =	sbr.rel $0x88, $3  }
0x1: {  	(tag) =	ssettag $0x0;
	lr =	simm.s32 $0x1  }
0x2: {  	[smem:$0x3F92] =	sst lr;
	_ =	strace $0xD0000000  }
0x3: {  	_ = 	snop  }
0x4: {  	_ = 	snop  }
0x5: {  	_ = 	snop  }
0x6: {  	_ = 	snop  }
0x7: {  	_ = 	snop  }
__scs_overlays_trampoline_lowered:
0x8: {  	[smem:$0x3FA1] =	sst s0  }
0x9: {  	[smem:$0x3FA2] =	sst s1  }
0xa: {  	[smem:$0x3FA3] =	sst s2  }
0xb: {  	[smem:$0x3FA4] =	sst s3  }
0xc: {  	[smem:$0x3FA5] =	sst s4  }
0xd: {  	[smem:$0x3FA6] =	sst s5  }
0xe: {  	[smem:$0x3FA7] =	sst s6  }
0xf: {  	[smem:$0x3FA8] =	sst s7  }
0x10: {  	[smem:$0x3FA9] =	sst s8  }
0x11: {  	[smem:$0x3FAA] =	sst s9;
	s0 =	simm.s32 @!p0 $0x0  }
0x12: {  	s1 =	sld [smem:$0x3F90];
	s0 =	simm.s32 @p0 $0x1  }
0x13: {  	[smem:$0x3FAB] =	sst s0;
	s0 =	simm.s32 @!p1 $0x0  }
0x14: {  	s2 =	sld [smem:$0x3F8F];
	s0 =	simm.s32 @p1 $0x1  }
0x15: {  	[smem:$0x3FAC] =	sst s0;
	s0 =	simm.s32 @!p2 $0x0  }
0x16: {  	s3 =	sld [smem:$0x3FDB];
	s0 =	simm.s32 @p2 $0x1  }
0x17: {  	s4 =	simm.s32 $0x1BF5;
	[smem:$0x3FAE] =	sst s0  }
0x18: {  	s0 =	sld [smem:$0x3F91];
	_ =	swait.ge [sflag:s4], $0x0  }
0x19: {  	s7 =	sld [smem:$0x3F92]  }
0x1a: {  	s8 =	sadd.s32 $0xFFFFE003, lr  }
0x1b: {  	s9 =	sadd.s32 $0xFFFFFEF7, lr;
	s5 =	simm.s32 $0xFFFFFFFF;
	p2 =	slt.u32 s8, $0xFFFFF086  }
0x1c: {  	p1 =	slt.u32 s9, $0xF7A;
	s5 =	simm.s32 @!p2 $0x0  }
0x1d: {  	s5 =	simm.s32 @p1 $0x1;
	p0 =	seq.s32 s7, s2  }
0x1e: {  	s7 =	smul.u32 @!p0 $0xF7A, s2;
	p2 =	seq.s32 @!p0 s5, $0x0  }
0x1f: {  	s9 =	smul.u32 $0xF7A, s1;
	s8 =	simm.s32 @!p0 $0x1BF5;
	p2 =	por !p2, p0  }
0x20: {  	[sflag:s8] =	ssyncset.s32 @!p0 $0xFFFFF086;
	s6 =	sadd.s32 @!p0 s3, s7;
	s7 =	simm.s32 @!p0 $0x108  }
0x21: {  	s3 =	sadd.s32 s3, s9;
	s6 =	sadd.s32 @!p0 $0x88, s6;
	s7 =	simm.s32 @p2 $0x1082  }
0x22: {  	[simem:s7], [sflag:s8] =	dma.local @!p0 [hbm:s6], $0xF7A  }
0x23: {  	s9 =	sor.u32 $0xD0000000, s2;
	s6 =	simm.s32 $0x108;
	_ =	swait.ge @!p0 [sflag:s8], $0x0  }
0x24: {  	s3 =	sadd.s32 $0x88, s3;
	s6 =	simm.s32 @!p1 $0x1082;
	[sflag:s4] =	ssyncset.s32 $0xFFFFF086  }
0x25: {  	[simem:s6], [sflag:s4] =	dma.local [hbm:s3], $0xF7A  }
0x26: {  	[smem:$0x3F92] =	sst s1;
	(tag) =	ssettag s2;
	_ =	strace s9  }
0x27: {  	s1 =	sld [smem:$0x3FA2]  }
0x28: {  	s2 =	sld [smem:$0x3FA3]  }
0x29: {  	s4 =	sld [smem:$0x3FA5]  }
0x2a: {  	p0 =	seq.s32 s5, $0x0;
	s5 =	sld [smem:$0x3FA6]  }
0x2b: {  	s6 =	sld [smem:$0x3FA7]  }
0x2c: {  	s7 =	sld [smem:$0x3FA8]  }
0x2d: {  	s3 =	simm.s32 $0x108;
	s8 =	sld [smem:$0x3FA9]  }
0x2e: {  	s3 =	simm.s32 @!p0 $0x1082;
	s9 =	sld [smem:$0x3FAA]  }
0x2f: {  	lr =	sadd.s32 s0, s3;
	s0 =	sld [smem:$0x3FA1]  }
0x30: {  	s3 =	sld [smem:$0x3FA4]  }
0x31: {  	[smem:$0x3FAD] =	sst s10  }
0x32: {  	s10 =	sld [smem:$0x3FAB];
	_ =	sdelay $0x3  }
0x33: {  	p0 =	seq.s32 s10, $0x1;
	s10 =	sld [smem:$0x3FAD];
	_ =	sdelay $0x3  }
0x34: {  	[smem:$0x3FAD] =	sst s10  }
0x35: {  	s10 =	sld [smem:$0x3FAC];
	_ =	sdelay $0x3  }
0x36: {  	p1 =	seq.s32 s10, $0x1;
	s10 =	sld [smem:$0x3FAD];
	_ =	sdelay $0x3  }
0x37: {  	[smem:$0x3FAD] =	sst s10  }
0x38: {  	s10 =	sld [smem:$0x3FAE]  }
0x39: {  	_ = 	snop;
	(pc) =	sbr.ind lr, $3  }
0x3a: {  	_ = 	snop  }
0x3b: {  	_ = 	snop  }
0x3c: {  	p2 =	seq.s32 s10, $0x1;
	s10 =	sld [smem:$0x3FAD]  }
0x3d: {  	_ =	shalt  }
0x3e: {  	_ =	shalt  }
0x3f: {  	_ =	shalt  }
0x40: {  	_ =	shalt  }
0x41: {  	_ =	shalt  }
0x42: {  	_ =	shalt  }
0x43: {  	_ =	shalt  }
0x44: {  	_ =	shalt  }
0x45: {  	_ =	shalt  }
0x46: {  	_ =	shalt  }
0x47: {  	_ =	shalt  }
0x48: {  	_ =	shalt  }
0x49: {  	_ =	shalt  }
0x4a: {  	_ =	shalt  }
0x4b: {  	_ =	shalt  }
0x4c: {  	_ =	shalt  }
0x4d: {  	_ =	shalt  }
0x4e: {  	_ =	shalt  }
0x4f: {  	_ =	shalt  }
0x50: {  	_ =	shalt  }
0x51: {  	_ =	shalt  }
0x52: {  	_ =	shalt  }
0x53: {  	_ =	shalt  }
0x54: {  	_ =	shalt  }
0x55: {  	_ =	shalt  }
0x56: {  	_ =	shalt  }
0x57: {  	_ =	shalt  }
0x58: {  	_ =	shalt  }
0x59: {  	_ =	shalt  }
0x5a: {  	_ =	shalt  }
0x5b: {  	_ =	shalt  }
0x5c: {  	_ =	shalt  }
0x5d: {  	_ =	shalt  }
0x5e: {  	_ =	shalt  }
0x5f: {  	_ =	shalt  }
0x60: {  	_ =	shalt  }
0x61: {  	_ =	shalt  }
0x62: {  	_ =	shalt  }
0x63: {  	_ =	shalt  }
0x64: {  	_ =	shalt  }
0x65: {  	_ =	shalt  }
0x66: {  	_ =	shalt  }
0x67: {  	_ =	shalt  }
0x68: {  	_ =	shalt  }
0x69: {  	_ =	shalt  }
0x6a: {  	_ =	shalt  }
0x6b: {  	_ =	shalt  }
0x6c: {  	_ =	shalt  }
0x6d: {  	_ =	shalt  }
0x6e: {  	_ =	shalt  }
0x6f: {  	_ =	shalt  }
0x70: {  	_ =	shalt  }
0x71: {  	_ =	shalt  }
0x72: {  	_ =	shalt  }
0x73: {  	_ =	shalt  }
0x74: {  	_ =	shalt  }
0x75: {  	_ =	shalt  }
0x76: {  	_ =	shalt  }
0x77: {  	_ =	shalt  }
0x78: {  	_ =	shalt  }
0x79: {  	_ =	shalt  }
0x7a: {  	_ =	shalt  }
0x7b: {  	_ =	shalt  }
0x7c: {  	_ =	shalt  }
0x7d: {  	_ =	shalt  }
0x7e: {  	_ =	shalt  }
0x7f: {  	_ =	shalt  }
0x80: {  	_ =	shalt  }
0x81: {  	_ =	shalt  }
0x82: {  	_ =	shalt  }
0x83: {  	_ =	shalt  }
0x84: {  	_ =	shalt  }
0x85: {  	_ =	shalt  }
0x86: {  	_ =	shalt  }
0x87: {  	_ =	shalt  }
.Lfunc_end0:
.L_simem_size_0:
called_computation_lowered:
.L_overlay_start_0:
0x88: {  	s2 =	sld [smem:$0x3FD9]  }
0x89: {  	s3 =	sld [smem:$0x3FFE];
	_ =	sdelay $0x1  }
0x8a: {  	s1 =	srdreg.scid  }
0x8b: {  	s0 =	sand.u32 $0x1, s1  }
0x8c: {  	s16 =	sshll.u32 s0, $0xA;
	s2 =	sadd.s32 s3, s2  }
0x8d: {  	s2 =	sadd.s32 s2, s16  }
0x8e: {  	[smem:$0x3FB9] =	sst s2  }
0x8f: {  	_ = 	snop  }
0x90: {  	(tm) =	ssettm $0x1  }
0x91: {  	s17 =	sld [smem:$0x3FFB];
	_ =	sdelay $0x3  }
0x92: {  	_ =	strace s17  }
0x93: {  	s2 =	sld [smem:$0x3FFC];
	_ =	sdelay $0x3  }
0x94: {  	_ =	strace s2  }
0x95: {  	s2 =	sld [smem:$0x3FFD];
	_ =	sdelay $0x3  }
0x96: {  	_ =	strace s2  }
0x97: {  	_ =	strace $0x8FFFFFFF  }
0x98: {  	s18 =	sld [smem:$0x3FDB];
	_ =	sdelay $0x1  }
0x99: {  	s19 =	simm.s32 $_scs_section_size  }
0x9a: {  	s4 =	simm.s32 $_size__tile_overlayer_lowered;
	s5 =	simm.s32 $_tile_overlayer_lowered  }
0x9b: {  	s22 =	simm.s32 $0x1BFF;
	s21 =	sshll.u32 s5, $0x1;
	s2 =	sadd.s32 s19, s18  }
0x9c: {  	s6 =	simm.s32 $0x0;
	s20 =	sshll.u32 s4, $0x1;
	s4 =	sadd.s32 s21, s2  }
0x9d: {  	[timem:s6], [sflag:s22] =	dma.local [hbm:s4], s20  }
0x9e: {  	_ =	swait.ge [sflag:s22], s20  }
0x9f: {  	s3 =	ssub.s32 $0x0, s20;
	[sflag:s22] =	ssyncset.done $0x0  }
0xa0: {  	[sflag:s22] =	ssyncadd.s32 s3;
	_ =	sdelay $0x1  }
0xa1: {  	s23 =	simm.s32 $0x1B8B  }
0xa2: {  	_ =	swait.ge [sflag:s23], $0x1  }
0xa3: {  	[sflag:s23] =	ssyncset.done $0x0  }
0xa4: {  	s25 =	simm.s32 $0x1B8E;
	s24 =	sld [smem:$0x3FFE];
	[sflag:s23] =	ssyncadd.s32 $0xFFFFFFFF  }
0xa5: {  	s26 =	simm.s32 $execute0_lowered;
	[smem:$0x3FD2] =	sst s25  }
0xa6: {  	s4 =	sshll.u32 s26, $0x1;
	_ =	strace $0x80000046;
	[dreg:$0x1] =	wrdreg $0xFFFFFFFF  }
0xa7: {  	s28 =	simm.s32 $_size_execute0_lowered;
	s2 =	sadd.s32 s2, s4;
	[dreg:$0x0] =	wrdreg $0x0  }
0xa8: {  	s4 =	sshll.u32 s28, $0x1;
	[dreg:$0x2] =	wrdreg s2  }
0xa9: {  	[dreg:$0x3] =	wrdreg s4  }
0xaa: {  	[dreg:$0x4] =	wrdreg $0xC0  }
0xab: {  	_ =	task [dreg:s6], $0x5FFFF  }
0xac: {  	[dreg:$0x1] =	wrdreg $0xFFFFFFFF  }
0xad: {  	[dreg:$0x0] =	wrdreg $0x60  }
0xae: {  	[dreg:$0x2] =	wrdreg s24  }
0xaf: {  	[dreg:$0x3] =	wrdreg $0x27600  }
0xb0: {  	[dreg:$0x4] =	wrdreg $0x9  }
0xb1: {  	_ =	task.clear_ibuf [dreg:s6], $0x5FFFF;
	_ =	strace $0x90000046  }
0xb2: {  	s29 =	simm.s32 $0x9;
	_ =	strace $0x80000048  }
0xb3: {  	_ =	swait.ge [sflag:s29], $0x1  }
0xb4: {  	[sflag:s29] =	ssyncadd.s32 $0xFFFFFFFF  }
0xb5: {  	_ =	strace $0x90000048  }
0xb6: {  	_ =	sfence  }
0xb7: {  	s30 =	sld [smem:$0x0];
	_ =	sdelay $0x2  }
0xb8: {  	s31 =	sshll.u32 s1, $0xD;
	s1 =	sshrl.u32 s1, $0x2  }
0xb9: {  	s3 =	sand.u32 $0x4000, s31;
	s1 =	sadd.s32 s1, s30  }
0xba: {  	s0 =	sor.u32 s3, s0;
	s1 =	sshll.u32 s1, $0x11  }
0xbb: {  	s0 =	sor.u32 s1, s0  }
0xbc: {  	s0 =	sadd.s32 $0x8F2B, s0  }
0xbd: {  	[sflag:s0] =	ssyncadd.remote.s32 $0x1  }
0xbe: {  	_ =	sfence.sel $0xFFFF  }
0xbf: {  	[dreg:$0x0] =	wrdreg $0xFFFFFFFF;
	(pc) =	sbr.abs _section_cstart, $3  }
0xc0: {  	[dreg:$0x1] =	wrdreg $0xFFFFFFFF  }
0xc1: {  	_ =	task.clear_ibuf [dreg:s6], $0x2FFFF;
	_ =	strace $0x9FFFFFFF  }
0xc2: {  	(tm) =	ssettm $0x7FFFFFFF  }
0xc3: {  	_ =	shalt  }
tec
execute0_lowered:
.L_overlay_start_1:
0x0: {  	(tag) =	ssettag $0x1  }
0x1: {  	s4 =	rddreg [dreg:$0x0]  }
0x2: {  	s2 =	rddreg [dreg:$0x1]  }
0x3: {  	s0 =	rddreg [dreg:$0x2];
	s1 =	stileid.u32  }
0x4: {  	s3 =	srdreg.scid;
	s12 =	simm.s32 $0x2710;
	s13 =	simm.s32 $0x1  }
0x5: {  	s14 =	simm.s32 $0x2580;
	s15 =	simm.s32 $0x25D0;
	s16 =	simm.s32 $0x2620  }
0x6: {  	s17 =	simm.s32 $0x2670;
	s18 =	simm.s32 $0x26C0;
	s19 =	simm.s32 $0x0  }
0x7: {  	s5 =	smul.u32 $0x3E8, s1;
	s6 =	sand.u32 $0x1, s3;
	s7 =	sshll.u32 s1, $0x1  }
0x8: {  	s3 =	simm.s32 $0x0;
	p0 =	sgt.u32 s1, $0x9;
	s8 =	smul.u32 $0x2710, s6  }
0x9: {  	s7 =	sor.u32 s6, s7;
	[smem:$0x7FF] =	sst s3;
	s6 =	ssub.s32 $0x2, s6  }
0xa: {  	s9 =	sshrl.u32 s5, $0x3;
	s7 =	smul.u32 $0x2710, s7;
	_ =	strace $0x80000047  }
0xb: {  	s10 =	sshrl.u32 s6, $0x1;
	s11 =	sadd.s32 s5, s2;
	s9 =	sadd.s32 s9, s4  }
0xc: {  	s8 =	sadd.s32 s5, s8;
	s10 =	ssub.s32 s6, s10;
	s7 =	sshrl.u32 s7, $0x3  }
0xd: {  	s8 =	sshrl.u32 s8, $0x3;
	s5 =	sadd.s32 $0x16A00, s9;
	s9 =	sshll.u32 @!p0 s1, $0x6  }
0xe: {  	s7 =	sadd.s32 s4, s7;
	s8 =	sadd.s32 s8, s4;
	s9 =	sor.u32 @!p0 $0x1C02, s9  }
0xf: {  	s4 =	sadd.s32 $0xCC40, s7;
	s6 =	sadd.s32 $0x17000, s8;
	s7 =	smax.u32 s10, $0x1  }
0x10: {  	v0 =	vimm.f32 $1.000000000e+00;
	s8 =	simm.s32 $0x2;
	s10 =	sshrl.u32 @!p0 s11, $0x3;
	s11 =	simm.s32 $0x50  }
.LBB2_1:
0x11: {  	[tilespmem:s3], [sflag:$0x2] =	stream.linear.gather [hbm4b:s4+s3], $0x2710, $0x38;
	[tilespmem:$0x29D8] =	vst v63  }
0x12: {  	_ =	swait.ge [sflag:s8], $0x2710  }
0x13: {  	[sflag:s8] =	ssyncset.done $0x0  }
0x14: {  	[sflag:s8] =	ssyncadd.s32 $0xFFFFD8F0  }
0x15: {  	[tilespmem:$0x2710] =	vst v0  }
0x16: {  	[tilespmem:$0x2720] =	vst v0  }
0x17: {  	[tilespmem:$0x2730] =	vst v0  }
0x18: {  	[tilespmem:$0x2740] =	vst v0  }
0x19: {  	s20 =	simm.s32 @!p0 $0x2;
	[tilespmem:$0x2750] =	vst v0  }
0x1a: {  	[spmem:s10], [sflag:s9] =	dma.local @!p0 [hbm:s5], $0x7D  }
0x1b: {  	_ =	swait.ge @!p0 [sflag:s20], $0x7D  }
0x1c: {  	[sflag:s20] =	ssyncset.done @!p0 $0x0  }
0x1d: {  	[sflag:s20] =	ssyncadd.s32 @!p0 $0xFFFFFF83  }
0x1e: {  	s23 =	simm.s32 $0x0;
	[bflag:$0x0] =	sbarrier.arrive $0xFFFF  }
0x1f: {  	[spmem:s2] =	stream.indirect.scatter.add.f32 [tilespmem:s12], [sflag:$0x1], $0x1, s23, s11, $0xb8;
	[tilespmem:$0x29D8] =	vst v63  }
0x20: {  	s24 =	simm.s32 $0x50  }
0x21: {  	[spmem:s2] =	stream.indirect.scatter.add.f32 [tilespmem:s12], [sflag:$0x1], $0x1, s24, s11, $0xb8;
	[tilespmem:$0x29D8] =	vst v63  }
0x22: {  	s25 =	simm.s32 $0xA0  }
0x23: {  	[spmem:s2] =	stream.indirect.scatter.add.f32 [tilespmem:s12], [sflag:$0x1], $0x1, s25, s11, $0xb8;
	[tilespmem:$0x29D8] =	vst v63  }
0x24: {  	s26 =	simm.s32 $0xF0  }
0x25: {  	[spmem:s2] =	stream.indirect.scatter.add.f32 [tilespmem:s12], [sflag:$0x1], $0x1, s26, s11, $0xb8;
	[tilespmem:$0x29D8] =	vst v63  }
0x26: {  	s28 =	simm.s32 $0x140  }
0x27: {  	[spmem:s2] =	stream.indirect.scatter.add.f32 [tilespmem:s12], [sflag:$0x1], $0x1, s28, s11, $0xb8;
	[tilespmem:$0x29D8] =	vst v63  }
0x28: {  	s29 =	simm.s32 $0x190  }
0x29: {  	[spmem:s2] =	stream.indirect.scatter.add.f32 [tilespmem:s12], [sflag:$0x1], $0x1, s29, s11, $0xb8;
	[tilespmem:$0x29D8] =	vst v63  }
0x2a: {  	s30 =	simm.s32 $0x1E0  }
0x2b: {  	[spmem:s2] =	stream.indirect.scatter.add.f32 [tilespmem:s12], [sflag:$0x1], $0x1, s30, s11, $0xb8;
	[tilespmem:$0x29D8] =	vst v63  }
0x2c: {  	s31 =	simm.s32 $0x230  }
0x2d: {  	[spmem:s2] =	stream.indirect.scatter.add.f32 [tilespmem:s12], [sflag:$0x1], $0x1, s31, s11, $0xb8;
	[tilespmem:$0x29D8] =	vst v63  }
0x2e: {  	_ =	swait.ge [sflag:s13], $0x50  }
0x2f: {  	[sflag:s13] =	ssyncset.done $0x0  }
0x30: {  	[sflag:s13] =	ssyncadd.s32 $0xFFFFFFB0  }
0x31: {  	_ =	swait.ge [sflag:s13], $0x50  }
0x32: {  	[sflag:s13] =	ssyncset.done $0x0  }
0x33: {  	[sflag:s13] =	ssyncadd.s32 $0xFFFFFFB0  }
0x34: {  	_ =	swait.ge [sflag:s13], $0x50  }
0x35: {  	[sflag:s13] =	ssyncset.done $0x0  }
0x36: {  	[sflag:s13] =	ssyncadd.s32 $0xFFFFFFB0  }
0x37: {  	_ =	swait.ge [sflag:s13], $0x50  }
0x38: {  	[sflag:s13] =	ssyncset.done $0x0  }
0x39: {  	[sflag:s13] =	ssyncadd.s32 $0xFFFFFFB0  }
0x3a: {  	_ =	swait.ge [sflag:s13], $0x50  }
0x3b: {  	[sflag:s13] =	ssyncset.done $0x0  }
0x3c: {  	[sflag:s13] =	ssyncadd.s32 $0xFFFFFFB0  }
0x3d: {  	_ =	swait.ge [sflag:s13], $0x50  }
0x3e: {  	[sflag:s13] =	ssyncset.done $0x0  }
0x3f: {  	[sflag:s13] =	ssyncadd.s32 $0xFFFFFFB0  }
0x40: {  	_ =	swait.ge [sflag:s13], $0x50  }
0x41: {  	[sflag:s13] =	ssyncset.done $0x0  }
0x42: {  	[sflag:s13] =	ssyncadd.s32 $0xFFFFFFB0  }
0x43: {  	_ =	swait.ge [sflag:s13], $0x50  }
0x44: {  	s22 =	simm.s32 $0x1400;
	s20 =	simm.s32 $0xA00;
	[sflag:s13] =	ssyncset.done $0x0  }
.LBB2_2:
0x45: {  	s23 =	sshra.s32 s20, $0x2  }
0x46: {  	[sflag:s13] =	ssyncadd.s32 $0xFFFFFFB0;
	s20 =	smov.u32 s22;
	s21 =	sadd.s32 $0xA00, s22  }
0x47: {  	[spmem:s2] =	stream.indirect.scatter.add.f32 [tilespmem:s12], [sflag:$0x1], $0x1, s23, s11, $0xb8;
	[tilespmem:$0x29D8] =	vst v63  }
0x48: {  	p1 =	sne.s32 s22, $0x8C00;
	s22 =	sadd.s32 $0x50, s23  }
0x49: {  	[spmem:s2] =	stream.indirect.scatter.add.f32 [tilespmem:s12], [sflag:$0x1], $0x1, s22, s11, $0xb8;
	[tilespmem:$0x29D8] =	vst v63  }
0x4a: {  	s22 =	sadd.s32 $0xA0, s23  }
0x4b: {  	[spmem:s2] =	stream.indirect.scatter.add.f32 [tilespmem:s12], [sflag:$0x1], $0x1, s22, s11, $0xb8;
	[tilespmem:$0x29D8] =	vst v63  }
0x4c: {  	s22 =	sadd.s32 $0xF0, s23  }
0x4d: {  	[spmem:s2] =	stream.indirect.scatter.add.f32 [tilespmem:s12], [sflag:$0x1], $0x1, s22, s11, $0xb8;
	[tilespmem:$0x29D8] =	vst v63  }
0x4e: {  	s22 =	sadd.s32 $0x140, s23  }
0x4f: {  	[spmem:s2] =	stream.indirect.scatter.add.f32 [tilespmem:s12], [sflag:$0x1], $0x1, s22, s11, $0xb8;
	[tilespmem:$0x29D8] =	vst v63  }
0x50: {  	s22 =	sadd.s32 $0x190, s23  }
0x51: {  	[spmem:s2] =	stream.indirect.scatter.add.f32 [tilespmem:s12], [sflag:$0x1], $0x1, s22, s11, $0xb8;
	[tilespmem:$0x29D8] =	vst v63  }
0x52: {  	s22 =	sadd.s32 $0x1E0, s23  }
0x53: {  	[spmem:s2] =	stream.indirect.scatter.add.f32 [tilespmem:s12], [sflag:$0x1], $0x1, s22, s11, $0xb8;
	[tilespmem:$0x29D8] =	vst v63  }
0x54: {  	s22 =	sadd.s32 $0x230, s23  }
0x55: {  	[spmem:s2] =	stream.indirect.scatter.add.f32 [tilespmem:s12], [sflag:$0x1], $0x1, s22, s11, $0xb8;
	[tilespmem:$0x29D8] =	vst v63  }
0x56: {  	_ =	swait.ge [sflag:s13], $0x50  }
0x57: {  	[sflag:s13] =	ssyncset.done $0x0  }
0x58: {  	[sflag:s13] =	ssyncadd.s32 $0xFFFFFFB0  }
0x59: {  	_ =	swait.ge [sflag:s13], $0x50  }
0x5a: {  	[sflag:s13] =	ssyncset.done $0x0  }
0x5b: {  	[sflag:s13] =	ssyncadd.s32 $0xFFFFFFB0  }
0x5c: {  	_ =	swait.ge [sflag:s13], $0x50  }
0x5d: {  	[sflag:s13] =	ssyncset.done $0x0  }
0x5e: {  	[sflag:s13] =	ssyncadd.s32 $0xFFFFFFB0  }
0x5f: {  	_ =	swait.ge [sflag:s13], $0x50  }
0x60: {  	[sflag:s13] =	ssyncset.done $0x0  }
0x61: {  	[sflag:s13] =	ssyncadd.s32 $0xFFFFFFB0  }
0x62: {  	_ =	swait.ge [sflag:s13], $0x50  }
0x63: {  	[sflag:s13] =	ssyncset.done $0x0  }
0x64: {  	[sflag:s13] =	ssyncadd.s32 $0xFFFFFFB0  }
0x65: {  	_ =	swait.ge [sflag:s13], $0x50  }
0x66: {  	[sflag:s13] =	ssyncset.done $0x0  }
0x67: {  	[sflag:s13] =	ssyncadd.s32 $0xFFFFFFB0  }
.Ltmp0:
0x68: {  	_ =	swait.ge [sflag:s13], $0x50;
	(pc) =	sbr.rel @p1 .LBB2_2-.Ltmp0, $4  }
0x69: {  	[sflag:s13] =	ssyncset.done $0x0  }
0x6a: {  	[sflag:s13] =	ssyncadd.s32 $0xFFFFFFB0  }
0x6b: {  	_ =	swait.ge [sflag:s13], $0x50  }
0x6c: {  	s22 =	smov.u32 s21;
	[sflag:s13] =	ssyncset.done $0x0  }
0x6d: {  	s20 =	sshra.s32 s20, $0x2;
	[sflag:s13] =	ssyncadd.s32 $0xFFFFFFB0  }
0x6e: {  	[spmem:s2] =	stream.indirect.scatter.add.f32 [tilespmem:s12], [sflag:$0x1], $0x1, s20, s11, $0xb8;
	[tilespmem:$0x29D8] =	vst v63  }
0x6f: {  	s21 =	sadd.s32 $0x50, s20  }
0x70: {  	[spmem:s2] =	stream.indirect.scatter.add.f32 [tilespmem:s12], [sflag:$0x1], $0x1, s21, s11, $0xb8;
	[tilespmem:$0x29D8] =	vst v63  }
0x71: {  	s26 =	sadd.s32 $0xA0, s20  }
0x72: {  	[spmem:s2] =	stream.indirect.scatter.add.f32 [tilespmem:s12], [sflag:$0x1], $0x1, s26, s11, $0xb8;
	[tilespmem:$0x29D8] =	vst v63  }
0x73: {  	s28 =	sadd.s32 $0xF0, s20  }
0x74: {  	[spmem:s2] =	stream.indirect.scatter.add.f32 [tilespmem:s12], [sflag:$0x1], $0x1, s28, s11, $0xb8;
	[tilespmem:$0x29D8] =	vst v63  }
0x75: {  	s29 =	sadd.s32 $0x140, s20  }
0x76: {  	[spmem:s2] =	stream.indirect.scatter.add.f32 [tilespmem:s12], [sflag:$0x1], $0x1, s29, s11, $0xb8;
	[tilespmem:$0x29D8] =	vst v63  }
0x77: {  	s30 =	sadd.s32 $0x190, s20  }
0x78: {  	[spmem:s2] =	stream.indirect.scatter.add.f32 [tilespmem:s12], [sflag:$0x1], $0x1, s30, s11, $0xb8;
	[tilespmem:$0x29D8] =	vst v63  }
0x79: {  	s31 =	sadd.s32 $0x1E0, s20  }
0x7a: {  	[spmem:s2] =	stream.indirect.scatter.add.f32 [tilespmem:s12], [sflag:$0x1], $0x1, s31, s11, $0xb8;
	[tilespmem:$0x29D8] =	vst v63  }
0x7b: {  	s20 =	sadd.s32 $0x230, s20  }
0x7c: {  	[spmem:s2] =	stream.indirect.scatter.add.f32 [tilespmem:s12], [sflag:$0x1], $0x1, s20, s11, $0xb8;
	[tilespmem:$0x29D8] =	vst v63  }
0x7d: {  	_ =	swait.ge [sflag:s13], $0x50  }
0x7e: {  	[sflag:s13] =	ssyncset.done $0x0  }
0x7f: {  	[sflag:s13] =	ssyncadd.s32 $0xFFFFFFB0  }
0x80: {  	_ =	swait.ge [sflag:s13], $0x50  }
0x81: {  	[sflag:s13] =	ssyncset.done $0x0  }
0x82: {  	[sflag:s13] =	ssyncadd.s32 $0xFFFFFFB0  }
0x83: {  	_ =	swait.ge [sflag:s13], $0x50  }
0x84: {  	[sflag:s13] =	ssyncset.done $0x0  }
0x85: {  	[sflag:s13] =	ssyncadd.s32 $0xFFFFFFB0  }
0x86: {  	_ =	swait.ge [sflag:s13], $0x50  }
0x87: {  	[sflag:s13] =	ssyncset.done $0x0  }
0x88: {  	[sflag:s13] =	ssyncadd.s32 $0xFFFFFFB0  }
0x89: {  	_ =	swait.ge [sflag:s13], $0x50  }
0x8a: {  	[sflag:s13] =	ssyncset.done $0x0  }
0x8b: {  	[sflag:s13] =	ssyncadd.s32 $0xFFFFFFB0  }
0x8c: {  	_ =	swait.ge [sflag:s13], $0x50  }
0x8d: {  	[sflag:s13] =	ssyncset.done $0x0  }
0x8e: {  	[sflag:s13] =	ssyncadd.s32 $0xFFFFFFB0  }
0x8f: {  	_ =	swait.ge [sflag:s13], $0x50  }
0x90: {  	[sflag:s13] =	ssyncset.done $0x0  }
0x91: {  	[sflag:s13] =	ssyncadd.s32 $0xFFFFFFB0  }
0x92: {  	_ =	swait.ge [sflag:s13], $0x50  }
0x93: {  	[sflag:s13] =	ssyncset.done $0x0  }
0x94: {  	[sflag:s13] =	ssyncadd.s32 $0xFFFFFFB0  }
0x95: {  	[spmem:s2] =	stream.indirect.scatter.add.f32 [tilespmem:s12], [sflag:$0x1], $0x1, s14, s11, $0xb8;
	[tilespmem:$0x29D8] =	vst v63  }
0x96: {  	_ = 	snop  }
0x97: {  	[spmem:s2] =	stream.indirect.scatter.add.f32 [tilespmem:s12], [sflag:$0x1], $0x1, s15, s11, $0xb8;
	[tilespmem:$0x29D8] =	vst v63  }
0x98: {  	_ = 	snop  }
0x99: {  	[spmem:s2] =	stream.indirect.scatter.add.f32 [tilespmem:s12], [sflag:$0x1], $0x1, s16, s11, $0xb8;
	[tilespmem:$0x29D8] =	vst v63  }
0x9a: {  	_ = 	snop  }
0x9b: {  	[spmem:s2] =	stream.indirect.scatter.add.f32 [tilespmem:s12], [sflag:$0x1], $0x1, s17, s11, $0xb8;
	[tilespmem:$0x29D8] =	vst v63  }
0x9c: {  	_ = 	snop  }
0x9d: {  	[spmem:s2] =	stream.indirect.scatter.add.f32 [tilespmem:s12], [sflag:$0x1], $0x1, s18, s11, $0xb8;
	[tilespmem:$0x29D8] =	vst v63  }
0x9e: {  	_ =	swait.ge [sflag:s13], $0x50  }
0x9f: {  	[sflag:s13] =	ssyncset.done $0x0  }
0xa0: {  	[sflag:s13] =	ssyncadd.s32 $0xFFFFFFB0  }
0xa1: {  	_ =	swait.ge [sflag:s13], $0x50  }
0xa2: {  	[sflag:s13] =	ssyncset.done $0x0  }
0xa3: {  	[sflag:s13] =	ssyncadd.s32 $0xFFFFFFB0  }
0xa4: {  	_ =	swait.ge [sflag:s13], $0x50  }
0xa5: {  	[sflag:s13] =	ssyncset.done $0x0  }
0xa6: {  	[sflag:s13] =	ssyncadd.s32 $0xFFFFFFB0  }
0xa7: {  	_ =	swait.ge [sflag:s13], $0x50  }
0xa8: {  	[sflag:s13] =	ssyncset.done $0x0  }
0xa9: {  	[sflag:s13] =	ssyncadd.s32 $0xFFFFFFB0  }
0xaa: {  	_ =	swait.ge [sflag:s13], $0x50  }
0xab: {  	s19 =	sadd.s32 $0x1, s19;
	[sflag:s13] =	ssyncset.done $0x0  }
0xac: {  	p1 =	sne.s32 s19, s7;
	[sflag:s13] =	ssyncadd.s32 $0xFFFFFFB0  }
.Ltmp1:
0xad: {  	s20 =	simm.s32 @!p0 $0x2;
	[bflag:$0x0] =	sbarrier.arrive $0xFFFF;
	(pc) =	sbr.rel @p1 .LBB2_1-.Ltmp1, $4  }
0xae: {  	[hbm:s6], [sflag:s9] =	dma.local @!p0 [spmem:s10], $0x7D  }
0xaf: {  	_ =	swait.ge @!p0 [sflag:s20], $0x7D  }
0xb0: {  	[sflag:s20] =	ssyncset.done @!p0 $0x0  }
0xb1: {  	[sflag:s20] =	ssyncadd.s32 @!p0 $0xFFFFFF83  }
0xb2: {  	_ =	sfence.sel $0x180000  }
0xb3: {  	[bflag:$0x0] =	sbarrier.arrive $0xFFFF  }
0xb4: {  	p0 =	sne.s32 s1, $0x0;
	_ =	strace $0x90000047  }
0xb5: {  	s0 =	sadd.s32 @!p0 $0x100000, s0;
	[bflag:$0x2] =	sbarrier.arrive $0xFFFF  }
0xb6: {  	[sflag:s0] =	ssyncadd.tile.s32 @!p0 $0x1;
	_ =	shalt  }
.Lfunc_end2:
_tile_overlayer_lowered:
.L_overlay_start_2:
0xb7: {  	(tag) =	ssettag $0x2  }
0xb8: {  	s0 =	rddreg [dreg:$0x0];
	s2 =	stileid.u32  }
0xb9: {  	s1 =	rddreg [dreg:$0x1];
	p0 =	sne.s32 s2, $0x0  }
0xba: {  	s3 =	rddreg [dreg:$0x2];
	[bflag:$0x3] =	sbarrier.arrive $0xFFFF;
	s2 =	simm.s32 @!p0 $0x1C02  }
0xbb: {  	[timem:s3], [sflag:s2] =	dma.local @!p0 [hbm:s0], s1  }
0xbc: {  	s0 =	simm.s32 @!p0 $0x2  }
0xbd: {  	_ =	swait.ge @!p0 [sflag:s0], s1  }
0xbe: {  	s1 =	ssub.s32 @!p0 $0x0, s1;
	[sflag:s0] =	ssyncset.done @!p0 $0x0  }
0xbf: {  	[sflag:s0] =	ssyncadd.s32 @!p0 s1  }
0xc0: {  	[bflag:$0x3] =	sbarrier.arrive $0xFFFF  }
0xc1: {  	_ =	shalt  }

</sc_bundles>
